<compile_context>
chip_gen: v7x
topology: tpu7x:2x2x1
jax: 0.10.2.dev20260603
libtpu: 0.0.44.dev20260713+nightly
codegen_flags: <defaults>
</compile_context>

<pallas_src>
import functools

import jax
import jax.numpy as jnp
from jax import lax
from jax.experimental import pallas as pl
from jax.experimental.pallas import tpu as pltpu
from jax.experimental.pallas import tpu_sc as plsc

VOCAB = 100000
H = 128
NP = 16
B = 1024
L = 200

NC = 2
NS = 16
NW = NC * NS
ROWS_PER_W = B // NW
CH = 40
NCH = L // CH
TCH = ROWS_PER_W * NCH
OUT_L = NP + L
NBUF = 8


def _soft_embedding_body(tokens_hbm, table_hbm, prompt_hbm, out_hbm,
                         idx_v, rows_v, prompt_v, *sems):
    gsems = sems[:NBUF]
    wsems = sems[NBUF:2 * NBUF]
    psem = sems[2 * NBUF]
    wid = lax.axis_index("s") * NC + lax.axis_index("c")
    first_row = wid * ROWS_PER_W

    pltpu.sync_copy(tokens_hbm.at[pl.ds(wid * TCH, TCH)], idx_v)
    pltpu.sync_copy(prompt_hbm, prompt_v)

    def do_block(c0, first):
        descs = []
        for k in range(NBUF):
            c = c0 + k
            if not first:
                pltpu.make_async_copy(
                    rows_v.at[k], out_hbm.at[pl.ds(0, CH)], wsems[k]).wait()
            descs.append(pltpu.async_copy(
                table_hbm.at[idx_v.at[c]], rows_v.at[k], gsems[k]))

            @pl.when(c % NCH == 0)
            def _():
                pltpu.async_copy(
                    prompt_v,
                    out_hbm.at[pl.ds((first_row + c // NCH) * OUT_L, NP)],
                    psem)

        for k in range(NBUF):
            c = c0 + k
            descs[k].wait()
            b = first_row + c // NCH
            base = b * OUT_L + NP + (c % NCH) * CH
            pltpu.async_copy(
                rows_v.at[k], out_hbm.at[pl.ds(base, CH)], wsems[k])

    do_block(0, True)

    @pl.loop(NBUF, TCH, step=NBUF)
    def _block(c0):
        do_block(c0, False)

    for k in range(NBUF):
        pltpu.make_async_copy(
            rows_v.at[k], out_hbm.at[pl.ds(0, CH)], wsems[k]).wait()

    @pl.loop(0, ROWS_PER_W)
    def _drain_prompt(i):
        pltpu.make_async_copy(
            prompt_v, out_hbm.at[pl.ds(0, NP)], psem).wait()


@jax.jit
def _soft_embedding(tokens2, table, prompt_embeds):
    mesh = plsc.VectorSubcoreMesh(
        core_axis_name="c", subcore_axis_name="s",
        num_cores=NC, num_subcores=NS)
    flat = pl.kernel(
        _soft_embedding_body,
        out_type=jax.ShapeDtypeStruct((B * OUT_L, H), jnp.float32),
        mesh=mesh,
        scratch_types=(
            [pltpu.VMEM((TCH, CH), jnp.int32),
             pltpu.VMEM((NBUF, CH, H), jnp.float32),
             pltpu.VMEM((NP, H), jnp.float32)]
            + [pltpu.SemaphoreType.DMA] * (2 * NBUF + 1)
        ),
    )(tokens2, table, prompt_embeds)
    return flat.reshape(B, OUT_L, H)


def kernel(tokens, table, prompt_embeds):
    tokens2 = tokens.astype(jnp.int32).reshape(B * L // CH, CH)
    return _soft_embedding(tokens2, table, prompt_embeds)

# --- scband reference (transcript-rebuilt; emitter-appended) ---
"""Pipeline reference for scband-soft-embedding-75574244540593 (READ-ONLY COPY).

The authoritative reference and input builder live on the scoring server;
editing this copy changes nothing except your own understanding.
"""

import jax, jax.numpy as jnp
import numpy as np

VOCAB = 100000
H = 128
N_PROMPTS = 16
B = 1024
L = 200


def setup_inputs(seed: int = 0) -> dict:
    key = jax.random.key(seed)
    k1, k2, k3 = jax.random.split(key, 3)
    tokens = jax.random.randint(k1, (B, L), 0, VOCAB)
    table = jax.random.normal(k2, (VOCAB, H), dtype=jnp.float32) * 0.02
    prompt_embeds = jax.random.normal(k3, (N_PROMPTS, H), dtype=jnp.float32)
    return {"tokens": tokens, "table": table, "prompt_embeds": prompt_embeds}


def reference(tokens, table, prompt_embeds):
    # SoftEmbedding.forward with is_train=True
    batch_size, seq_length = tokens.shape
    # e_source = self.orig_embeds(tokens)  -> embedding gather
    e_source = jnp.take(table, tokens, axis=0)  # [B, L, H]
    # e_prompt = self.prompt_embeds.unsqueeze(0).repeat(batch_size, 1, 1)
    e_prompt = jnp.broadcast_to(
        prompt_embeds[None, :, :], (batch_size, prompt_embeds.shape[0], prompt_embeds.shape[1])
    )  # [B, n_prompts, H]
    # e_input = torch.cat([e_prompt, e_source], 1)
    e_input = jnp.concatenate([e_prompt, e_source], axis=1)  # [B, n_prompts + L, H]
    return e_input

if __name__ == "__main__":
    import jax
    _d = setup_inputs()
    print(jax.jit(kernel)(*tuple(_d.values())))

</pallas_src>

<mosaic_0001>
#map = affine_map<(d0, d1) -> (0, 0)>
module attributes {stable_mosaic.version = 14 : i64} {
  func.func @_soft_embedding_body(%arg0: i32, %arg1: i32, %arg2: memref<5120x40xi32, #tpu.memory_space<hbm>>, %arg3: memref<100000x128xf32, #tpu.memory_space<hbm>>, %arg4: memref<16x128xf32, #tpu.memory_space<hbm>>, %arg5: memref<221184x128xf32, #tpu.memory_space<hbm>>, %arg6: memref<160x40xi32, #tpu.memory_space<vmem>>, %arg7: memref<8x40x128xf32, #tpu.memory_space<vmem>>, %arg8: memref<16x128xf32, #tpu.memory_space<vmem>>, %arg9: memref<!tpu.dma_semaphore, #tpu.memory_space<semaphore_mem>>, %arg10: memref<!tpu.dma_semaphore, #tpu.memory_space<semaphore_mem>>, %arg11: memref<!tpu.dma_semaphore, #tpu.memory_space<semaphore_mem>>, %arg12: memref<!tpu.dma_semaphore, #tpu.memory_space<semaphore_mem>>, %arg13: memref<!tpu.dma_semaphore, #tpu.memory_space<semaphore_mem>>, %arg14: memref<!tpu.dma_semaphore, #tpu.memory_space<semaphore_mem>>, %arg15: memref<!tpu.dma_semaphore, #tpu.memory_space<semaphore_mem>>, %arg16: memref<!tpu.dma_semaphore, #tpu.memory_space<semaphore_mem>>, %arg17: memref<!tpu.dma_semaphore, #tpu.memory_space<semaphore_mem>>, %arg18: memref<!tpu.dma_semaphore, #tpu.memory_space<semaphore_mem>>, %arg19: memref<!tpu.dma_semaphore, #tpu.memory_space<semaphore_mem>>, %arg20: memref<!tpu.dma_semaphore, #tpu.memory_space<semaphore_mem>>, %arg21: memref<!tpu.dma_semaphore, #tpu.memory_space<semaphore_mem>>, %arg22: memref<!tpu.dma_semaphore, #tpu.memory_space<semaphore_mem>>, %arg23: memref<!tpu.dma_semaphore, #tpu.memory_space<semaphore_mem>>, %arg24: memref<!tpu.dma_semaphore, #tpu.memory_space<semaphore_mem>>, %arg25: memref<!tpu.dma_semaphore, #tpu.memory_space<semaphore_mem>>) attributes {dimension_semantics = [#tpu.dimension_semantics<core_parallel>, #tpu.dimension_semantics<subcore_parallel>], iteration_bounds = array<i64: 2, 16>, scalar_prefetch = 0 : i64, scratch_operands = 20 : i64, tpu.core_type = #tpu.core_type<sc_vector_subcore>, window_params = [{transform_indices = #map}, {transform_indices = #map}, {transform_indices = #map}, {transform_indices = #map}]} {
    %mul3A = arith.constant 2 : i32
    %mul3A_0 = arith.muli %arg1, %mul3A : i32
    %add3A = arith.addi %mul3A_0, %arg0 : i32
    %mul3A_1 = arith.constant 32 : i32
    %mul3A_2 = arith.muli %add3A, %mul3A_1 : i32
    %mul3A_3 = arith.constant 160 : i32
    %mul3A_4 = arith.muli %add3A, %mul3A_3 : i32
    "tpu.region"() ({
      %run_scoped3A = tpu.sem_alloc : memref<!tpu.dma_semaphore, #tpu.memory_space<semaphore_mem>>
      %dma_start3A_508 = arith.constant 0 : i32
      %dma_start3A_509 = tpu.memref_slice %arg2[%mul3A_4, %dma_start3A_508] : memref<5120x40xi32, #tpu.memory_space<hbm>> -> memref<160x40xi32, #tpu.memory_space<hbm>>
      %dma_start3A_510 = arith.constant 0 : i32
      %dma_start3A_511 = tpu.memref_slice %arg2[%mul3A_4, %dma_start3A_510] : memref<5120x40xi32, #tpu.memory_space<hbm>> -> memref<160x40xi32, #tpu.memory_space<hbm>>
      tpu.enqueue_dma source(%dma_start3A_511 : memref<160x40xi32, #tpu.memory_space<hbm>>) target(%arg6 : memref<160x40xi32, #tpu.memory_space<vmem>>) target_semaphore(%run_scoped3A : memref<!tpu.dma_semaphore, #tpu.memory_space<semaphore_mem>>)
      %dma_wait3A_512 = arith.constant 0 : i32
      %dma_wait3A_513 = tpu.memref_slice %arg2[%mul3A_4, %dma_wait3A_512] : memref<5120x40xi32, #tpu.memory_space<hbm>> -> memref<160x40xi32, #tpu.memory_space<hbm>>
      %dma_wait3A_514 = arith.constant 0 : i32
      %dma_wait3A_515 = tpu.memref_slice %arg2[%mul3A_4, %dma_wait3A_514] : memref<5120x40xi32, #tpu.memory_space<hbm>> -> memref<160x40xi32, #tpu.memory_space<hbm>>
      tpu.wait_dma2 semaphore(%run_scoped3A : memref<!tpu.dma_semaphore, #tpu.memory_space<semaphore_mem>>) src(%dma_wait3A_515 : memref<160x40xi32, #tpu.memory_space<hbm>>) dst(%arg6 : memref<160x40xi32, #tpu.memory_space<vmem>>)
      tpu.yield
    }) : () -> ()
    "tpu.region"() ({
      %run_scoped3A = tpu.sem_alloc : memref<!tpu.dma_semaphore, #tpu.memory_space<semaphore_mem>>
      tpu.enqueue_dma source(%arg4 : memref<16x128xf32, #tpu.memory_space<hbm>>) target(%arg8 : memref<16x128xf32, #tpu.memory_space<vmem>>) target_semaphore(%run_scoped3A : memref<!tpu.dma_semaphore, #tpu.memory_space<semaphore_mem>>)
      tpu.wait_dma2 semaphore(%run_scoped3A : memref<!tpu.dma_semaphore, #tpu.memory_space<semaphore_mem>>) src(%arg4 : memref<16x128xf32, #tpu.memory_space<hbm>>) dst(%arg8 : memref<16x128xf32, #tpu.memory_space<vmem>>)
      tpu.yield
    }) : () -> ()
    %dma_start3A = arith.constant 0 : i32
    %dma_start3A_5 = arith.constant 0 : i32
    %dma_start3A_6 = arith.constant 0 : i32
    %dma_start3A_7 = arith.constant 0 : i32
    %dma_start3A_8 = tpu.memref_slice %arg7[%dma_start3A_5, %dma_start3A_6, %dma_start3A_7] : memref<8x40x128xf32, #tpu.memory_space<vmem>> -> memref<1x40x128xf32, #tpu.memory_space<vmem>>
    %dma_start3A_9 = tpu.memref_squeeze %dma_start3A_8 : memref<1x40x128xf32, #tpu.memory_space<vmem>> -> memref<40x128xf32, #tpu.memory_space<vmem>>
    %dma_start3A_10 = arith.constant 0 : i32
    %dma_start3A_11 = tpu.memref_slice %arg6[%dma_start3A, %dma_start3A_10] : memref<160x40xi32, #tpu.memory_space<vmem>> -> memref<1x40xi32, #tpu.memory_space<vmem>>
    %dma_start3A_12 = tpu.memref_squeeze %dma_start3A_11 : memref<1x40xi32, #tpu.memory_space<vmem>> -> memref<40xi32, #tpu.memory_space<vmem>>
    %dma_start3A_13 = arith.constant 0 : i32
    %dma_start3A_14 = arith.constant 0 : i32
    %dma_start3A_15 = tpu.memref_slice %arg3[%dma_start3A_13, %dma_start3A_14] : memref<100000x128xf32, #tpu.memory_space<hbm>> -> memref<100000x128xf32, #tpu.memory_space<hbm>>
    tpu.enqueue_indirect_dma source(%dma_start3A_15 : memref<100000x128xf32, #tpu.memory_space<hbm>>) target(%dma_start3A_9 : memref<40x128xf32, #tpu.memory_space<vmem>>) offsets(%dma_start3A_12 : memref<40xi32, #tpu.memory_space<vmem>>) semaphore(%arg9 : memref<!tpu.dma_semaphore, #tpu.memory_space<semaphore_mem>>)
    %add3A_16 = arith.constant 0 : i32
    %add3A_17 = arith.addi %mul3A_2, %add3A_16 : i32
    %mul3A_18 = arith.constant 216 : i32
    %mul3A_19 = arith.muli %add3A_17, %mul3A_18 : i32
    %dma_start3A_20 = arith.constant 0 : i32
    %dma_start3A_21 = tpu.memref_slice %arg5[%mul3A_19, %dma_start3A_20] : memref<221184x128xf32, #tpu.memory_space<hbm>> -> memref<16x128xf32, #tpu.memory_space<hbm>>
    %dma_start3A_22 = arith.constant 0 : i32
    %dma_start3A_23 = tpu.memref_slice %arg5[%mul3A_19, %dma_start3A_22] : memref<221184x128xf32, #tpu.memory_space<hbm>> -> memref<16x128xf32, #tpu.memory_space<hbm>>
    tpu.enqueue_dma source(%arg8 : memref<16x128xf32, #tpu.memory_space<vmem>>) target(%dma_start3A_23 : memref<16x128xf32, #tpu.memory_space<hbm>>) target_semaphore(%arg25 : memref<!tpu.dma_semaphore, #tpu.memory_space<semaphore_mem>>)
    %dma_start3A_24 = arith.constant 1 : i32
    %dma_start3A_25 = arith.constant 1 : i32
    %dma_start3A_26 = arith.constant 0 : i32
    %dma_start3A_27 = arith.constant 0 : i32
    %dma_start3A_28 = tpu.memref_slice %arg7[%dma_start3A_25, %dma_start3A_26, %dma_start3A_27] : memref<8x40x128xf32, #tpu.memory_space<vmem>> -> memref<1x40x128xf32, #tpu.memory_space<vmem>>
    %dma_start3A_29 = tpu.memref_squeeze %dma_start3A_28 : memref<1x40x128xf32, #tpu.memory_space<vmem>> -> memref<40x128xf32, #tpu.memory_space<vmem>>
    %dma_start3A_30 = arith.constant 0 : i32
    %dma_start3A_31 = tpu.memref_slice %arg6[%dma_start3A_24, %dma_start3A_30] : memref<160x40xi32, #tpu.memory_space<vmem>> -> memref<1x40xi32, #tpu.memory_space<vmem>>
    %dma_start3A_32 = tpu.memref_squeeze %dma_start3A_31 : memref<1x40xi32, #tpu.memory_space<vmem>> -> memref<40xi32, #tpu.memory_space<vmem>>
    %dma_start3A_33 = arith.constant 0 : i32
    %dma_start3A_34 = arith.constant 0 : i32
    %dma_start3A_35 = tpu.memref_slice %arg3[%dma_start3A_33, %dma_start3A_34] : memref<100000x128xf32, #tpu.memory_space<hbm>> -> memref<100000x128xf32, #tpu.memory_space<hbm>>
    tpu.enqueue_indirect_dma source(%dma_start3A_35 : memref<100000x128xf32, #tpu.memory_space<hbm>>) target(%dma_start3A_29 : memref<40x128xf32, #tpu.memory_space<vmem>>) offsets(%dma_start3A_32 : memref<40xi32, #tpu.memory_space<vmem>>) semaphore(%arg10 : memref<!tpu.dma_semaphore, #tpu.memory_space<semaphore_mem>>)
    %dma_start3A_36 = arith.constant 2 : i32
    %dma_start3A_37 = arith.constant 2 : i32
    %dma_start3A_38 = arith.constant 0 : i32
    %dma_start3A_39 = arith.constant 0 : i32
    %dma_start3A_40 = tpu.memref_slice %arg7[%dma_start3A_37, %dma_start3A_38, %dma_start3A_39] : memref<8x40x128xf32, #tpu.memory_space<vmem>> -> memref<1x40x128xf32, #tpu.memory_space<vmem>>
    %dma_start3A_41 = tpu.memref_squeeze %dma_start3A_40 : memref<1x40x128xf32, #tpu.memory_space<vmem>> -> memref<40x128xf32, #tpu.memory_space<vmem>>
    %dma_start3A_42 = arith.constant 0 : i32
    %dma_start3A_43 = tpu.memref_slice %arg6[%dma_start3A_36, %dma_start3A_42] : memref<160x40xi32, #tpu.memory_space<vmem>> -> memref<1x40xi32, #tpu.memory_space<vmem>>
    %dma_start3A_44 = tpu.memref_squeeze %dma_start3A_43 : memref<1x40xi32, #tpu.memory_space<vmem>> -> memref<40xi32, #tpu.memory_space<vmem>>
    %dma_start3A_45 = arith.constant 0 : i32
    %dma_start3A_46 = arith.constant 0 : i32
    %dma_start3A_47 = tpu.memref_slice %arg3[%dma_start3A_45, %dma_start3A_46] : memref<100000x128xf32, #tpu.memory_space<hbm>> -> memref<100000x128xf32, #tpu.memory_space<hbm>>
    tpu.enqueue_indirect_dma source(%dma_start3A_47 : memref<100000x128xf32, #tpu.memory_space<hbm>>) target(%dma_start3A_41 : memref<40x128xf32, #tpu.memory_space<vmem>>) offsets(%dma_start3A_44 : memref<40xi32, #tpu.memory_space<vmem>>) semaphore(%arg11 : memref<!tpu.dma_semaphore, #tpu.memory_space<semaphore_mem>>)
    %dma_start3A_48 = arith.constant 3 : i32
    %dma_start3A_49 = arith.constant 3 : i32
    %dma_start3A_50 = arith.constant 0 : i32
    %dma_start3A_51 = arith.constant 0 : i32
    %dma_start3A_52 = tpu.memref_slice %arg7[%dma_start3A_49, %dma_start3A_50, %dma_start3A_51] : memref<8x40x128xf32, #tpu.memory_space<vmem>> -> memref<1x40x128xf32, #tpu.memory_space<vmem>>
    %dma_start3A_53 = tpu.memref_squeeze %dma_start3A_52 : memref<1x40x128xf32, #tpu.memory_space<vmem>> -> memref<40x128xf32, #tpu.memory_space<vmem>>
    %dma_start3A_54 = arith.constant 0 : i32
    %dma_start3A_55 = tpu.memref_slice %arg6[%dma_start3A_48, %dma_start3A_54] : memref<160x40xi32, #tpu.memory_space<vmem>> -> memref<1x40xi32, #tpu.memory_space<vmem>>
    %dma_start3A_56 = tpu.memref_squeeze %dma_start3A_55 : memref<1x40xi32, #tpu.memory_space<vmem>> -> memref<40xi32, #tpu.memory_space<vmem>>
    %dma_start3A_57 = arith.constant 0 : i32
    %dma_start3A_58 = arith.constant 0 : i32
    %dma_start3A_59 = tpu.memref_slice %arg3[%dma_start3A_57, %dma_start3A_58] : memref<100000x128xf32, #tpu.memory_space<hbm>> -> memref<100000x128xf32, #tpu.memory_space<hbm>>
    tpu.enqueue_indirect_dma source(%dma_start3A_59 : memref<100000x128xf32, #tpu.memory_space<hbm>>) target(%dma_start3A_53 : memref<40x128xf32, #tpu.memory_space<vmem>>) offsets(%dma_start3A_56 : memref<40xi32, #tpu.memory_space<vmem>>) semaphore(%arg12 : memref<!tpu.dma_semaphore, #tpu.memory_space<semaphore_mem>>)
    %dma_start3A_60 = arith.constant 4 : i32
    %dma_start3A_61 = arith.constant 4 : i32
    %dma_start3A_62 = arith.constant 0 : i32
    %dma_start3A_63 = arith.constant 0 : i32
    %dma_start3A_64 = tpu.memref_slice %arg7[%dma_start3A_61, %dma_start3A_62, %dma_start3A_63] : memref<8x40x128xf32, #tpu.memory_space<vmem>> -> memref<1x40x128xf32, #tpu.memory_space<vmem>>
    %dma_start3A_65 = tpu.memref_squeeze %dma_start3A_64 : memref<1x40x128xf32, #tpu.memory_space<vmem>> -> memref<40x128xf32, #tpu.memory_space<vmem>>
    %dma_start3A_66 = arith.constant 0 : i32
    %dma_start3A_67 = tpu.memref_slice %arg6[%dma_start3A_60, %dma_start3A_66] : memref<160x40xi32, #tpu.memory_space<vmem>> -> memref<1x40xi32, #tpu.memory_space<vmem>>
    %dma_start3A_68 = tpu.memref_squeeze %dma_start3A_67 : memref<1x40xi32, #tpu.memory_space<vmem>> -> memref<40xi32, #tpu.memory_space<vmem>>
    %dma_start3A_69 = arith.constant 0 : i32
    %dma_start3A_70 = arith.constant 0 : i32
    %dma_start3A_71 = tpu.memref_slice %arg3[%dma_start3A_69, %dma_start3A_70] : memref<100000x128xf32, #tpu.memory_space<hbm>> -> memref<100000x128xf32, #tpu.memory_space<hbm>>
    tpu.enqueue_indirect_dma source(%dma_start3A_71 : memref<100000x128xf32, #tpu.memory_space<hbm>>) target(%dma_start3A_65 : memref<40x128xf32, #tpu.memory_space<vmem>>) offsets(%dma_start3A_68 : memref<40xi32, #tpu.memory_space<vmem>>) semaphore(%arg13 : memref<!tpu.dma_semaphore, #tpu.memory_space<semaphore_mem>>)
    %dma_start3A_72 = arith.constant 5 : i32
    %dma_start3A_73 = arith.constant 5 : i32
    %dma_start3A_74 = arith.constant 0 : i32
    %dma_start3A_75 = arith.constant 0 : i32
    %dma_start3A_76 = tpu.memref_slice %arg7[%dma_start3A_73, %dma_start3A_74, %dma_start3A_75] : memref<8x40x128xf32, #tpu.memory_space<vmem>> -> memref<1x40x128xf32, #tpu.memory_space<vmem>>
    %dma_start3A_77 = tpu.memref_squeeze %dma_start3A_76 : memref<1x40x128xf32, #tpu.memory_space<vmem>> -> memref<40x128xf32, #tpu.memory_space<vmem>>
    %dma_start3A_78 = arith.constant 0 : i32
    %dma_start3A_79 = tpu.memref_slice %arg6[%dma_start3A_72, %dma_start3A_78] : memref<160x40xi32, #tpu.memory_space<vmem>> -> memref<1x40xi32, #tpu.memory_space<vmem>>
    %dma_start3A_80 = tpu.memref_squeeze %dma_start3A_79 : memref<1x40xi32, #tpu.memory_space<vmem>> -> memref<40xi32, #tpu.memory_space<vmem>>
    %dma_start3A_81 = arith.constant 0 : i32
    %dma_start3A_82 = arith.constant 0 : i32
    %dma_start3A_83 = tpu.memref_slice %arg3[%dma_start3A_81, %dma_start3A_82] : memref<100000x128xf32, #tpu.memory_space<hbm>> -> memref<100000x128xf32, #tpu.memory_space<hbm>>
    tpu.enqueue_indirect_dma source(%dma_start3A_83 : memref<100000x128xf32, #tpu.memory_space<hbm>>) target(%dma_start3A_77 : memref<40x128xf32, #tpu.memory_space<vmem>>) offsets(%dma_start3A_80 : memref<40xi32, #tpu.memory_space<vmem>>) semaphore(%arg14 : memref<!tpu.dma_semaphore, #tpu.memory_space<semaphore_mem>>)
    %add3A_84 = arith.constant 1 : i32
    %add3A_85 = arith.addi %mul3A_2, %add3A_84 : i32
    %mul3A_86 = arith.constant 216 : i32
    %mul3A_87 = arith.muli %add3A_85, %mul3A_86 : i32
    %dma_start3A_88 = arith.constant 0 : i32
    %dma_start3A_89 = tpu.memref_slice %arg5[%mul3A_87, %dma_start3A_88] : memref<221184x128xf32, #tpu.memory_space<hbm>> -> memref<16x128xf32, #tpu.memory_space<hbm>>
    %dma_start3A_90 = arith.constant 0 : i32
    %dma_start3A_91 = tpu.memref_slice %arg5[%mul3A_87, %dma_start3A_90] : memref<221184x128xf32, #tpu.memory_space<hbm>> -> memref<16x128xf32, #tpu.memory_space<hbm>>
    tpu.enqueue_dma source(%arg8 : memref<16x128xf32, #tpu.memory_space<vmem>>) target(%dma_start3A_91 : memref<16x128xf32, #tpu.memory_space<hbm>>) target_semaphore(%arg25 : memref<!tpu.dma_semaphore, #tpu.memory_space<semaphore_mem>>)
    %dma_start3A_92 = arith.constant 6 : i32
    %dma_start3A_93 = arith.constant 6 : i32
    %dma_start3A_94 = arith.constant 0 : i32
    %dma_start3A_95 = arith.constant 0 : i32
    %dma_start3A_96 = tpu.memref_slice %arg7[%dma_start3A_93, %dma_start3A_94, %dma_start3A_95] : memref<8x40x128xf32, #tpu.memory_space<vmem>> -> memref<1x40x128xf32, #tpu.memory_space<vmem>>
    %dma_start3A_97 = tpu.memref_squeeze %dma_start3A_96 : memref<1x40x128xf32, #tpu.memory_space<vmem>> -> memref<40x128xf32, #tpu.memory_space<vmem>>
    %dma_start3A_98 = arith.constant 0 : i32
    %dma_start3A_99 = tpu.memref_slice %arg6[%dma_start3A_92, %dma_start3A_98] : memref<160x40xi32, #tpu.memory_space<vmem>> -> memref<1x40xi32, #tpu.memory_space<vmem>>
    %dma_start3A_100 = tpu.memref_squeeze %dma_start3A_99 : memref<1x40xi32, #tpu.memory_space<vmem>> -> memref<40xi32, #tpu.memory_space<vmem>>
    %dma_start3A_101 = arith.constant 0 : i32
    %dma_start3A_102 = arith.constant 0 : i32
    %dma_start3A_103 = tpu.memref_slice %arg3[%dma_start3A_101, %dma_start3A_102] : memref<100000x128xf32, #tpu.memory_space<hbm>> -> memref<100000x128xf32, #tpu.memory_space<hbm>>
    tpu.enqueue_indirect_dma source(%dma_start3A_103 : memref<100000x128xf32, #tpu.memory_space<hbm>>) target(%dma_start3A_97 : memref<40x128xf32, #tpu.memory_space<vmem>>) offsets(%dma_start3A_100 : memref<40xi32, #tpu.memory_space<vmem>>) semaphore(%arg15 : memref<!tpu.dma_semaphore, #tpu.memory_space<semaphore_mem>>)
    %dma_start3A_104 = arith.constant 7 : i32
    %dma_start3A_105 = arith.constant 7 : i32
    %dma_start3A_106 = arith.constant 0 : i32
    %dma_start3A_107 = arith.constant 0 : i32
    %dma_start3A_108 = tpu.memref_slice %arg7[%dma_start3A_105, %dma_start3A_106, %dma_start3A_107] : memref<8x40x128xf32, #tpu.memory_space<vmem>> -> memref<1x40x128xf32, #tpu.memory_space<vmem>>
    %dma_start3A_109 = tpu.memref_squeeze %dma_start3A_108 : memref<1x40x128xf32, #tpu.memory_space<vmem>> -> memref<40x128xf32, #tpu.memory_space<vmem>>
    %dma_start3A_110 = arith.constant 0 : i32
    %dma_start3A_111 = tpu.memref_slice %arg6[%dma_start3A_104, %dma_start3A_110] : memref<160x40xi32, #tpu.memory_space<vmem>> -> memref<1x40xi32, #tpu.memory_space<vmem>>
    %dma_start3A_112 = tpu.memref_squeeze %dma_start3A_111 : memref<1x40xi32, #tpu.memory_space<vmem>> -> memref<40xi32, #tpu.memory_space<vmem>>
    %dma_start3A_113 = arith.constant 0 : i32
    %dma_start3A_114 = arith.constant 0 : i32
    %dma_start3A_115 = tpu.memref_slice %arg3[%dma_start3A_113, %dma_start3A_114] : memref<100000x128xf32, #tpu.memory_space<hbm>> -> memref<100000x128xf32, #tpu.memory_space<hbm>>
    tpu.enqueue_indirect_dma source(%dma_start3A_115 : memref<100000x128xf32, #tpu.memory_space<hbm>>) target(%dma_start3A_109 : memref<40x128xf32, #tpu.memory_space<vmem>>) offsets(%dma_start3A_112 : memref<40xi32, #tpu.memory_space<vmem>>) semaphore(%arg16 : memref<!tpu.dma_semaphore, #tpu.memory_space<semaphore_mem>>)
    %dma_wait3A = arith.constant 0 : i32
    %dma_wait3A_116 = arith.constant 0 : i32
    %dma_wait3A_117 = arith.constant 0 : i32
    %dma_wait3A_118 = arith.constant 0 : i32
    %dma_wait3A_119 = tpu.memref_slice %arg7[%dma_wait3A_116, %dma_wait3A_117, %dma_wait3A_118] : memref<8x40x128xf32, #tpu.memory_space<vmem>> -> memref<1x40x128xf32, #tpu.memory_space<vmem>>
    %dma_wait3A_120 = tpu.memref_squeeze %dma_wait3A_119 : memref<1x40x128xf32, #tpu.memory_space<vmem>> -> memref<40x128xf32, #tpu.memory_space<vmem>>
    %dma_wait3A_121 = arith.constant 0 : i32
    %dma_wait3A_122 = tpu.memref_slice %arg6[%dma_wait3A, %dma_wait3A_121] : memref<160x40xi32, #tpu.memory_space<vmem>> -> memref<1x40xi32, #tpu.memory_space<vmem>>
    %dma_wait3A_123 = tpu.memref_squeeze %dma_wait3A_122 : memref<1x40xi32, #tpu.memory_space<vmem>> -> memref<40xi32, #tpu.memory_space<vmem>>
    %dma_wait3A_124 = arith.constant 0 : i32
    %dma_wait3A_125 = arith.constant 0 : i32
    %dma_wait3A_126 = tpu.memref_slice %arg3[%dma_wait3A_124, %dma_wait3A_125] : memref<100000x128xf32, #tpu.memory_space<hbm>> -> memref<100000x128xf32, #tpu.memory_space<hbm>>
    tpu.wait_indirect_dma semaphore(%arg9 : memref<!tpu.dma_semaphore, #tpu.memory_space<semaphore_mem>>) src(%dma_wait3A_126 : memref<100000x128xf32, #tpu.memory_space<hbm>>) dst(%dma_wait3A_120 : memref<40x128xf32, #tpu.memory_space<vmem>>)
    %add3A_127 = arith.constant 0 : i32
    %add3A_128 = arith.addi %mul3A_2, %add3A_127 : i32
    %mul3A_129 = arith.constant 216 : i32
    %mul3A_130 = arith.muli %add3A_128, %mul3A_129 : i32
    %add3A_131 = arith.constant 16 : i32
    %add3A_132 = arith.addi %mul3A_130, %add3A_131 : i32
    %add3A_133 = arith.constant 0 : i32
    %add3A_134 = arith.addi %add3A_132, %add3A_133 : i32
    %dma_start3A_135 = arith.constant 0 : i32
    %dma_start3A_136 = arith.constant 0 : i32
    %dma_start3A_137 = arith.constant 0 : i32
    %dma_start3A_138 = tpu.memref_slice %arg7[%dma_start3A_135, %dma_start3A_136, %dma_start3A_137] : memref<8x40x128xf32, #tpu.memory_space<vmem>> -> memref<1x40x128xf32, #tpu.memory_space<vmem>>
    %dma_start3A_139 = tpu.memref_squeeze %dma_start3A_138 : memref<1x40x128xf32, #tpu.memory_space<vmem>> -> memref<40x128xf32, #tpu.memory_space<vmem>>
    %dma_start3A_140 = arith.constant 0 : i32
    %dma_start3A_141 = tpu.memref_slice %arg5[%add3A_134, %dma_start3A_140] : memref<221184x128xf32, #tpu.memory_space<hbm>> -> memref<40x128xf32, #tpu.memory_space<hbm>>
    %dma_start3A_142 = arith.constant 0 : i32
    %dma_start3A_143 = tpu.memref_slice %arg5[%add3A_134, %dma_start3A_142] : memref<221184x128xf32, #tpu.memory_space<hbm>> -> memref<40x128xf32, #tpu.memory_space<hbm>>
    %dma_start3A_144 = arith.constant 0 : i32
    %dma_start3A_145 = arith.constant 0 : i32
    %dma_start3A_146 = tpu.memref_slice %arg7[%dma_start3A_135, %dma_start3A_144, %dma_start3A_145] : memref<8x40x128xf32, #tpu.memory_space<vmem>> -> memref<1x40x128xf32, #tpu.memory_space<vmem>>
    %dma_start3A_147 = tpu.memref_squeeze %dma_start3A_146 : memref<1x40x128xf32, #tpu.memory_space<vmem>> -> memref<40x128xf32, #tpu.memory_space<vmem>>
    tpu.enqueue_dma source(%dma_start3A_147 : memref<40x128xf32, #tpu.memory_space<vmem>>) target(%dma_start3A_143 : memref<40x128xf32, #tpu.memory_space<hbm>>) target_semaphore(%arg17 : memref<!tpu.dma_semaphore, #tpu.memory_space<semaphore_mem>>)
    %dma_wait3A_148 = arith.constant 1 : i32
    %dma_wait3A_149 = arith.constant 1 : i32
    %dma_wait3A_150 = arith.constant 0 : i32
    %dma_wait3A_151 = arith.constant 0 : i32
    %dma_wait3A_152 = tpu.memref_slice %arg7[%dma_wait3A_149, %dma_wait3A_150, %dma_wait3A_151] : memref<8x40x128xf32, #tpu.memory_space<vmem>> -> memref<1x40x128xf32, #tpu.memory_space<vmem>>
    %dma_wait3A_153 = tpu.memref_squeeze %dma_wait3A_152 : memref<1x40x128xf32, #tpu.memory_space<vmem>> -> memref<40x128xf32, #tpu.memory_space<vmem>>
    %dma_wait3A_154 = arith.constant 0 : i32
    %dma_wait3A_155 = tpu.memref_slice %arg6[%dma_wait3A_148, %dma_wait3A_154] : memref<160x40xi32, #tpu.memory_space<vmem>> -> memref<1x40xi32, #tpu.memory_space<vmem>>
    %dma_wait3A_156 = tpu.memref_squeeze %dma_wait3A_155 : memref<1x40xi32, #tpu.memory_space<vmem>> -> memref<40xi32, #tpu.memory_space<vmem>>
    %dma_wait3A_157 = arith.constant 0 : i32
    %dma_wait3A_158 = arith.constant 0 : i32
    %dma_wait3A_159 = tpu.memref_slice %arg3[%dma_wait3A_157, %dma_wait3A_158] : memref<100000x128xf32, #tpu.memory_space<hbm>> -> memref<100000x128xf32, #tpu.memory_space<hbm>>
    tpu.wait_indirect_dma semaphore(%arg10 : memref<!tpu.dma_semaphore, #tpu.memory_space<semaphore_mem>>) src(%dma_wait3A_159 : memref<100000x128xf32, #tpu.memory_space<hbm>>) dst(%dma_wait3A_153 : memref<40x128xf32, #tpu.memory_space<vmem>>)
    %add3A_160 = arith.constant 0 : i32
    %add3A_161 = arith.addi %mul3A_2, %add3A_160 : i32
    %mul3A_162 = arith.constant 216 : i32
    %mul3A_163 = arith.muli %add3A_161, %mul3A_162 : i32
    %add3A_164 = arith.constant 16 : i32
    %add3A_165 = arith.addi %mul3A_163, %add3A_164 : i32
    %add3A_166 = arith.constant 40 : i32
    %add3A_167 = arith.addi %add3A_165, %add3A_166 : i32
    %dma_start3A_168 = arith.constant 1 : i32
    %dma_start3A_169 = arith.constant 0 : i32
    %dma_start3A_170 = arith.constant 0 : i32
    %dma_start3A_171 = tpu.memref_slice %arg7[%dma_start3A_168, %dma_start3A_169, %dma_start3A_170] : memref<8x40x128xf32, #tpu.memory_space<vmem>> -> memref<1x40x128xf32, #tpu.memory_space<vmem>>
    %dma_start3A_172 = tpu.memref_squeeze %dma_start3A_171 : memref<1x40x128xf32, #tpu.memory_space<vmem>> -> memref<40x128xf32, #tpu.memory_space<vmem>>
    %dma_start3A_173 = arith.constant 0 : i32
    %dma_start3A_174 = tpu.memref_slice %arg5[%add3A_167, %dma_start3A_173] : memref<221184x128xf32, #tpu.memory_space<hbm>> -> memref<40x128xf32, #tpu.memory_space<hbm>>
    %dma_start3A_175 = arith.constant 0 : i32
    %dma_start3A_176 = tpu.memref_slice %arg5[%add3A_167, %dma_start3A_175] : memref<221184x128xf32, #tpu.memory_space<hbm>> -> memref<40x128xf32, #tpu.memory_space<hbm>>
    %dma_start3A_177 = arith.constant 0 : i32
    %dma_start3A_178 = arith.constant 0 : i32
    %dma_start3A_179 = tpu.memref_slice %arg7[%dma_start3A_168, %dma_start3A_177, %dma_start3A_178] : memref<8x40x128xf32, #tpu.memory_space<vmem>> -> memref<1x40x128xf32, #tpu.memory_space<vmem>>
    %dma_start3A_180 = tpu.memref_squeeze %dma_start3A_179 : memref<1x40x128xf32, #tpu.memory_space<vmem>> -> memref<40x128xf32, #tpu.memory_space<vmem>>
    tpu.enqueue_dma source(%dma_start3A_180 : memref<40x128xf32, #tpu.memory_space<vmem>>) target(%dma_start3A_176 : memref<40x128xf32, #tpu.memory_space<hbm>>) target_semaphore(%arg18 : memref<!tpu.dma_semaphore, #tpu.memory_space<semaphore_mem>>)
    %dma_wait3A_181 = arith.constant 2 : i32
    %dma_wait3A_182 = arith.constant 2 : i32
    %dma_wait3A_183 = arith.constant 0 : i32
    %dma_wait3A_184 = arith.constant 0 : i32
    %dma_wait3A_185 = tpu.memref_slice %arg7[%dma_wait3A_182, %dma_wait3A_183, %dma_wait3A_184] : memref<8x40x128xf32, #tpu.memory_space<vmem>> -> memref<1x40x128xf32, #tpu.memory_space<vmem>>
    %dma_wait3A_186 = tpu.memref_squeeze %dma_wait3A_185 : memref<1x40x128xf32, #tpu.memory_space<vmem>> -> memref<40x128xf32, #tpu.memory_space<vmem>>
    %dma_wait3A_187 = arith.constant 0 : i32
    %dma_wait3A_188 = tpu.memref_slice %arg6[%dma_wait3A_181, %dma_wait3A_187] : memref<160x40xi32, #tpu.memory_space<vmem>> -> memref<1x40xi32, #tpu.memory_space<vmem>>
    %dma_wait3A_189 = tpu.memref_squeeze %dma_wait3A_188 : memref<1x40xi32, #tpu.memory_space<vmem>> -> memref<40xi32, #tpu.memory_space<vmem>>
    %dma_wait3A_190 = arith.constant 0 : i32
    %dma_wait3A_191 = arith.constant 0 : i32
    %dma_wait3A_192 = tpu.memref_slice %arg3[%dma_wait3A_190, %dma_wait3A_191] : memref<100000x128xf32, #tpu.memory_space<hbm>> -> memref<100000x128xf32, #tpu.memory_space<hbm>>
    tpu.wait_indirect_dma semaphore(%arg11 : memref<!tpu.dma_semaphore, #tpu.memory_space<semaphore_mem>>) src(%dma_wait3A_192 : memref<100000x128xf32, #tpu.memory_space<hbm>>) dst(%dma_wait3A_186 : memref<40x128xf32, #tpu.memory_space<vmem>>)
    %add3A_193 = arith.constant 0 : i32
    %add3A_194 = arith.addi %mul3A_2, %add3A_193 : i32
    %mul3A_195 = arith.constant 216 : i32
    %mul3A_196 = arith.muli %add3A_194, %mul3A_195 : i32
    %add3A_197 = arith.constant 16 : i32
    %add3A_198 = arith.addi %mul3A_196, %add3A_197 : i32
    %add3A_199 = arith.constant 80 : i32
    %add3A_200 = arith.addi %add3A_198, %add3A_199 : i32
    %dma_start3A_201 = arith.constant 2 : i32
    %dma_start3A_202 = arith.constant 0 : i32
    %dma_start3A_203 = arith.constant 0 : i32
    %dma_start3A_204 = tpu.memref_slice %arg7[%dma_start3A_201, %dma_start3A_202, %dma_start3A_203] : memref<8x40x128xf32, #tpu.memory_space<vmem>> -> memref<1x40x128xf32, #tpu.memory_space<vmem>>
    %dma_start3A_205 = tpu.memref_squeeze %dma_start3A_204 : memref<1x40x128xf32, #tpu.memory_space<vmem>> -> memref<40x128xf32, #tpu.memory_space<vmem>>
    %dma_start3A_206 = arith.constant 0 : i32
    %dma_start3A_207 = tpu.memref_slice %arg5[%add3A_200, %dma_start3A_206] : memref<221184x128xf32, #tpu.memory_space<hbm>> -> memref<40x128xf32, #tpu.memory_space<hbm>>
    %dma_start3A_208 = arith.constant 0 : i32
    %dma_start3A_209 = tpu.memref_slice %arg5[%add3A_200, %dma_start3A_208] : memref<221184x128xf32, #tpu.memory_space<hbm>> -> memref<40x128xf32, #tpu.memory_space<hbm>>
    %dma_start3A_210 = arith.constant 0 : i32
    %dma_start3A_211 = arith.constant 0 : i32
    %dma_start3A_212 = tpu.memref_slice %arg7[%dma_start3A_201, %dma_start3A_210, %dma_start3A_211] : memref<8x40x128xf32, #tpu.memory_space<vmem>> -> memref<1x40x128xf32, #tpu.memory_space<vmem>>
    %dma_start3A_213 = tpu.memref_squeeze %dma_start3A_212 : memref<1x40x128xf32, #tpu.memory_space<vmem>> -> memref<40x128xf32, #tpu.memory_space<vmem>>
    tpu.enqueue_dma source(%dma_start3A_213 : memref<40x128xf32, #tpu.memory_space<vmem>>) target(%dma_start3A_209 : memref<40x128xf32, #tpu.memory_space<hbm>>) target_semaphore(%arg19 : memref<!tpu.dma_semaphore, #tpu.memory_space<semaphore_mem>>)
    %dma_wait3A_214 = arith.constant 3 : i32
    %dma_wait3A_215 = arith.constant 3 : i32
    %dma_wait3A_216 = arith.constant 0 : i32
    %dma_wait3A_217 = arith.constant 0 : i32
    %dma_wait3A_218 = tpu.memref_slice %arg7[%dma_wait3A_215, %dma_wait3A_216, %dma_wait3A_217] : memref<8x40x128xf32, #tpu.memory_space<vmem>> -> memref<1x40x128xf32, #tpu.memory_space<vmem>>
    %dma_wait3A_219 = tpu.memref_squeeze %dma_wait3A_218 : memref<1x40x128xf32, #tpu.memory_space<vmem>> -> memref<40x128xf32, #tpu.memory_space<vmem>>
    %dma_wait3A_220 = arith.constant 0 : i32
    %dma_wait3A_221 = tpu.memref_slice %arg6[%dma_wait3A_214, %dma_wait3A_220] : memref<160x40xi32, #tpu.memory_space<vmem>> -> memref<1x40xi32, #tpu.memory_space<vmem>>
    %dma_wait3A_222 = tpu.memref_squeeze %dma_wait3A_221 : memref<1x40xi32, #tpu.memory_space<vmem>> -> memref<40xi32, #tpu.memory_space<vmem>>
    %dma_wait3A_223 = arith.constant 0 : i32
    %dma_wait3A_224 = arith.constant 0 : i32
    %dma_wait3A_225 = tpu.memref_slice %arg3[%dma_wait3A_223, %dma_wait3A_224] : memref<100000x128xf32, #tpu.memory_space<hbm>> -> memref<100000x128xf32, #tpu.memory_space<hbm>>
    tpu.wait_indirect_dma semaphore(%arg12 : memref<!tpu.dma_semaphore, #tpu.memory_space<semaphore_mem>>) src(%dma_wait3A_225 : memref<100000x128xf32, #tpu.memory_space<hbm>>) dst(%dma_wait3A_219 : memref<40x128xf32, #tpu.memory_space<vmem>>)
    %add3A_226 = arith.constant 0 : i32
    %add3A_227 = arith.addi %mul3A_2, %add3A_226 : i32
    %mul3A_228 = arith.constant 216 : i32
    %mul3A_229 = arith.muli %add3A_227, %mul3A_228 : i32
    %add3A_230 = arith.constant 16 : i32
    %add3A_231 = arith.addi %mul3A_229, %add3A_230 : i32
    %add3A_232 = arith.constant 120 : i32
    %add3A_233 = arith.addi %add3A_231, %add3A_232 : i32
    %dma_start3A_234 = arith.constant 3 : i32
    %dma_start3A_235 = arith.constant 0 : i32
    %dma_start3A_236 = arith.constant 0 : i32
    %dma_start3A_237 = tpu.memref_slice %arg7[%dma_start3A_234, %dma_start3A_235, %dma_start3A_236] : memref<8x40x128xf32, #tpu.memory_space<vmem>> -> memref<1x40x128xf32, #tpu.memory_space<vmem>>
    %dma_start3A_238 = tpu.memref_squeeze %dma_start3A_237 : memref<1x40x128xf32, #tpu.memory_space<vmem>> -> memref<40x128xf32, #tpu.memory_space<vmem>>
    %dma_start3A_239 = arith.constant 0 : i32
    %dma_start3A_240 = tpu.memref_slice %arg5[%add3A_233, %dma_start3A_239] : memref<221184x128xf32, #tpu.memory_space<hbm>> -> memref<40x128xf32, #tpu.memory_space<hbm>>
    %dma_start3A_241 = arith.constant 0 : i32
    %dma_start3A_242 = tpu.memref_slice %arg5[%add3A_233, %dma_start3A_241] : memref<221184x128xf32, #tpu.memory_space<hbm>> -> memref<40x128xf32, #tpu.memory_space<hbm>>
    %dma_start3A_243 = arith.constant 0 : i32
    %dma_start3A_244 = arith.constant 0 : i32
    %dma_start3A_245 = tpu.memref_slice %arg7[%dma_start3A_234, %dma_start3A_243, %dma_start3A_244] : memref<8x40x128xf32, #tpu.memory_space<vmem>> -> memref<1x40x128xf32, #tpu.memory_space<vmem>>
    %dma_start3A_246 = tpu.memref_squeeze %dma_start3A_245 : memref<1x40x128xf32, #tpu.memory_space<vmem>> -> memref<40x128xf32, #tpu.memory_space<vmem>>
    tpu.enqueue_dma source(%dma_start3A_246 : memref<40x128xf32, #tpu.memory_space<vmem>>) target(%dma_start3A_242 : memref<40x128xf32, #tpu.memory_space<hbm>>) target_semaphore(%arg20 : memref<!tpu.dma_semaphore, #tpu.memory_space<semaphore_mem>>)
    %dma_wait3A_247 = arith.constant 4 : i32
    %dma_wait3A_248 = arith.constant 4 : i32
    %dma_wait3A_249 = arith.constant 0 : i32
    %dma_wait3A_250 = arith.constant 0 : i32
    %dma_wait3A_251 = tpu.memref_slice %arg7[%dma_wait3A_248, %dma_wait3A_249, %dma_wait3A_250] : memref<8x40x128xf32, #tpu.memory_space<vmem>> -> memref<1x40x128xf32, #tpu.memory_space<vmem>>
    %dma_wait3A_252 = tpu.memref_squeeze %dma_wait3A_251 : memref<1x40x128xf32, #tpu.memory_space<vmem>> -> memref<40x128xf32, #tpu.memory_space<vmem>>
    %dma_wait3A_253 = arith.constant 0 : i32
    %dma_wait3A_254 = tpu.memref_slice %arg6[%dma_wait3A_247, %dma_wait3A_253] : memref<160x40xi32, #tpu.memory_space<vmem>> -> memref<1x40xi32, #tpu.memory_space<vmem>>
    %dma_wait3A_255 = tpu.memref_squeeze %dma_wait3A_254 : memref<1x40xi32, #tpu.memory_space<vmem>> -> memref<40xi32, #tpu.memory_space<vmem>>
    %dma_wait3A_256 = arith.constant 0 : i32
    %dma_wait3A_257 = arith.constant 0 : i32
    %dma_wait3A_258 = tpu.memref_slice %arg3[%dma_wait3A_256, %dma_wait3A_257] : memref<100000x128xf32, #tpu.memory_space<hbm>> -> memref<100000x128xf32, #tpu.memory_space<hbm>>
    tpu.wait_indirect_dma semaphore(%arg13 : memref<!tpu.dma_semaphore, #tpu.memory_space<semaphore_mem>>) src(%dma_wait3A_258 : memref<100000x128xf32, #tpu.memory_space<hbm>>) dst(%dma_wait3A_252 : memref<40x128xf32, #tpu.memory_space<vmem>>)
    %add3A_259 = arith.constant 0 : i32
    %add3A_260 = arith.addi %mul3A_2, %add3A_259 : i32
    %mul3A_261 = arith.constant 216 : i32
    %mul3A_262 = arith.muli %add3A_260, %mul3A_261 : i32
    %add3A_263 = arith.constant 16 : i32
    %add3A_264 = arith.addi %mul3A_262, %add3A_263 : i32
    %add3A_265 = arith.constant 160 : i32
    %add3A_266 = arith.addi %add3A_264, %add3A_265 : i32
    %dma_start3A_267 = arith.constant 4 : i32
    %dma_start3A_268 = arith.constant 0 : i32
    %dma_start3A_269 = arith.constant 0 : i32
    %dma_start3A_270 = tpu.memref_slice %arg7[%dma_start3A_267, %dma_start3A_268, %dma_start3A_269] : memref<8x40x128xf32, #tpu.memory_space<vmem>> -> memref<1x40x128xf32, #tpu.memory_space<vmem>>
    %dma_start3A_271 = tpu.memref_squeeze %dma_start3A_270 : memref<1x40x128xf32, #tpu.memory_space<vmem>> -> memref<40x128xf32, #tpu.memory_space<vmem>>
    %dma_start3A_272 = arith.constant 0 : i32
    %dma_start3A_273 = tpu.memref_slice %arg5[%add3A_266, %dma_start3A_272] : memref<221184x128xf32, #tpu.memory_space<hbm>> -> memref<40x128xf32, #tpu.memory_space<hbm>>
    %dma_start3A_274 = arith.constant 0 : i32
    %dma_start3A_275 = tpu.memref_slice %arg5[%add3A_266, %dma_start3A_274] : memref<221184x128xf32, #tpu.memory_space<hbm>> -> memref<40x128xf32, #tpu.memory_space<hbm>>
    %dma_start3A_276 = arith.constant 0 : i32
    %dma_start3A_277 = arith.constant 0 : i32
    %dma_start3A_278 = tpu.memref_slice %arg7[%dma_start3A_267, %dma_start3A_276, %dma_start3A_277] : memref<8x40x128xf32, #tpu.memory_space<vmem>> -> memref<1x40x128xf32, #tpu.memory_space<vmem>>
    %dma_start3A_279 = tpu.memref_squeeze %dma_start3A_278 : memref<1x40x128xf32, #tpu.memory_space<vmem>> -> memref<40x128xf32, #tpu.memory_space<vmem>>
    tpu.enqueue_dma source(%dma_start3A_279 : memref<40x128xf32, #tpu.memory_space<vmem>>) target(%dma_start3A_275 : memref<40x128xf32, #tpu.memory_space<hbm>>) target_semaphore(%arg21 : memref<!tpu.dma_semaphore, #tpu.memory_space<semaphore_mem>>)
    %dma_wait3A_280 = arith.constant 5 : i32
    %dma_wait3A_281 = arith.constant 5 : i32
    %dma_wait3A_282 = arith.constant 0 : i32
    %dma_wait3A_283 = arith.constant 0 : i32
    %dma_wait3A_284 = tpu.memref_slice %arg7[%dma_wait3A_281, %dma_wait3A_282, %dma_wait3A_283] : memref<8x40x128xf32, #tpu.memory_space<vmem>> -> memref<1x40x128xf32, #tpu.memory_space<vmem>>
    %dma_wait3A_285 = tpu.memref_squeeze %dma_wait3A_284 : memref<1x40x128xf32, #tpu.memory_space<vmem>> -> memref<40x128xf32, #tpu.memory_space<vmem>>
    %dma_wait3A_286 = arith.constant 0 : i32
    %dma_wait3A_287 = tpu.memref_slice %arg6[%dma_wait3A_280, %dma_wait3A_286] : memref<160x40xi32, #tpu.memory_space<vmem>> -> memref<1x40xi32, #tpu.memory_space<vmem>>
    %dma_wait3A_288 = tpu.memref_squeeze %dma_wait3A_287 : memref<1x40xi32, #tpu.memory_space<vmem>> -> memref<40xi32, #tpu.memory_space<vmem>>
    %dma_wait3A_289 = arith.constant 0 : i32
    %dma_wait3A_290 = arith.constant 0 : i32
    %dma_wait3A_291 = tpu.memref_slice %arg3[%dma_wait3A_289, %dma_wait3A_290] : memref<100000x128xf32, #tpu.memory_space<hbm>> -> memref<100000x128xf32, #tpu.memory_space<hbm>>
    tpu.wait_indirect_dma semaphore(%arg14 : memref<!tpu.dma_semaphore, #tpu.memory_space<semaphore_mem>>) src(%dma_wait3A_291 : memref<100000x128xf32, #tpu.memory_space<hbm>>) dst(%dma_wait3A_285 : memref<40x128xf32, #tpu.memory_space<vmem>>)
    %add3A_292 = arith.constant 1 : i32
    %add3A_293 = arith.addi %mul3A_2, %add3A_292 : i32
    %mul3A_294 = arith.constant 216 : i32
    %mul3A_295 = arith.muli %add3A_293, %mul3A_294 : i32
    %add3A_296 = arith.constant 16 : i32
    %add3A_297 = arith.addi %mul3A_295, %add3A_296 : i32
    %add3A_298 = arith.constant 0 : i32
    %add3A_299 = arith.addi %add3A_297, %add3A_298 : i32
    %dma_start3A_300 = arith.constant 5 : i32
    %dma_start3A_301 = arith.constant 0 : i32
    %dma_start3A_302 = arith.constant 0 : i32
    %dma_start3A_303 = tpu.memref_slice %arg7[%dma_start3A_300, %dma_start3A_301, %dma_start3A_302] : memref<8x40x128xf32, #tpu.memory_space<vmem>> -> memref<1x40x128xf32, #tpu.memory_space<vmem>>
    %dma_start3A_304 = tpu.memref_squeeze %dma_start3A_303 : memref<1x40x128xf32, #tpu.memory_space<vmem>> -> memref<40x128xf32, #tpu.memory_space<vmem>>
    %dma_start3A_305 = arith.constant 0 : i32
    %dma_start3A_306 = tpu.memref_slice %arg5[%add3A_299, %dma_start3A_305] : memref<221184x128xf32, #tpu.memory_space<hbm>> -> memref<40x128xf32, #tpu.memory_space<hbm>>
    %dma_start3A_307 = arith.constant 0 : i32
    %dma_start3A_308 = tpu.memref_slice %arg5[%add3A_299, %dma_start3A_307] : memref<221184x128xf32, #tpu.memory_space<hbm>> -> memref<40x128xf32, #tpu.memory_space<hbm>>
    %dma_start3A_309 = arith.constant 0 : i32
    %dma_start3A_310 = arith.constant 0 : i32
    %dma_start3A_311 = tpu.memref_slice %arg7[%dma_start3A_300, %dma_start3A_309, %dma_start3A_310] : memref<8x40x128xf32, #tpu.memory_space<vmem>> -> memref<1x40x128xf32, #tpu.memory_space<vmem>>
    %dma_start3A_312 = tpu.memref_squeeze %dma_start3A_311 : memref<1x40x128xf32, #tpu.memory_space<vmem>> -> memref<40x128xf32, #tpu.memory_space<vmem>>
    tpu.enqueue_dma source(%dma_start3A_312 : memref<40x128xf32, #tpu.memory_space<vmem>>) target(%dma_start3A_308 : memref<40x128xf32, #tpu.memory_space<hbm>>) target_semaphore(%arg22 : memref<!tpu.dma_semaphore, #tpu.memory_space<semaphore_mem>>)
    %dma_wait3A_313 = arith.constant 6 : i32
    %dma_wait3A_314 = arith.constant 6 : i32
    %dma_wait3A_315 = arith.constant 0 : i32
    %dma_wait3A_316 = arith.constant 0 : i32
    %dma_wait3A_317 = tpu.memref_slice %arg7[%dma_wait3A_314, %dma_wait3A_315, %dma_wait3A_316] : memref<8x40x128xf32, #tpu.memory_space<vmem>> -> memref<1x40x128xf32, #tpu.memory_space<vmem>>
    %dma_wait3A_318 = tpu.memref_squeeze %dma_wait3A_317 : memref<1x40x128xf32, #tpu.memory_space<vmem>> -> memref<40x128xf32, #tpu.memory_space<vmem>>
    %dma_wait3A_319 = arith.constant 0 : i32
    %dma_wait3A_320 = tpu.memref_slice %arg6[%dma_wait3A_313, %dma_wait3A_319] : memref<160x40xi32, #tpu.memory_space<vmem>> -> memref<1x40xi32, #tpu.memory_space<vmem>>
    %dma_wait3A_321 = tpu.memref_squeeze %dma_wait3A_320 : memref<1x40xi32, #tpu.memory_space<vmem>> -> memref<40xi32, #tpu.memory_space<vmem>>
    %dma_wait3A_322 = arith.constant 0 : i32
    %dma_wait3A_323 = arith.constant 0 : i32
    %dma_wait3A_324 = tpu.memref_slice %arg3[%dma_wait3A_322, %dma_wait3A_323] : memref<100000x128xf32, #tpu.memory_space<hbm>> -> memref<100000x128xf32, #tpu.memory_space<hbm>>
    tpu.wait_indirect_dma semaphore(%arg15 : memref<!tpu.dma_semaphore, #tpu.memory_space<semaphore_mem>>) src(%dma_wait3A_324 : memref<100000x128xf32, #tpu.memory_space<hbm>>) dst(%dma_wait3A_318 : memref<40x128xf32, #tpu.memory_space<vmem>>)
    %add3A_325 = arith.constant 1 : i32
    %add3A_326 = arith.addi %mul3A_2, %add3A_325 : i32
    %mul3A_327 = arith.constant 216 : i32
    %mul3A_328 = arith.muli %add3A_326, %mul3A_327 : i32
    %add3A_329 = arith.constant 16 : i32
    %add3A_330 = arith.addi %mul3A_328, %add3A_329 : i32
    %add3A_331 = arith.constant 40 : i32
    %add3A_332 = arith.addi %add3A_330, %add3A_331 : i32
    %dma_start3A_333 = arith.constant 6 : i32
    %dma_start3A_334 = arith.constant 0 : i32
    %dma_start3A_335 = arith.constant 0 : i32
    %dma_start3A_336 = tpu.memref_slice %arg7[%dma_start3A_333, %dma_start3A_334, %dma_start3A_335] : memref<8x40x128xf32, #tpu.memory_space<vmem>> -> memref<1x40x128xf32, #tpu.memory_space<vmem>>
    %dma_start3A_337 = tpu.memref_squeeze %dma_start3A_336 : memref<1x40x128xf32, #tpu.memory_space<vmem>> -> memref<40x128xf32, #tpu.memory_space<vmem>>
    %dma_start3A_338 = arith.constant 0 : i32
    %dma_start3A_339 = tpu.memref_slice %arg5[%add3A_332, %dma_start3A_338] : memref<221184x128xf32, #tpu.memory_space<hbm>> -> memref<40x128xf32, #tpu.memory_space<hbm>>
    %dma_start3A_340 = arith.constant 0 : i32
    %dma_start3A_341 = tpu.memref_slice %arg5[%add3A_332, %dma_start3A_340] : memref<221184x128xf32, #tpu.memory_space<hbm>> -> memref<40x128xf32, #tpu.memory_space<hbm>>
    %dma_start3A_342 = arith.constant 0 : i32
    %dma_start3A_343 = arith.constant 0 : i32
    %dma_start3A_344 = tpu.memref_slice %arg7[%dma_start3A_333, %dma_start3A_342, %dma_start3A_343] : memref<8x40x128xf32, #tpu.memory_space<vmem>> -> memref<1x40x128xf32, #tpu.memory_space<vmem>>
    %dma_start3A_345 = tpu.memref_squeeze %dma_start3A_344 : memref<1x40x128xf32, #tpu.memory_space<vmem>> -> memref<40x128xf32, #tpu.memory_space<vmem>>
    tpu.enqueue_dma source(%dma_start3A_345 : memref<40x128xf32, #tpu.memory_space<vmem>>) target(%dma_start3A_341 : memref<40x128xf32, #tpu.memory_space<hbm>>) target_semaphore(%arg23 : memref<!tpu.dma_semaphore, #tpu.memory_space<semaphore_mem>>)
    %dma_wait3A_346 = arith.constant 7 : i32
    %dma_wait3A_347 = arith.constant 7 : i32
    %dma_wait3A_348 = arith.constant 0 : i32
    %dma_wait3A_349 = arith.constant 0 : i32
    %dma_wait3A_350 = tpu.memref_slice %arg7[%dma_wait3A_347, %dma_wait3A_348, %dma_wait3A_349] : memref<8x40x128xf32, #tpu.memory_space<vmem>> -> memref<1x40x128xf32, #tpu.memory_space<vmem>>
    %dma_wait3A_351 = tpu.memref_squeeze %dma_wait3A_350 : memref<1x40x128xf32, #tpu.memory_space<vmem>> -> memref<40x128xf32, #tpu.memory_space<vmem>>
    %dma_wait3A_352 = arith.constant 0 : i32
    %dma_wait3A_353 = tpu.memref_slice %arg6[%dma_wait3A_346, %dma_wait3A_352] : memref<160x40xi32, #tpu.memory_space<vmem>> -> memref<1x40xi32, #tpu.memory_space<vmem>>
    %dma_wait3A_354 = tpu.memref_squeeze %dma_wait3A_353 : memref<1x40xi32, #tpu.memory_space<vmem>> -> memref<40xi32, #tpu.memory_space<vmem>>
    %dma_wait3A_355 = arith.constant 0 : i32
    %dma_wait3A_356 = arith.constant 0 : i32
    %dma_wait3A_357 = tpu.memref_slice %arg3[%dma_wait3A_355, %dma_wait3A_356] : memref<100000x128xf32, #tpu.memory_space<hbm>> -> memref<100000x128xf32, #tpu.memory_space<hbm>>
    tpu.wait_indirect_dma semaphore(%arg16 : memref<!tpu.dma_semaphore, #tpu.memory_space<semaphore_mem>>) src(%dma_wait3A_357 : memref<100000x128xf32, #tpu.memory_space<hbm>>) dst(%dma_wait3A_351 : memref<40x128xf32, #tpu.memory_space<vmem>>)
    %add3A_358 = arith.constant 1 : i32
    %add3A_359 = arith.addi %mul3A_2, %add3A_358 : i32
    %mul3A_360 = arith.constant 216 : i32
    %mul3A_361 = arith.muli %add3A_359, %mul3A_360 : i32
    %add3A_362 = arith.constant 16 : i32
    %add3A_363 = arith.addi %mul3A_361, %add3A_362 : i32
    %add3A_364 = arith.constant 80 : i32
    %add3A_365 = arith.addi %add3A_363, %add3A_364 : i32
    %dma_start3A_366 = arith.constant 7 : i32
    %dma_start3A_367 = arith.constant 0 : i32
    %dma_start3A_368 = arith.constant 0 : i32
    %dma_start3A_369 = tpu.memref_slice %arg7[%dma_start3A_366, %dma_start3A_367, %dma_start3A_368] : memref<8x40x128xf32, #tpu.memory_space<vmem>> -> memref<1x40x128xf32, #tpu.memory_space<vmem>>
    %dma_start3A_370 = tpu.memref_squeeze %dma_start3A_369 : memref<1x40x128xf32, #tpu.memory_space<vmem>> -> memref<40x128xf32, #tpu.memory_space<vmem>>
    %dma_start3A_371 = arith.constant 0 : i32
    %dma_start3A_372 = tpu.memref_slice %arg5[%add3A_365, %dma_start3A_371] : memref<221184x128xf32, #tpu.memory_space<hbm>> -> memref<40x128xf32, #tpu.memory_space<hbm>>
    %dma_start3A_373 = arith.constant 0 : i32
    %dma_start3A_374 = tpu.memref_slice %arg5[%add3A_365, %dma_start3A_373] : memref<221184x128xf32, #tpu.memory_space<hbm>> -> memref<40x128xf32, #tpu.memory_space<hbm>>
    %dma_start3A_375 = arith.constant 0 : i32
    %dma_start3A_376 = arith.constant 0 : i32
    %dma_start3A_377 = tpu.memref_slice %arg7[%dma_start3A_366, %dma_start3A_375, %dma_start3A_376] : memref<8x40x128xf32, #tpu.memory_space<vmem>> -> memref<1x40x128xf32, #tpu.memory_space<vmem>>
    %dma_start3A_378 = tpu.memref_squeeze %dma_start3A_377 : memref<1x40x128xf32, #tpu.memory_space<vmem>> -> memref<40x128xf32, #tpu.memory_space<vmem>>
    tpu.enqueue_dma source(%dma_start3A_378 : memref<40x128xf32, #tpu.memory_space<vmem>>) target(%dma_start3A_374 : memref<40x128xf32, #tpu.memory_space<hbm>>) target_semaphore(%arg24 : memref<!tpu.dma_semaphore, #tpu.memory_space<semaphore_mem>>)
    %scan3A = arith.constant 0 : i32
    %scan3A_379 = arith.constant 19 : i32
    %scan3A_380 = arith.addi %scan3A, %scan3A_379 : i32
    %scan3A_381 = arith.constant 1 : i32
    scf.for %scan3A_508 = %scan3A to %scan3A_380 step %scan3A_381  : i32 {
      %mul3A_509 = arith.constant 8 : i32
      %mul3A_510 = arith.muli %scan3A_508, %mul3A_509 : i32
      %add3A_511 = arith.constant 8 : i32
      %add3A_512 = arith.addi %add3A_511, %mul3A_510 : i32
      %add3A_513 = arith.constant 0 : i32
      %add3A_514 = arith.addi %add3A_512, %add3A_513 : i32
      %dma_wait3A_515 = arith.constant 0 : i32
      %dma_wait3A_516 = arith.constant 0 : i32
      %dma_wait3A_517 = arith.constant 0 : i32
      %dma_wait3A_518 = tpu.memref_slice %arg7[%dma_wait3A_515, %dma_wait3A_516, %dma_wait3A_517] : memref<8x40x128xf32, #tpu.memory_space<vmem>> -> memref<1x40x128xf32, #tpu.memory_space<vmem>>
      %dma_wait3A_519 = tpu.memref_squeeze %dma_wait3A_518 : memref<1x40x128xf32, #tpu.memory_space<vmem>> -> memref<40x128xf32, #tpu.memory_space<vmem>>
      %dma_wait3A_520 = arith.constant 0 : i32
      %dma_wait3A_521 = arith.constant 0 : i32
      %dma_wait3A_522 = tpu.memref_slice %arg5[%dma_wait3A_520, %dma_wait3A_521] : memref<221184x128xf32, #tpu.memory_space<hbm>> -> memref<40x128xf32, #tpu.memory_space<hbm>>
      %dma_wait3A_523 = arith.constant 0 : i32
      %dma_wait3A_524 = arith.constant 0 : i32
      %dma_wait3A_525 = tpu.memref_slice %arg5[%dma_wait3A_523, %dma_wait3A_524] : memref<221184x128xf32, #tpu.memory_space<hbm>> -> memref<40x128xf32, #tpu.memory_space<hbm>>
      %dma_wait3A_526 = arith.constant 0 : i32
      %dma_wait3A_527 = arith.constant 0 : i32
      %dma_wait3A_528 = tpu.memref_slice %arg7[%dma_wait3A_515, %dma_wait3A_526, %dma_wait3A_527] : memref<8x40x128xf32, #tpu.memory_space<vmem>> -> memref<1x40x128xf32, #tpu.memory_space<vmem>>
      %dma_wait3A_529 = tpu.memref_squeeze %dma_wait3A_528 : memref<1x40x128xf32, #tpu.memory_space<vmem>> -> memref<40x128xf32, #tpu.memory_space<vmem>>
      tpu.wait_dma2 semaphore(%arg17 : memref<!tpu.dma_semaphore, #tpu.memory_space<semaphore_mem>>) src(%dma_wait3A_529 : memref<40x128xf32, #tpu.memory_space<vmem>>) dst(%dma_wait3A_525 : memref<40x128xf32, #tpu.memory_space<hbm>>)
      %dma_start3A_530 = arith.constant 0 : i32
      %dma_start3A_531 = arith.constant 0 : i32
      %dma_start3A_532 = arith.constant 0 : i32
      %dma_start3A_533 = tpu.memref_slice %arg7[%dma_start3A_530, %dma_start3A_531, %dma_start3A_532] : memref<8x40x128xf32, #tpu.memory_space<vmem>> -> memref<1x40x128xf32, #tpu.memory_space<vmem>>
      %dma_start3A_534 = tpu.memref_squeeze %dma_start3A_533 : memref<1x40x128xf32, #tpu.memory_space<vmem>> -> memref<40x128xf32, #tpu.memory_space<vmem>>
      %dma_start3A_535 = arith.constant 0 : i32
      %dma_start3A_536 = tpu.memref_slice %arg6[%add3A_514, %dma_start3A_535] : memref<160x40xi32, #tpu.memory_space<vmem>> -> memref<1x40xi32, #tpu.memory_space<vmem>>
      %dma_start3A_537 = tpu.memref_squeeze %dma_start3A_536 : memref<1x40xi32, #tpu.memory_space<vmem>> -> memref<40xi32, #tpu.memory_space<vmem>>
      %dma_start3A_538 = arith.constant 0 : i32
      %dma_start3A_539 = arith.constant 0 : i32
      %dma_start3A_540 = tpu.memref_slice %arg3[%dma_start3A_538, %dma_start3A_539] : memref<100000x128xf32, #tpu.memory_space<hbm>> -> memref<100000x128xf32, #tpu.memory_space<hbm>>
      tpu.enqueue_indirect_dma source(%dma_start3A_540 : memref<100000x128xf32, #tpu.memory_space<hbm>>) target(%dma_start3A_534 : memref<40x128xf32, #tpu.memory_space<vmem>>) offsets(%dma_start3A_537 : memref<40xi32, #tpu.memory_space<vmem>>) semaphore(%arg9 : memref<!tpu.dma_semaphore, #tpu.memory_space<semaphore_mem>>)
      %jit3A = arith.constant 5 : i32
      %eq3A = arith.constant 0 : i32
      %eq3A_541 = arith.cmpi eq, %jit3A, %eq3A : i32
      %jit3A_542 = arith.constant 1 : i32
      %select_n3A = arith.select %eq3A_541, %jit3A_542, %jit3A : i32
      %rem3A = arith.remsi %add3A_514, %select_n3A : i32
      %ne3A = arith.constant 0 : i32
      %ne3A_543 = arith.cmpi ne, %rem3A, %ne3A : i32
      %lt3A = arith.constant 0 : i32
      %lt3A_544 = arith.cmpi slt, %rem3A, %lt3A : i32
      %lt3A_545 = arith.constant 0 : i32
      %lt3A_546 = arith.cmpi slt, %select_n3A, %lt3A_545 : i32
      %ne3A_547 = arith.xori %lt3A_544, %lt3A_546 : i1
      %and3A = arith.andi %ne3A_547, %ne3A_543 : i1
      %add3A_548 = arith.addi %rem3A, %select_n3A : i32
      %select_n3A_549 = arith.select %and3A, %add3A_548, %rem3A : i32
      %eq3A_550 = arith.constant 0 : i32
      %eq3A_551 = arith.cmpi eq, %select_n3A_549, %eq3A_550 : i32
      %convert_element_type3A = arith.extui %eq3A_551 : i1 to i32
      %cond3A = arith.constant 0 : i32
      %cond3A_552 = arith.cmpi ne, %convert_element_type3A, %cond3A : i32
      scf.if %cond3A_552 {
        %jit3A_1485 = arith.constant 5 : i32
        %div3A_1486 = arith.divsi %add3A_514, %jit3A_1485 : i32
        %sign3A_1487 = arith.constant 0 : i32
        %sign3A_1488 = arith.cmpi sgt, %add3A_514, %sign3A_1487 : i32
        %sign3A_1489 = arith.extui %sign3A_1488 : i1 to i32
        %sign3A_1490 = arith.constant 0 : i32
        %sign3A_1491 = arith.cmpi slt, %add3A_514, %sign3A_1490 : i32
        %sign3A_1492 = arith.extui %sign3A_1491 : i1 to i32
        %sign3A_1493 = arith.subi %sign3A_1489, %sign3A_1492 : i32
        %sign3A_1494 = arith.constant 0 : i32
        %sign3A_1495 = arith.cmpi sgt, %jit3A_1485, %sign3A_1494 : i32
        %sign3A_1496 = arith.extui %sign3A_1495 : i1 to i32
        %sign3A_1497 = arith.constant 0 : i32
        %sign3A_1498 = arith.cmpi slt, %jit3A_1485, %sign3A_1497 : i32
        %sign3A_1499 = arith.extui %sign3A_1498 : i1 to i32
        %sign3A_1500 = arith.subi %sign3A_1496, %sign3A_1499 : i32
        %ne3A_1501 = arith.cmpi ne, %sign3A_1493, %sign3A_1500 : i32
        %rem3A_1502 = arith.remsi %add3A_514, %jit3A_1485 : i32
        %ne3A_1503 = arith.constant 0 : i32
        %ne3A_1504 = arith.cmpi ne, %rem3A_1502, %ne3A_1503 : i32
        %and3A_1505 = arith.andi %ne3A_1501, %ne3A_1504 : i1
        %sub3A_1506 = arith.constant 1 : i32
        %sub3A_1507 = arith.subi %div3A_1486, %sub3A_1506 : i32
        %select_n3A_1508 = arith.select %and3A_1505, %sub3A_1507, %div3A_1486 : i32
        %add3A_1509 = arith.addi %mul3A_2, %select_n3A_1508 : i32
        %mul3A_1510 = arith.constant 216 : i32
        %mul3A_1511 = arith.muli %add3A_1509, %mul3A_1510 : i32
        %dma_start3A_1512 = arith.constant 0 : i32
        %dma_start3A_1513 = tpu.memref_slice %arg5[%mul3A_1511, %dma_start3A_1512] : memref<221184x128xf32, #tpu.memory_space<hbm>> -> memref<16x128xf32, #tpu.memory_space<hbm>>
        %dma_start3A_1514 = arith.constant 0 : i32
        %dma_start3A_1515 = tpu.memref_slice %arg5[%mul3A_1511, %dma_start3A_1514] : memref<221184x128xf32, #tpu.memory_space<hbm>> -> memref<16x128xf32, #tpu.memory_space<hbm>>
        tpu.enqueue_dma source(%arg8 : memref<16x128xf32, #tpu.memory_space<vmem>>) target(%dma_start3A_1515 : memref<16x128xf32, #tpu.memory_space<hbm>>) target_semaphore(%arg25 : memref<!tpu.dma_semaphore, #tpu.memory_space<semaphore_mem>>)
      } else {
      }
      %add3A_553 = arith.constant 1 : i32
      %add3A_554 = arith.addi %add3A_512, %add3A_553 : i32
      %dma_wait3A_555 = arith.constant 1 : i32
      %dma_wait3A_556 = arith.constant 0 : i32
      %dma_wait3A_557 = arith.constant 0 : i32
      %dma_wait3A_558 = tpu.memref_slice %arg7[%dma_wait3A_555, %dma_wait3A_556, %dma_wait3A_557] : memref<8x40x128xf32, #tpu.memory_space<vmem>> -> memref<1x40x128xf32, #tpu.memory_space<vmem>>
      %dma_wait3A_559 = tpu.memref_squeeze %dma_wait3A_558 : memref<1x40x128xf32, #tpu.memory_space<vmem>> -> memref<40x128xf32, #tpu.memory_space<vmem>>
      %dma_wait3A_560 = arith.constant 0 : i32
      %dma_wait3A_561 = arith.constant 0 : i32
      %dma_wait3A_562 = tpu.memref_slice %arg5[%dma_wait3A_560, %dma_wait3A_561] : memref<221184x128xf32, #tpu.memory_space<hbm>> -> memref<40x128xf32, #tpu.memory_space<hbm>>
      %dma_wait3A_563 = arith.constant 0 : i32
      %dma_wait3A_564 = arith.constant 0 : i32
      %dma_wait3A_565 = tpu.memref_slice %arg5[%dma_wait3A_563, %dma_wait3A_564] : memref<221184x128xf32, #tpu.memory_space<hbm>> -> memref<40x128xf32, #tpu.memory_space<hbm>>
      %dma_wait3A_566 = arith.constant 0 : i32
      %dma_wait3A_567 = arith.constant 0 : i32
      %dma_wait3A_568 = tpu.memref_slice %arg7[%dma_wait3A_555, %dma_wait3A_566, %dma_wait3A_567] : memref<8x40x128xf32, #tpu.memory_space<vmem>> -> memref<1x40x128xf32, #tpu.memory_space<vmem>>
      %dma_wait3A_569 = tpu.memref_squeeze %dma_wait3A_568 : memref<1x40x128xf32, #tpu.memory_space<vmem>> -> memref<40x128xf32, #tpu.memory_space<vmem>>
      tpu.wait_dma2 semaphore(%arg18 : memref<!tpu.dma_semaphore, #tpu.memory_space<semaphore_mem>>) src(%dma_wait3A_569 : memref<40x128xf32, #tpu.memory_space<vmem>>) dst(%dma_wait3A_565 : memref<40x128xf32, #tpu.memory_space<hbm>>)
      %dma_start3A_570 = arith.constant 1 : i32
      %dma_start3A_571 = arith.constant 0 : i32
      %dma_start3A_572 = arith.constant 0 : i32
      %dma_start3A_573 = tpu.memref_slice %arg7[%dma_start3A_570, %dma_start3A_571, %dma_start3A_572] : memref<8x40x128xf32, #tpu.memory_space<vmem>> -> memref<1x40x128xf32, #tpu.memory_space<vmem>>
      %dma_start3A_574 = tpu.memref_squeeze %dma_start3A_573 : memref<1x40x128xf32, #tpu.memory_space<vmem>> -> memref<40x128xf32, #tpu.memory_space<vmem>>
      %dma_start3A_575 = arith.constant 0 : i32
      %dma_start3A_576 = tpu.memref_slice %arg6[%add3A_554, %dma_start3A_575] : memref<160x40xi32, #tpu.memory_space<vmem>> -> memref<1x40xi32, #tpu.memory_space<vmem>>
      %dma_start3A_577 = tpu.memref_squeeze %dma_start3A_576 : memref<1x40xi32, #tpu.memory_space<vmem>> -> memref<40xi32, #tpu.memory_space<vmem>>
      %dma_start3A_578 = arith.constant 0 : i32
      %dma_start3A_579 = arith.constant 0 : i32
      %dma_start3A_580 = tpu.memref_slice %arg3[%dma_start3A_578, %dma_start3A_579] : memref<100000x128xf32, #tpu.memory_space<hbm>> -> memref<100000x128xf32, #tpu.memory_space<hbm>>
      tpu.enqueue_indirect_dma source(%dma_start3A_580 : memref<100000x128xf32, #tpu.memory_space<hbm>>) target(%dma_start3A_574 : memref<40x128xf32, #tpu.memory_space<vmem>>) offsets(%dma_start3A_577 : memref<40xi32, #tpu.memory_space<vmem>>) semaphore(%arg10 : memref<!tpu.dma_semaphore, #tpu.memory_space<semaphore_mem>>)
      %jit3A_581 = arith.constant 5 : i32
      %eq3A_582 = arith.constant 0 : i32
      %eq3A_583 = arith.cmpi eq, %jit3A_581, %eq3A_582 : i32
      %jit3A_584 = arith.constant 1 : i32
      %select_n3A_585 = arith.select %eq3A_583, %jit3A_584, %jit3A_581 : i32
      %rem3A_586 = arith.remsi %add3A_554, %select_n3A_585 : i32
      %ne3A_587 = arith.constant 0 : i32
      %ne3A_588 = arith.cmpi ne, %rem3A_586, %ne3A_587 : i32
      %lt3A_589 = arith.constant 0 : i32
      %lt3A_590 = arith.cmpi slt, %rem3A_586, %lt3A_589 : i32
      %lt3A_591 = arith.constant 0 : i32
      %lt3A_592 = arith.cmpi slt, %select_n3A_585, %lt3A_591 : i32
      %ne3A_593 = arith.xori %lt3A_590, %lt3A_592 : i1
      %and3A_594 = arith.andi %ne3A_593, %ne3A_588 : i1
      %add3A_595 = arith.addi %rem3A_586, %select_n3A_585 : i32
      %select_n3A_596 = arith.select %and3A_594, %add3A_595, %rem3A_586 : i32
      %eq3A_597 = arith.constant 0 : i32
      %eq3A_598 = arith.cmpi eq, %select_n3A_596, %eq3A_597 : i32
      %convert_element_type3A_599 = arith.extui %eq3A_598 : i1 to i32
      %cond3A_600 = arith.constant 0 : i32
      %cond3A_601 = arith.cmpi ne, %convert_element_type3A_599, %cond3A_600 : i32
      scf.if %cond3A_601 {
        %jit3A_1485 = arith.constant 5 : i32
        %div3A_1486 = arith.divsi %add3A_554, %jit3A_1485 : i32
        %sign3A_1487 = arith.constant 0 : i32
        %sign3A_1488 = arith.cmpi sgt, %add3A_554, %sign3A_1487 : i32
        %sign3A_1489 = arith.extui %sign3A_1488 : i1 to i32
        %sign3A_1490 = arith.constant 0 : i32
        %sign3A_1491 = arith.cmpi slt, %add3A_554, %sign3A_1490 : i32
        %sign3A_1492 = arith.extui %sign3A_1491 : i1 to i32
        %sign3A_1493 = arith.subi %sign3A_1489, %sign3A_1492 : i32
        %sign3A_1494 = arith.constant 0 : i32
        %sign3A_1495 = arith.cmpi sgt, %jit3A_1485, %sign3A_1494 : i32
        %sign3A_1496 = arith.extui %sign3A_1495 : i1 to i32
        %sign3A_1497 = arith.constant 0 : i32
        %sign3A_1498 = arith.cmpi slt, %jit3A_1485, %sign3A_1497 : i32
        %sign3A_1499 = arith.extui %sign3A_1498 : i1 to i32
        %sign3A_1500 = arith.subi %sign3A_1496, %sign3A_1499 : i32
        %ne3A_1501 = arith.cmpi ne, %sign3A_1493, %sign3A_1500 : i32
        %rem3A_1502 = arith.remsi %add3A_554, %jit3A_1485 : i32
        %ne3A_1503 = arith.constant 0 : i32
        %ne3A_1504 = arith.cmpi ne, %rem3A_1502, %ne3A_1503 : i32
        %and3A_1505 = arith.andi %ne3A_1501, %ne3A_1504 : i1
        %sub3A_1506 = arith.constant 1 : i32
        %sub3A_1507 = arith.subi %div3A_1486, %sub3A_1506 : i32
        %select_n3A_1508 = arith.select %and3A_1505, %sub3A_1507, %div3A_1486 : i32
        %add3A_1509 = arith.addi %mul3A_2, %select_n3A_1508 : i32
        %mul3A_1510 = arith.constant 216 : i32
        %mul3A_1511 = arith.muli %add3A_1509, %mul3A_1510 : i32
        %dma_start3A_1512 = arith.constant 0 : i32
        %dma_start3A_1513 = tpu.memref_slice %arg5[%mul3A_1511, %dma_start3A_1512] : memref<221184x128xf32, #tpu.memory_space<hbm>> -> memref<16x128xf32, #tpu.memory_space<hbm>>
        %dma_start3A_1514 = arith.constant 0 : i32
        %dma_start3A_1515 = tpu.memref_slice %arg5[%mul3A_1511, %dma_start3A_1514] : memref<221184x128xf32, #tpu.memory_space<hbm>> -> memref<16x128xf32, #tpu.memory_space<hbm>>
        tpu.enqueue_dma source(%arg8 : memref<16x128xf32, #tpu.memory_space<vmem>>) target(%dma_start3A_1515 : memref<16x128xf32, #tpu.memory_space<hbm>>) target_semaphore(%arg25 : memref<!tpu.dma_semaphore, #tpu.memory_space<semaphore_mem>>)
      } else {
      }
      %add3A_602 = arith.constant 2 : i32
      %add3A_603 = arith.addi %add3A_512, %add3A_602 : i32
      %dma_wait3A_604 = arith.constant 2 : i32
      %dma_wait3A_605 = arith.constant 0 : i32
      %dma_wait3A_606 = arith.constant 0 : i32
      %dma_wait3A_607 = tpu.memref_slice %arg7[%dma_wait3A_604, %dma_wait3A_605, %dma_wait3A_606] : memref<8x40x128xf32, #tpu.memory_space<vmem>> -> memref<1x40x128xf32, #tpu.memory_space<vmem>>
      %dma_wait3A_608 = tpu.memref_squeeze %dma_wait3A_607 : memref<1x40x128xf32, #tpu.memory_space<vmem>> -> memref<40x128xf32, #tpu.memory_space<vmem>>
      %dma_wait3A_609 = arith.constant 0 : i32
      %dma_wait3A_610 = arith.constant 0 : i32
      %dma_wait3A_611 = tpu.memref_slice %arg5[%dma_wait3A_609, %dma_wait3A_610] : memref<221184x128xf32, #tpu.memory_space<hbm>> -> memref<40x128xf32, #tpu.memory_space<hbm>>
      %dma_wait3A_612 = arith.constant 0 : i32
      %dma_wait3A_613 = arith.constant 0 : i32
      %dma_wait3A_614 = tpu.memref_slice %arg5[%dma_wait3A_612, %dma_wait3A_613] : memref<221184x128xf32, #tpu.memory_space<hbm>> -> memref<40x128xf32, #tpu.memory_space<hbm>>
      %dma_wait3A_615 = arith.constant 0 : i32
      %dma_wait3A_616 = arith.constant 0 : i32
      %dma_wait3A_617 = tpu.memref_slice %arg7[%dma_wait3A_604, %dma_wait3A_615, %dma_wait3A_616] : memref<8x40x128xf32, #tpu.memory_space<vmem>> -> memref<1x40x128xf32, #tpu.memory_space<vmem>>
      %dma_wait3A_618 = tpu.memref_squeeze %dma_wait3A_617 : memref<1x40x128xf32, #tpu.memory_space<vmem>> -> memref<40x128xf32, #tpu.memory_space<vmem>>
      tpu.wait_dma2 semaphore(%arg19 : memref<!tpu.dma_semaphore, #tpu.memory_space<semaphore_mem>>) src(%dma_wait3A_618 : memref<40x128xf32, #tpu.memory_space<vmem>>) dst(%dma_wait3A_614 : memref<40x128xf32, #tpu.memory_space<hbm>>)
      %dma_start3A_619 = arith.constant 2 : i32
      %dma_start3A_620 = arith.constant 0 : i32
      %dma_start3A_621 = arith.constant 0 : i32
      %dma_start3A_622 = tpu.memref_slice %arg7[%dma_start3A_619, %dma_start3A_620, %dma_start3A_621] : memref<8x40x128xf32, #tpu.memory_space<vmem>> -> memref<1x40x128xf32, #tpu.memory_space<vmem>>
      %dma_start3A_623 = tpu.memref_squeeze %dma_start3A_622 : memref<1x40x128xf32, #tpu.memory_space<vmem>> -> memref<40x128xf32, #tpu.memory_space<vmem>>
      %dma_start3A_624 = arith.constant 0 : i32
      %dma_start3A_625 = tpu.memref_slice %arg6[%add3A_603, %dma_start3A_624] : memref<160x40xi32, #tpu.memory_space<vmem>> -> memref<1x40xi32, #tpu.memory_space<vmem>>
      %dma_start3A_626 = tpu.memref_squeeze %dma_start3A_625 : memref<1x40xi32, #tpu.memory_space<vmem>> -> memref<40xi32, #tpu.memory_space<vmem>>
      %dma_start3A_627 = arith.constant 0 : i32
      %dma_start3A_628 = arith.constant 0 : i32
      %dma_start3A_629 = tpu.memref_slice %arg3[%dma_start3A_627, %dma_start3A_628] : memref<100000x128xf32, #tpu.memory_space<hbm>> -> memref<100000x128xf32, #tpu.memory_space<hbm>>
      tpu.enqueue_indirect_dma source(%dma_start3A_629 : memref<100000x128xf32, #tpu.memory_space<hbm>>) target(%dma_start3A_623 : memref<40x128xf32, #tpu.memory_space<vmem>>) offsets(%dma_start3A_626 : memref<40xi32, #tpu.memory_space<vmem>>) semaphore(%arg11 : memref<!tpu.dma_semaphore, #tpu.memory_space<semaphore_mem>>)
      %jit3A_630 = arith.constant 5 : i32
      %eq3A_631 = arith.constant 0 : i32
      %eq3A_632 = arith.cmpi eq, %jit3A_630, %eq3A_631 : i32
      %jit3A_633 = arith.constant 1 : i32
      %select_n3A_634 = arith.select %eq3A_632, %jit3A_633, %jit3A_630 : i32
      %rem3A_635 = arith.remsi %add3A_603, %select_n3A_634 : i32
      %ne3A_636 = arith.constant 0 : i32
      %ne3A_637 = arith.cmpi ne, %rem3A_635, %ne3A_636 : i32
      %lt3A_638 = arith.constant 0 : i32
      %lt3A_639 = arith.cmpi slt, %rem3A_635, %lt3A_638 : i32
      %lt3A_640 = arith.constant 0 : i32
      %lt3A_641 = arith.cmpi slt, %select_n3A_634, %lt3A_640 : i32
      %ne3A_642 = arith.xori %lt3A_639, %lt3A_641 : i1
      %and3A_643 = arith.andi %ne3A_642, %ne3A_637 : i1
      %add3A_644 = arith.addi %rem3A_635, %select_n3A_634 : i32
      %select_n3A_645 = arith.select %and3A_643, %add3A_644, %rem3A_635 : i32
      %eq3A_646 = arith.constant 0 : i32
      %eq3A_647 = arith.cmpi eq, %select_n3A_645, %eq3A_646 : i32
      %convert_element_type3A_648 = arith.extui %eq3A_647 : i1 to i32
      %cond3A_649 = arith.constant 0 : i32
      %cond3A_650 = arith.cmpi ne, %convert_element_type3A_648, %cond3A_649 : i32
      scf.if %cond3A_650 {
        %jit3A_1485 = arith.constant 5 : i32
        %div3A_1486 = arith.divsi %add3A_603, %jit3A_1485 : i32
        %sign3A_1487 = arith.constant 0 : i32
        %sign3A_1488 = arith.cmpi sgt, %add3A_603, %sign3A_1487 : i32
        %sign3A_1489 = arith.extui %sign3A_1488 : i1 to i32
        %sign3A_1490 = arith.constant 0 : i32
        %sign3A_1491 = arith.cmpi slt, %add3A_603, %sign3A_1490 : i32
        %sign3A_1492 = arith.extui %sign3A_1491 : i1 to i32
        %sign3A_1493 = arith.subi %sign3A_1489, %sign3A_1492 : i32
        %sign3A_1494 = arith.constant 0 : i32
        %sign3A_1495 = arith.cmpi sgt, %jit3A_1485, %sign3A_1494 : i32
        %sign3A_1496 = arith.extui %sign3A_1495 : i1 to i32
        %sign3A_1497 = arith.constant 0 : i32
        %sign3A_1498 = arith.cmpi slt, %jit3A_1485, %sign3A_1497 : i32
        %sign3A_1499 = arith.extui %sign3A_1498 : i1 to i32
        %sign3A_1500 = arith.subi %sign3A_1496, %sign3A_1499 : i32
        %ne3A_1501 = arith.cmpi ne, %sign3A_1493, %sign3A_1500 : i32
        %rem3A_1502 = arith.remsi %add3A_603, %jit3A_1485 : i32
        %ne3A_1503 = arith.constant 0 : i32
        %ne3A_1504 = arith.cmpi ne, %rem3A_1502, %ne3A_1503 : i32
        %and3A_1505 = arith.andi %ne3A_1501, %ne3A_1504 : i1
        %sub3A_1506 = arith.constant 1 : i32
        %sub3A_1507 = arith.subi %div3A_1486, %sub3A_1506 : i32
        %select_n3A_1508 = arith.select %and3A_1505, %sub3A_1507, %div3A_1486 : i32
        %add3A_1509 = arith.addi %mul3A_2, %select_n3A_1508 : i32
        %mul3A_1510 = arith.constant 216 : i32
        %mul3A_1511 = arith.muli %add3A_1509, %mul3A_1510 : i32
        %dma_start3A_1512 = arith.constant 0 : i32
        %dma_start3A_1513 = tpu.memref_slice %arg5[%mul3A_1511, %dma_start3A_1512] : memref<221184x128xf32, #tpu.memory_space<hbm>> -> memref<16x128xf32, #tpu.memory_space<hbm>>
        %dma_start3A_1514 = arith.constant 0 : i32
        %dma_start3A_1515 = tpu.memref_slice %arg5[%mul3A_1511, %dma_start3A_1514] : memref<221184x128xf32, #tpu.memory_space<hbm>> -> memref<16x128xf32, #tpu.memory_space<hbm>>
        tpu.enqueue_dma source(%arg8 : memref<16x128xf32, #tpu.memory_space<vmem>>) target(%dma_start3A_1515 : memref<16x128xf32, #tpu.memory_space<hbm>>) target_semaphore(%arg25 : memref<!tpu.dma_semaphore, #tpu.memory_space<semaphore_mem>>)
      } else {
      }
      %add3A_651 = arith.constant 3 : i32
      %add3A_652 = arith.addi %add3A_512, %add3A_651 : i32
      %dma_wait3A_653 = arith.constant 3 : i32
      %dma_wait3A_654 = arith.constant 0 : i32
      %dma_wait3A_655 = arith.constant 0 : i32
      %dma_wait3A_656 = tpu.memref_slice %arg7[%dma_wait3A_653, %dma_wait3A_654, %dma_wait3A_655] : memref<8x40x128xf32, #tpu.memory_space<vmem>> -> memref<1x40x128xf32, #tpu.memory_space<vmem>>
      %dma_wait3A_657 = tpu.memref_squeeze %dma_wait3A_656 : memref<1x40x128xf32, #tpu.memory_space<vmem>> -> memref<40x128xf32, #tpu.memory_space<vmem>>
      %dma_wait3A_658 = arith.constant 0 : i32
      %dma_wait3A_659 = arith.constant 0 : i32
      %dma_wait3A_660 = tpu.memref_slice %arg5[%dma_wait3A_658, %dma_wait3A_659] : memref<221184x128xf32, #tpu.memory_space<hbm>> -> memref<40x128xf32, #tpu.memory_space<hbm>>
      %dma_wait3A_661 = arith.constant 0 : i32
      %dma_wait3A_662 = arith.constant 0 : i32
      %dma_wait3A_663 = tpu.memref_slice %arg5[%dma_wait3A_661, %dma_wait3A_662] : memref<221184x128xf32, #tpu.memory_space<hbm>> -> memref<40x128xf32, #tpu.memory_space<hbm>>
      %dma_wait3A_664 = arith.constant 0 : i32
      %dma_wait3A_665 = arith.constant 0 : i32
      %dma_wait3A_666 = tpu.memref_slice %arg7[%dma_wait3A_653, %dma_wait3A_664, %dma_wait3A_665] : memref<8x40x128xf32, #tpu.memory_space<vmem>> -> memref<1x40x128xf32, #tpu.memory_space<vmem>>
      %dma_wait3A_667 = tpu.memref_squeeze %dma_wait3A_666 : memref<1x40x128xf32, #tpu.memory_space<vmem>> -> memref<40x128xf32, #tpu.memory_space<vmem>>
      tpu.wait_dma2 semaphore(%arg20 : memref<!tpu.dma_semaphore, #tpu.memory_space<semaphore_mem>>) src(%dma_wait3A_667 : memref<40x128xf32, #tpu.memory_space<vmem>>) dst(%dma_wait3A_663 : memref<40x128xf32, #tpu.memory_space<hbm>>)
      %dma_start3A_668 = arith.constant 3 : i32
      %dma_start3A_669 = arith.constant 0 : i32
      %dma_start3A_670 = arith.constant 0 : i32
      %dma_start3A_671 = tpu.memref_slice %arg7[%dma_start3A_668, %dma_start3A_669, %dma_start3A_670] : memref<8x40x128xf32, #tpu.memory_space<vmem>> -> memref<1x40x128xf32, #tpu.memory_space<vmem>>
      %dma_start3A_672 = tpu.memref_squeeze %dma_start3A_671 : memref<1x40x128xf32, #tpu.memory_space<vmem>> -> memref<40x128xf32, #tpu.memory_space<vmem>>
      %dma_start3A_673 = arith.constant 0 : i32
      %dma_start3A_674 = tpu.memref_slice %arg6[%add3A_652, %dma_start3A_673] : memref<160x40xi32, #tpu.memory_space<vmem>> -> memref<1x40xi32, #tpu.memory_space<vmem>>
      %dma_start3A_675 = tpu.memref_squeeze %dma_start3A_674 : memref<1x40xi32, #tpu.memory_space<vmem>> -> memref<40xi32, #tpu.memory_space<vmem>>
      %dma_start3A_676 = arith.constant 0 : i32
      %dma_start3A_677 = arith.constant 0 : i32
      %dma_start3A_678 = tpu.memref_slice %arg3[%dma_start3A_676, %dma_start3A_677] : memref<100000x128xf32, #tpu.memory_space<hbm>> -> memref<100000x128xf32, #tpu.memory_space<hbm>>
      tpu.enqueue_indirect_dma source(%dma_start3A_678 : memref<100000x128xf32, #tpu.memory_space<hbm>>) target(%dma_start3A_672 : memref<40x128xf32, #tpu.memory_space<vmem>>) offsets(%dma_start3A_675 : memref<40xi32, #tpu.memory_space<vmem>>) semaphore(%arg12 : memref<!tpu.dma_semaphore, #tpu.memory_space<semaphore_mem>>)
      %jit3A_679 = arith.constant 5 : i32
      %eq3A_680 = arith.constant 0 : i32
      %eq3A_681 = arith.cmpi eq, %jit3A_679, %eq3A_680 : i32
      %jit3A_682 = arith.constant 1 : i32
      %select_n3A_683 = arith.select %eq3A_681, %jit3A_682, %jit3A_679 : i32
      %rem3A_684 = arith.remsi %add3A_652, %select_n3A_683 : i32
      %ne3A_685 = arith.constant 0 : i32
      %ne3A_686 = arith.cmpi ne, %rem3A_684, %ne3A_685 : i32
      %lt3A_687 = arith.constant 0 : i32
      %lt3A_688 = arith.cmpi slt, %rem3A_684, %lt3A_687 : i32
      %lt3A_689 = arith.constant 0 : i32
      %lt3A_690 = arith.cmpi slt, %select_n3A_683, %lt3A_689 : i32
      %ne3A_691 = arith.xori %lt3A_688, %lt3A_690 : i1
      %and3A_692 = arith.andi %ne3A_691, %ne3A_686 : i1
      %add3A_693 = arith.addi %rem3A_684, %select_n3A_683 : i32
      %select_n3A_694 = arith.select %and3A_692, %add3A_693, %rem3A_684 : i32
      %eq3A_695 = arith.constant 0 : i32
      %eq3A_696 = arith.cmpi eq, %select_n3A_694, %eq3A_695 : i32
      %convert_element_type3A_697 = arith.extui %eq3A_696 : i1 to i32
      %cond3A_698 = arith.constant 0 : i32
      %cond3A_699 = arith.cmpi ne, %convert_element_type3A_697, %cond3A_698 : i32
      scf.if %cond3A_699 {
        %jit3A_1485 = arith.constant 5 : i32
        %div3A_1486 = arith.divsi %add3A_652, %jit3A_1485 : i32
        %sign3A_1487 = arith.constant 0 : i32
        %sign3A_1488 = arith.cmpi sgt, %add3A_652, %sign3A_1487 : i32
        %sign3A_1489 = arith.extui %sign3A_1488 : i1 to i32
        %sign3A_1490 = arith.constant 0 : i32
        %sign3A_1491 = arith.cmpi slt, %add3A_652, %sign3A_1490 : i32
        %sign3A_1492 = arith.extui %sign3A_1491 : i1 to i32
        %sign3A_1493 = arith.subi %sign3A_1489, %sign3A_1492 : i32
        %sign3A_1494 = arith.constant 0 : i32
        %sign3A_1495 = arith.cmpi sgt, %jit3A_1485, %sign3A_1494 : i32
        %sign3A_1496 = arith.extui %sign3A_1495 : i1 to i32
        %sign3A_1497 = arith.constant 0 : i32
        %sign3A_1498 = arith.cmpi slt, %jit3A_1485, %sign3A_1497 : i32
        %sign3A_1499 = arith.extui %sign3A_1498 : i1 to i32
        %sign3A_1500 = arith.subi %sign3A_1496, %sign3A_1499 : i32
        %ne3A_1501 = arith.cmpi ne, %sign3A_1493, %sign3A_1500 : i32
        %rem3A_1502 = arith.remsi %add3A_652, %jit3A_1485 : i32
        %ne3A_1503 = arith.constant 0 : i32
        %ne3A_1504 = arith.cmpi ne, %rem3A_1502, %ne3A_1503 : i32
        %and3A_1505 = arith.andi %ne3A_1501, %ne3A_1504 : i1
        %sub3A_1506 = arith.constant 1 : i32
        %sub3A_1507 = arith.subi %div3A_1486, %sub3A_1506 : i32
        %select_n3A_1508 = arith.select %and3A_1505, %sub3A_1507, %div3A_1486 : i32
        %add3A_1509 = arith.addi %mul3A_2, %select_n3A_1508 : i32
        %mul3A_1510 = arith.constant 216 : i32
        %mul3A_1511 = arith.muli %add3A_1509, %mul3A_1510 : i32
        %dma_start3A_1512 = arith.constant 0 : i32
        %dma_start3A_1513 = tpu.memref_slice %arg5[%mul3A_1511, %dma_start3A_1512] : memref<221184x128xf32, #tpu.memory_space<hbm>> -> memref<16x128xf32, #tpu.memory_space<hbm>>
        %dma_start3A_1514 = arith.constant 0 : i32
        %dma_start3A_1515 = tpu.memref_slice %arg5[%mul3A_1511, %dma_start3A_1514] : memref<221184x128xf32, #tpu.memory_space<hbm>> -> memref<16x128xf32, #tpu.memory_space<hbm>>
        tpu.enqueue_dma source(%arg8 : memref<16x128xf32, #tpu.memory_space<vmem>>) target(%dma_start3A_1515 : memref<16x128xf32, #tpu.memory_space<hbm>>) target_semaphore(%arg25 : memref<!tpu.dma_semaphore, #tpu.memory_space<semaphore_mem>>)
      } else {
      }
      %add3A_700 = arith.constant 4 : i32
      %add3A_701 = arith.addi %add3A_512, %add3A_700 : i32
      %dma_wait3A_702 = arith.constant 4 : i32
      %dma_wait3A_703 = arith.constant 0 : i32
      %dma_wait3A_704 = arith.constant 0 : i32
      %dma_wait3A_705 = tpu.memref_slice %arg7[%dma_wait3A_702, %dma_wait3A_703, %dma_wait3A_704] : memref<8x40x128xf32, #tpu.memory_space<vmem>> -> memref<1x40x128xf32, #tpu.memory_space<vmem>>
      %dma_wait3A_706 = tpu.memref_squeeze %dma_wait3A_705 : memref<1x40x128xf32, #tpu.memory_space<vmem>> -> memref<40x128xf32, #tpu.memory_space<vmem>>
      %dma_wait3A_707 = arith.constant 0 : i32
      %dma_wait3A_708 = arith.constant 0 : i32
      %dma_wait3A_709 = tpu.memref_slice %arg5[%dma_wait3A_707, %dma_wait3A_708] : memref<221184x128xf32, #tpu.memory_space<hbm>> -> memref<40x128xf32, #tpu.memory_space<hbm>>
      %dma_wait3A_710 = arith.constant 0 : i32
      %dma_wait3A_711 = arith.constant 0 : i32
      %dma_wait3A_712 = tpu.memref_slice %arg5[%dma_wait3A_710, %dma_wait3A_711] : memref<221184x128xf32, #tpu.memory_space<hbm>> -> memref<40x128xf32, #tpu.memory_space<hbm>>
      %dma_wait3A_713 = arith.constant 0 : i32
      %dma_wait3A_714 = arith.constant 0 : i32
      %dma_wait3A_715 = tpu.memref_slice %arg7[%dma_wait3A_702, %dma_wait3A_713, %dma_wait3A_714] : memref<8x40x128xf32, #tpu.memory_space<vmem>> -> memref<1x40x128xf32, #tpu.memory_space<vmem>>
      %dma_wait3A_716 = tpu.memref_squeeze %dma_wait3A_715 : memref<1x40x128xf32, #tpu.memory_space<vmem>> -> memref<40x128xf32, #tpu.memory_space<vmem>>
      tpu.wait_dma2 semaphore(%arg21 : memref<!tpu.dma_semaphore, #tpu.memory_space<semaphore_mem>>) src(%dma_wait3A_716 : memref<40x128xf32, #tpu.memory_space<vmem>>) dst(%dma_wait3A_712 : memref<40x128xf32, #tpu.memory_space<hbm>>)
      %dma_start3A_717 = arith.constant 4 : i32
      %dma_start3A_718 = arith.constant 0 : i32
      %dma_start3A_719 = arith.constant 0 : i32
      %dma_start3A_720 = tpu.memref_slice %arg7[%dma_start3A_717, %dma_start3A_718, %dma_start3A_719] : memref<8x40x128xf32, #tpu.memory_space<vmem>> -> memref<1x40x128xf32, #tpu.memory_space<vmem>>
      %dma_start3A_721 = tpu.memref_squeeze %dma_start3A_720 : memref<1x40x128xf32, #tpu.memory_space<vmem>> -> memref<40x128xf32, #tpu.memory_space<vmem>>
      %dma_start3A_722 = arith.constant 0 : i32
      %dma_start3A_723 = tpu.memref_slice %arg6[%add3A_701, %dma_start3A_722] : memref<160x40xi32, #tpu.memory_space<vmem>> -> memref<1x40xi32, #tpu.memory_space<vmem>>
      %dma_start3A_724 = tpu.memref_squeeze %dma_start3A_723 : memref<1x40xi32, #tpu.memory_space<vmem>> -> memref<40xi32, #tpu.memory_space<vmem>>
      %dma_start3A_725 = arith.constant 0 : i32
      %dma_start3A_726 = arith.constant 0 : i32
      %dma_start3A_727 = tpu.memref_slice %arg3[%dma_start3A_725, %dma_start3A_726] : memref<100000x128xf32, #tpu.memory_space<hbm>> -> memref<100000x128xf32, #tpu.memory_space<hbm>>
      tpu.enqueue_indirect_dma source(%dma_start3A_727 : memref<100000x128xf32, #tpu.memory_space<hbm>>) target(%dma_start3A_721 : memref<40x128xf32, #tpu.memory_space<vmem>>) offsets(%dma_start3A_724 : memref<40xi32, #tpu.memory_space<vmem>>) semaphore(%arg13 : memref<!tpu.dma_semaphore, #tpu.memory_space<semaphore_mem>>)
      %jit3A_728 = arith.constant 5 : i32
      %eq3A_729 = arith.constant 0 : i32
      %eq3A_730 = arith.cmpi eq, %jit3A_728, %eq3A_729 : i32
      %jit3A_731 = arith.constant 1 : i32
      %select_n3A_732 = arith.select %eq3A_730, %jit3A_731, %jit3A_728 : i32
      %rem3A_733 = arith.remsi %add3A_701, %select_n3A_732 : i32
      %ne3A_734 = arith.constant 0 : i32
      %ne3A_735 = arith.cmpi ne, %rem3A_733, %ne3A_734 : i32
      %lt3A_736 = arith.constant 0 : i32
      %lt3A_737 = arith.cmpi slt, %rem3A_733, %lt3A_736 : i32
      %lt3A_738 = arith.constant 0 : i32
      %lt3A_739 = arith.cmpi slt, %select_n3A_732, %lt3A_738 : i32
      %ne3A_740 = arith.xori %lt3A_737, %lt3A_739 : i1
      %and3A_741 = arith.andi %ne3A_740, %ne3A_735 : i1
      %add3A_742 = arith.addi %rem3A_733, %select_n3A_732 : i32
      %select_n3A_743 = arith.select %and3A_741, %add3A_742, %rem3A_733 : i32
      %eq3A_744 = arith.constant 0 : i32
      %eq3A_745 = arith.cmpi eq, %select_n3A_743, %eq3A_744 : i32
      %convert_element_type3A_746 = arith.extui %eq3A_745 : i1 to i32
      %cond3A_747 = arith.constant 0 : i32
      %cond3A_748 = arith.cmpi ne, %convert_element_type3A_746, %cond3A_747 : i32
      scf.if %cond3A_748 {
        %jit3A_1485 = arith.constant 5 : i32
        %div3A_1486 = arith.divsi %add3A_701, %jit3A_1485 : i32
        %sign3A_1487 = arith.constant 0 : i32
        %sign3A_1488 = arith.cmpi sgt, %add3A_701, %sign3A_1487 : i32
        %sign3A_1489 = arith.extui %sign3A_1488 : i1 to i32
        %sign3A_1490 = arith.constant 0 : i32
        %sign3A_1491 = arith.cmpi slt, %add3A_701, %sign3A_1490 : i32
        %sign3A_1492 = arith.extui %sign3A_1491 : i1 to i32
        %sign3A_1493 = arith.subi %sign3A_1489, %sign3A_1492 : i32
        %sign3A_1494 = arith.constant 0 : i32
        %sign3A_1495 = arith.cmpi sgt, %jit3A_1485, %sign3A_1494 : i32
        %sign3A_1496 = arith.extui %sign3A_1495 : i1 to i32
        %sign3A_1497 = arith.constant 0 : i32
        %sign3A_1498 = arith.cmpi slt, %jit3A_1485, %sign3A_1497 : i32
        %sign3A_1499 = arith.extui %sign3A_1498 : i1 to i32
        %sign3A_1500 = arith.subi %sign3A_1496, %sign3A_1499 : i32
        %ne3A_1501 = arith.cmpi ne, %sign3A_1493, %sign3A_1500 : i32
        %rem3A_1502 = arith.remsi %add3A_701, %jit3A_1485 : i32
        %ne3A_1503 = arith.constant 0 : i32
        %ne3A_1504 = arith.cmpi ne, %rem3A_1502, %ne3A_1503 : i32
        %and3A_1505 = arith.andi %ne3A_1501, %ne3A_1504 : i1
        %sub3A_1506 = arith.constant 1 : i32
        %sub3A_1507 = arith.subi %div3A_1486, %sub3A_1506 : i32
        %select_n3A_1508 = arith.select %and3A_1505, %sub3A_1507, %div3A_1486 : i32
        %add3A_1509 = arith.addi %mul3A_2, %select_n3A_1508 : i32
        %mul3A_1510 = arith.constant 216 : i32
        %mul3A_1511 = arith.muli %add3A_1509, %mul3A_1510 : i32
        %dma_start3A_1512 = arith.constant 0 : i32
        %dma_start3A_1513 = tpu.memref_slice %arg5[%mul3A_1511, %dma_start3A_1512] : memref<221184x128xf32, #tpu.memory_space<hbm>> -> memref<16x128xf32, #tpu.memory_space<hbm>>
        %dma_start3A_1514 = arith.constant 0 : i32
        %dma_start3A_1515 = tpu.memref_slice %arg5[%mul3A_1511, %dma_start3A_1514] : memref<221184x128xf32, #tpu.memory_space<hbm>> -> memref<16x128xf32, #tpu.memory_space<hbm>>
        tpu.enqueue_dma source(%arg8 : memref<16x128xf32, #tpu.memory_space<vmem>>) target(%dma_start3A_1515 : memref<16x128xf32, #tpu.memory_space<hbm>>) target_semaphore(%arg25 : memref<!tpu.dma_semaphore, #tpu.memory_space<semaphore_mem>>)
      } else {
      }
      %add3A_749 = arith.constant 5 : i32
      %add3A_750 = arith.addi %add3A_512, %add3A_749 : i32
      %dma_wait3A_751 = arith.constant 5 : i32
      %dma_wait3A_752 = arith.constant 0 : i32
      %dma_wait3A_753 = arith.constant 0 : i32
      %dma_wait3A_754 = tpu.memref_slice %arg7[%dma_wait3A_751, %dma_wait3A_752, %dma_wait3A_753] : memref<8x40x128xf32, #tpu.memory_space<vmem>> -> memref<1x40x128xf32, #tpu.memory_space<vmem>>
      %dma_wait3A_755 = tpu.memref_squeeze %dma_wait3A_754 : memref<1x40x128xf32, #tpu.memory_space<vmem>> -> memref<40x128xf32, #tpu.memory_space<vmem>>
      %dma_wait3A_756 = arith.constant 0 : i32
      %dma_wait3A_757 = arith.constant 0 : i32
      %dma_wait3A_758 = tpu.memref_slice %arg5[%dma_wait3A_756, %dma_wait3A_757] : memref<221184x128xf32, #tpu.memory_space<hbm>> -> memref<40x128xf32, #tpu.memory_space<hbm>>
      %dma_wait3A_759 = arith.constant 0 : i32
      %dma_wait3A_760 = arith.constant 0 : i32
      %dma_wait3A_761 = tpu.memref_slice %arg5[%dma_wait3A_759, %dma_wait3A_760] : memref<221184x128xf32, #tpu.memory_space<hbm>> -> memref<40x128xf32, #tpu.memory_space<hbm>>
      %dma_wait3A_762 = arith.constant 0 : i32
      %dma_wait3A_763 = arith.constant 0 : i32
      %dma_wait3A_764 = tpu.memref_slice %arg7[%dma_wait3A_751, %dma_wait3A_762, %dma_wait3A_763] : memref<8x40x128xf32, #tpu.memory_space<vmem>> -> memref<1x40x128xf32, #tpu.memory_space<vmem>>
      %dma_wait3A_765 = tpu.memref_squeeze %dma_wait3A_764 : memref<1x40x128xf32, #tpu.memory_space<vmem>> -> memref<40x128xf32, #tpu.memory_space<vmem>>
      tpu.wait_dma2 semaphore(%arg22 : memref<!tpu.dma_semaphore, #tpu.memory_space<semaphore_mem>>) src(%dma_wait3A_765 : memref<40x128xf32, #tpu.memory_space<vmem>>) dst(%dma_wait3A_761 : memref<40x128xf32, #tpu.memory_space<hbm>>)
      %dma_start3A_766 = arith.constant 5 : i32
      %dma_start3A_767 = arith.constant 0 : i32
      %dma_start3A_768 = arith.constant 0 : i32
      %dma_start3A_769 = tpu.memref_slice %arg7[%dma_start3A_766, %dma_start3A_767, %dma_start3A_768] : memref<8x40x128xf32, #tpu.memory_space<vmem>> -> memref<1x40x128xf32, #tpu.memory_space<vmem>>
      %dma_start3A_770 = tpu.memref_squeeze %dma_start3A_769 : memref<1x40x128xf32, #tpu.memory_space<vmem>> -> memref<40x128xf32, #tpu.memory_space<vmem>>
      %dma_start3A_771 = arith.constant 0 : i32
      %dma_start3A_772 = tpu.memref_slice %arg6[%add3A_750, %dma_start3A_771] : memref<160x40xi32, #tpu.memory_space<vmem>> -> memref<1x40xi32, #tpu.memory_space<vmem>>
      %dma_start3A_773 = tpu.memref_squeeze %dma_start3A_772 : memref<1x40xi32, #tpu.memory_space<vmem>> -> memref<40xi32, #tpu.memory_space<vmem>>
      %dma_start3A_774 = arith.constant 0 : i32
      %dma_start3A_775 = arith.constant 0 : i32
      %dma_start3A_776 = tpu.memref_slice %arg3[%dma_start3A_774, %dma_start3A_775] : memref<100000x128xf32, #tpu.memory_space<hbm>> -> memref<100000x128xf32, #tpu.memory_space<hbm>>
      tpu.enqueue_indirect_dma source(%dma_start3A_776 : memref<100000x128xf32, #tpu.memory_space<hbm>>) target(%dma_start3A_770 : memref<40x128xf32, #tpu.memory_space<vmem>>) offsets(%dma_start3A_773 : memref<40xi32, #tpu.memory_space<vmem>>) semaphore(%arg14 : memref<!tpu.dma_semaphore, #tpu.memory_space<semaphore_mem>>)
      %jit3A_777 = arith.constant 5 : i32
      %eq3A_778 = arith.constant 0 : i32
      %eq3A_779 = arith.cmpi eq, %jit3A_777, %eq3A_778 : i32
      %jit3A_780 = arith.constant 1 : i32
      %select_n3A_781 = arith.select %eq3A_779, %jit3A_780, %jit3A_777 : i32
      %rem3A_782 = arith.remsi %add3A_750, %select_n3A_781 : i32
      %ne3A_783 = arith.constant 0 : i32
      %ne3A_784 = arith.cmpi ne, %rem3A_782, %ne3A_783 : i32
      %lt3A_785 = arith.constant 0 : i32
      %lt3A_786 = arith.cmpi slt, %rem3A_782, %lt3A_785 : i32
      %lt3A_787 = arith.constant 0 : i32
      %lt3A_788 = arith.cmpi slt, %select_n3A_781, %lt3A_787 : i32
      %ne3A_789 = arith.xori %lt3A_786, %lt3A_788 : i1
      %and3A_790 = arith.andi %ne3A_789, %ne3A_784 : i1
      %add3A_791 = arith.addi %rem3A_782, %select_n3A_781 : i32
      %select_n3A_792 = arith.select %and3A_790, %add3A_791, %rem3A_782 : i32
      %eq3A_793 = arith.constant 0 : i32
      %eq3A_794 = arith.cmpi eq, %select_n3A_792, %eq3A_793 : i32
      %convert_element_type3A_795 = arith.extui %eq3A_794 : i1 to i32
      %cond3A_796 = arith.constant 0 : i32
      %cond3A_797 = arith.cmpi ne, %convert_element_type3A_795, %cond3A_796 : i32
      scf.if %cond3A_797 {
        %jit3A_1485 = arith.constant 5 : i32
        %div3A_1486 = arith.divsi %add3A_750, %jit3A_1485 : i32
        %sign3A_1487 = arith.constant 0 : i32
        %sign3A_1488 = arith.cmpi sgt, %add3A_750, %sign3A_1487 : i32
        %sign3A_1489 = arith.extui %sign3A_1488 : i1 to i32
        %sign3A_1490 = arith.constant 0 : i32
        %sign3A_1491 = arith.cmpi slt, %add3A_750, %sign3A_1490 : i32
        %sign3A_1492 = arith.extui %sign3A_1491 : i1 to i32
        %sign3A_1493 = arith.subi %sign3A_1489, %sign3A_1492 : i32
        %sign3A_1494 = arith.constant 0 : i32
        %sign3A_1495 = arith.cmpi sgt, %jit3A_1485, %sign3A_1494 : i32
        %sign3A_1496 = arith.extui %sign3A_1495 : i1 to i32
        %sign3A_1497 = arith.constant 0 : i32
        %sign3A_1498 = arith.cmpi slt, %jit3A_1485, %sign3A_1497 : i32
        %sign3A_1499 = arith.extui %sign3A_1498 : i1 to i32
        %sign3A_1500 = arith.subi %sign3A_1496, %sign3A_1499 : i32
        %ne3A_1501 = arith.cmpi ne, %sign3A_1493, %sign3A_1500 : i32
        %rem3A_1502 = arith.remsi %add3A_750, %jit3A_1485 : i32
        %ne3A_1503 = arith.constant 0 : i32
        %ne3A_1504 = arith.cmpi ne, %rem3A_1502, %ne3A_1503 : i32
        %and3A_1505 = arith.andi %ne3A_1501, %ne3A_1504 : i1
        %sub3A_1506 = arith.constant 1 : i32
        %sub3A_1507 = arith.subi %div3A_1486, %sub3A_1506 : i32
        %select_n3A_1508 = arith.select %and3A_1505, %sub3A_1507, %div3A_1486 : i32
        %add3A_1509 = arith.addi %mul3A_2, %select_n3A_1508 : i32
        %mul3A_1510 = arith.constant 216 : i32
        %mul3A_1511 = arith.muli %add3A_1509, %mul3A_1510 : i32
        %dma_start3A_1512 = arith.constant 0 : i32
        %dma_start3A_1513 = tpu.memref_slice %arg5[%mul3A_1511, %dma_start3A_1512] : memref<221184x128xf32, #tpu.memory_space<hbm>> -> memref<16x128xf32, #tpu.memory_space<hbm>>
        %dma_start3A_1514 = arith.constant 0 : i32
        %dma_start3A_1515 = tpu.memref_slice %arg5[%mul3A_1511, %dma_start3A_1514] : memref<221184x128xf32, #tpu.memory_space<hbm>> -> memref<16x128xf32, #tpu.memory_space<hbm>>
        tpu.enqueue_dma source(%arg8 : memref<16x128xf32, #tpu.memory_space<vmem>>) target(%dma_start3A_1515 : memref<16x128xf32, #tpu.memory_space<hbm>>) target_semaphore(%arg25 : memref<!tpu.dma_semaphore, #tpu.memory_space<semaphore_mem>>)
      } else {
      }
      %add3A_798 = arith.constant 6 : i32
      %add3A_799 = arith.addi %add3A_512, %add3A_798 : i32
      %dma_wait3A_800 = arith.constant 6 : i32
      %dma_wait3A_801 = arith.constant 0 : i32
      %dma_wait3A_802 = arith.constant 0 : i32
      %dma_wait3A_803 = tpu.memref_slice %arg7[%dma_wait3A_800, %dma_wait3A_801, %dma_wait3A_802] : memref<8x40x128xf32, #tpu.memory_space<vmem>> -> memref<1x40x128xf32, #tpu.memory_space<vmem>>
      %dma_wait3A_804 = tpu.memref_squeeze %dma_wait3A_803 : memref<1x40x128xf32, #tpu.memory_space<vmem>> -> memref<40x128xf32, #tpu.memory_space<vmem>>
      %dma_wait3A_805 = arith.constant 0 : i32
      %dma_wait3A_806 = arith.constant 0 : i32
      %dma_wait3A_807 = tpu.memref_slice %arg5[%dma_wait3A_805, %dma_wait3A_806] : memref<221184x128xf32, #tpu.memory_space<hbm>> -> memref<40x128xf32, #tpu.memory_space<hbm>>
      %dma_wait3A_808 = arith.constant 0 : i32
      %dma_wait3A_809 = arith.constant 0 : i32
      %dma_wait3A_810 = tpu.memref_slice %arg5[%dma_wait3A_808, %dma_wait3A_809] : memref<221184x128xf32, #tpu.memory_space<hbm>> -> memref<40x128xf32, #tpu.memory_space<hbm>>
      %dma_wait3A_811 = arith.constant 0 : i32
      %dma_wait3A_812 = arith.constant 0 : i32
      %dma_wait3A_813 = tpu.memref_slice %arg7[%dma_wait3A_800, %dma_wait3A_811, %dma_wait3A_812] : memref<8x40x128xf32, #tpu.memory_space<vmem>> -> memref<1x40x128xf32, #tpu.memory_space<vmem>>
      %dma_wait3A_814 = tpu.memref_squeeze %dma_wait3A_813 : memref<1x40x128xf32, #tpu.memory_space<vmem>> -> memref<40x128xf32, #tpu.memory_space<vmem>>
      tpu.wait_dma2 semaphore(%arg23 : memref<!tpu.dma_semaphore, #tpu.memory_space<semaphore_mem>>) src(%dma_wait3A_814 : memref<40x128xf32, #tpu.memory_space<vmem>>) dst(%dma_wait3A_810 : memref<40x128xf32, #tpu.memory_space<hbm>>)
      %dma_start3A_815 = arith.constant 6 : i32
      %dma_start3A_816 = arith.constant 0 : i32
      %dma_start3A_817 = arith.constant 0 : i32
      %dma_start3A_818 = tpu.memref_slice %arg7[%dma_start3A_815, %dma_start3A_816, %dma_start3A_817] : memref<8x40x128xf32, #tpu.memory_space<vmem>> -> memref<1x40x128xf32, #tpu.memory_space<vmem>>
      %dma_start3A_819 = tpu.memref_squeeze %dma_start3A_818 : memref<1x40x128xf32, #tpu.memory_space<vmem>> -> memref<40x128xf32, #tpu.memory_space<vmem>>
      %dma_start3A_820 = arith.constant 0 : i32
      %dma_start3A_821 = tpu.memref_slice %arg6[%add3A_799, %dma_start3A_820] : memref<160x40xi32, #tpu.memory_space<vmem>> -> memref<1x40xi32, #tpu.memory_space<vmem>>
      %dma_start3A_822 = tpu.memref_squeeze %dma_start3A_821 : memref<1x40xi32, #tpu.memory_space<vmem>> -> memref<40xi32, #tpu.memory_space<vmem>>
      %dma_start3A_823 = arith.constant 0 : i32
      %dma_start3A_824 = arith.constant 0 : i32
      %dma_start3A_825 = tpu.memref_slice %arg3[%dma_start3A_823, %dma_start3A_824] : memref<100000x128xf32, #tpu.memory_space<hbm>> -> memref<100000x128xf32, #tpu.memory_space<hbm>>
      tpu.enqueue_indirect_dma source(%dma_start3A_825 : memref<100000x128xf32, #tpu.memory_space<hbm>>) target(%dma_start3A_819 : memref<40x128xf32, #tpu.memory_space<vmem>>) offsets(%dma_start3A_822 : memref<40xi32, #tpu.memory_space<vmem>>) semaphore(%arg15 : memref<!tpu.dma_semaphore, #tpu.memory_space<semaphore_mem>>)
      %jit3A_826 = arith.constant 5 : i32
      %eq3A_827 = arith.constant 0 : i32
      %eq3A_828 = arith.cmpi eq, %jit3A_826, %eq3A_827 : i32
      %jit3A_829 = arith.constant 1 : i32
      %select_n3A_830 = arith.select %eq3A_828, %jit3A_829, %jit3A_826 : i32
      %rem3A_831 = arith.remsi %add3A_799, %select_n3A_830 : i32
      %ne3A_832 = arith.constant 0 : i32
      %ne3A_833 = arith.cmpi ne, %rem3A_831, %ne3A_832 : i32
      %lt3A_834 = arith.constant 0 : i32
      %lt3A_835 = arith.cmpi slt, %rem3A_831, %lt3A_834 : i32
      %lt3A_836 = arith.constant 0 : i32
      %lt3A_837 = arith.cmpi slt, %select_n3A_830, %lt3A_836 : i32
      %ne3A_838 = arith.xori %lt3A_835, %lt3A_837 : i1
      %and3A_839 = arith.andi %ne3A_838, %ne3A_833 : i1
      %add3A_840 = arith.addi %rem3A_831, %select_n3A_830 : i32
      %select_n3A_841 = arith.select %and3A_839, %add3A_840, %rem3A_831 : i32
      %eq3A_842 = arith.constant 0 : i32
      %eq3A_843 = arith.cmpi eq, %select_n3A_841, %eq3A_842 : i32
      %convert_element_type3A_844 = arith.extui %eq3A_843 : i1 to i32
      %cond3A_845 = arith.constant 0 : i32
      %cond3A_846 = arith.cmpi ne, %convert_element_type3A_844, %cond3A_845 : i32
      scf.if %cond3A_846 {
        %jit3A_1485 = arith.constant 5 : i32
        %div3A_1486 = arith.divsi %add3A_799, %jit3A_1485 : i32
        %sign3A_1487 = arith.constant 0 : i32
        %sign3A_1488 = arith.cmpi sgt, %add3A_799, %sign3A_1487 : i32
        %sign3A_1489 = arith.extui %sign3A_1488 : i1 to i32
        %sign3A_1490 = arith.constant 0 : i32
        %sign3A_1491 = arith.cmpi slt, %add3A_799, %sign3A_1490 : i32
        %sign3A_1492 = arith.extui %sign3A_1491 : i1 to i32
        %sign3A_1493 = arith.subi %sign3A_1489, %sign3A_1492 : i32
        %sign3A_1494 = arith.constant 0 : i32
        %sign3A_1495 = arith.cmpi sgt, %jit3A_1485, %sign3A_1494 : i32
        %sign3A_1496 = arith.extui %sign3A_1495 : i1 to i32
        %sign3A_1497 = arith.constant 0 : i32
        %sign3A_1498 = arith.cmpi slt, %jit3A_1485, %sign3A_1497 : i32
        %sign3A_1499 = arith.extui %sign3A_1498 : i1 to i32
        %sign3A_1500 = arith.subi %sign3A_1496, %sign3A_1499 : i32
        %ne3A_1501 = arith.cmpi ne, %sign3A_1493, %sign3A_1500 : i32
        %rem3A_1502 = arith.remsi %add3A_799, %jit3A_1485 : i32
        %ne3A_1503 = arith.constant 0 : i32
        %ne3A_1504 = arith.cmpi ne, %rem3A_1502, %ne3A_1503 : i32
        %and3A_1505 = arith.andi %ne3A_1501, %ne3A_1504 : i1
        %sub3A_1506 = arith.constant 1 : i32
        %sub3A_1507 = arith.subi %div3A_1486, %sub3A_1506 : i32
        %select_n3A_1508 = arith.select %and3A_1505, %sub3A_1507, %div3A_1486 : i32
        %add3A_1509 = arith.addi %mul3A_2, %select_n3A_1508 : i32
        %mul3A_1510 = arith.constant 216 : i32
        %mul3A_1511 = arith.muli %add3A_1509, %mul3A_1510 : i32
        %dma_start3A_1512 = arith.constant 0 : i32
        %dma_start3A_1513 = tpu.memref_slice %arg5[%mul3A_1511, %dma_start3A_1512] : memref<221184x128xf32, #tpu.memory_space<hbm>> -> memref<16x128xf32, #tpu.memory_space<hbm>>
        %dma_start3A_1514 = arith.constant 0 : i32
        %dma_start3A_1515 = tpu.memref_slice %arg5[%mul3A_1511, %dma_start3A_1514] : memref<221184x128xf32, #tpu.memory_space<hbm>> -> memref<16x128xf32, #tpu.memory_space<hbm>>
        tpu.enqueue_dma source(%arg8 : memref<16x128xf32, #tpu.memory_space<vmem>>) target(%dma_start3A_1515 : memref<16x128xf32, #tpu.memory_space<hbm>>) target_semaphore(%arg25 : memref<!tpu.dma_semaphore, #tpu.memory_space<semaphore_mem>>)
      } else {
      }
      %add3A_847 = arith.constant 7 : i32
      %add3A_848 = arith.addi %add3A_512, %add3A_847 : i32
      %dma_wait3A_849 = arith.constant 7 : i32
      %dma_wait3A_850 = arith.constant 0 : i32
      %dma_wait3A_851 = arith.constant 0 : i32
      %dma_wait3A_852 = tpu.memref_slice %arg7[%dma_wait3A_849, %dma_wait3A_850, %dma_wait3A_851] : memref<8x40x128xf32, #tpu.memory_space<vmem>> -> memref<1x40x128xf32, #tpu.memory_space<vmem>>
      %dma_wait3A_853 = tpu.memref_squeeze %dma_wait3A_852 : memref<1x40x128xf32, #tpu.memory_space<vmem>> -> memref<40x128xf32, #tpu.memory_space<vmem>>
      %dma_wait3A_854 = arith.constant 0 : i32
      %dma_wait3A_855 = arith.constant 0 : i32
      %dma_wait3A_856 = tpu.memref_slice %arg5[%dma_wait3A_854, %dma_wait3A_855] : memref<221184x128xf32, #tpu.memory_space<hbm>> -> memref<40x128xf32, #tpu.memory_space<hbm>>
      %dma_wait3A_857 = arith.constant 0 : i32
      %dma_wait3A_858 = arith.constant 0 : i32
      %dma_wait3A_859 = tpu.memref_slice %arg5[%dma_wait3A_857, %dma_wait3A_858] : memref<221184x128xf32, #tpu.memory_space<hbm>> -> memref<40x128xf32, #tpu.memory_space<hbm>>
      %dma_wait3A_860 = arith.constant 0 : i32
      %dma_wait3A_861 = arith.constant 0 : i32
      %dma_wait3A_862 = tpu.memref_slice %arg7[%dma_wait3A_849, %dma_wait3A_860, %dma_wait3A_861] : memref<8x40x128xf32, #tpu.memory_space<vmem>> -> memref<1x40x128xf32, #tpu.memory_space<vmem>>
      %dma_wait3A_863 = tpu.memref_squeeze %dma_wait3A_862 : memref<1x40x128xf32, #tpu.memory_space<vmem>> -> memref<40x128xf32, #tpu.memory_space<vmem>>
      tpu.wait_dma2 semaphore(%arg24 : memref<!tpu.dma_semaphore, #tpu.memory_space<semaphore_mem>>) src(%dma_wait3A_863 : memref<40x128xf32, #tpu.memory_space<vmem>>) dst(%dma_wait3A_859 : memref<40x128xf32, #tpu.memory_space<hbm>>)
      %dma_start3A_864 = arith.constant 7 : i32
      %dma_start3A_865 = arith.constant 0 : i32
      %dma_start3A_866 = arith.constant 0 : i32
      %dma_start3A_867 = tpu.memref_slice %arg7[%dma_start3A_864, %dma_start3A_865, %dma_start3A_866] : memref<8x40x128xf32, #tpu.memory_space<vmem>> -> memref<1x40x128xf32, #tpu.memory_space<vmem>>
      %dma_start3A_868 = tpu.memref_squeeze %dma_start3A_867 : memref<1x40x128xf32, #tpu.memory_space<vmem>> -> memref<40x128xf32, #tpu.memory_space<vmem>>
      %dma_start3A_869 = arith.constant 0 : i32
      %dma_start3A_870 = tpu.memref_slice %arg6[%add3A_848, %dma_start3A_869] : memref<160x40xi32, #tpu.memory_space<vmem>> -> memref<1x40xi32, #tpu.memory_space<vmem>>
      %dma_start3A_871 = tpu.memref_squeeze %dma_start3A_870 : memref<1x40xi32, #tpu.memory_space<vmem>> -> memref<40xi32, #tpu.memory_space<vmem>>
      %dma_start3A_872 = arith.constant 0 : i32
      %dma_start3A_873 = arith.constant 0 : i32
      %dma_start3A_874 = tpu.memref_slice %arg3[%dma_start3A_872, %dma_start3A_873] : memref<100000x128xf32, #tpu.memory_space<hbm>> -> memref<100000x128xf32, #tpu.memory_space<hbm>>
      tpu.enqueue_indirect_dma source(%dma_start3A_874 : memref<100000x128xf32, #tpu.memory_space<hbm>>) target(%dma_start3A_868 : memref<40x128xf32, #tpu.memory_space<vmem>>) offsets(%dma_start3A_871 : memref<40xi32, #tpu.memory_space<vmem>>) semaphore(%arg16 : memref<!tpu.dma_semaphore, #tpu.memory_space<semaphore_mem>>)
      %jit3A_875 = arith.constant 5 : i32
      %eq3A_876 = arith.constant 0 : i32
      %eq3A_877 = arith.cmpi eq, %jit3A_875, %eq3A_876 : i32
      %jit3A_878 = arith.constant 1 : i32
      %select_n3A_879 = arith.select %eq3A_877, %jit3A_878, %jit3A_875 : i32
      %rem3A_880 = arith.remsi %add3A_848, %select_n3A_879 : i32
      %ne3A_881 = arith.constant 0 : i32
      %ne3A_882 = arith.cmpi ne, %rem3A_880, %ne3A_881 : i32
      %lt3A_883 = arith.constant 0 : i32
      %lt3A_884 = arith.cmpi slt, %rem3A_880, %lt3A_883 : i32
      %lt3A_885 = arith.constant 0 : i32
      %lt3A_886 = arith.cmpi slt, %select_n3A_879, %lt3A_885 : i32
      %ne3A_887 = arith.xori %lt3A_884, %lt3A_886 : i1
      %and3A_888 = arith.andi %ne3A_887, %ne3A_882 : i1
      %add3A_889 = arith.addi %rem3A_880, %select_n3A_879 : i32
      %select_n3A_890 = arith.select %and3A_888, %add3A_889, %rem3A_880 : i32
      %eq3A_891 = arith.constant 0 : i32
      %eq3A_892 = arith.cmpi eq, %select_n3A_890, %eq3A_891 : i32
      %convert_element_type3A_893 = arith.extui %eq3A_892 : i1 to i32
      %cond3A_894 = arith.constant 0 : i32
      %cond3A_895 = arith.cmpi ne, %convert_element_type3A_893, %cond3A_894 : i32
      scf.if %cond3A_895 {
        %jit3A_1485 = arith.constant 5 : i32
        %div3A_1486 = arith.divsi %add3A_848, %jit3A_1485 : i32
        %sign3A_1487 = arith.constant 0 : i32
        %sign3A_1488 = arith.cmpi sgt, %add3A_848, %sign3A_1487 : i32
        %sign3A_1489 = arith.extui %sign3A_1488 : i1 to i32
        %sign3A_1490 = arith.constant 0 : i32
        %sign3A_1491 = arith.cmpi slt, %add3A_848, %sign3A_1490 : i32
        %sign3A_1492 = arith.extui %sign3A_1491 : i1 to i32
        %sign3A_1493 = arith.subi %sign3A_1489, %sign3A_1492 : i32
        %sign3A_1494 = arith.constant 0 : i32
        %sign3A_1495 = arith.cmpi sgt, %jit3A_1485, %sign3A_1494 : i32
        %sign3A_1496 = arith.extui %sign3A_1495 : i1 to i32
        %sign3A_1497 = arith.constant 0 : i32
        %sign3A_1498 = arith.cmpi slt, %jit3A_1485, %sign3A_1497 : i32
        %sign3A_1499 = arith.extui %sign3A_1498 : i1 to i32
        %sign3A_1500 = arith.subi %sign3A_1496, %sign3A_1499 : i32
        %ne3A_1501 = arith.cmpi ne, %sign3A_1493, %sign3A_1500 : i32
        %rem3A_1502 = arith.remsi %add3A_848, %jit3A_1485 : i32
        %ne3A_1503 = arith.constant 0 : i32
        %ne3A_1504 = arith.cmpi ne, %rem3A_1502, %ne3A_1503 : i32
        %and3A_1505 = arith.andi %ne3A_1501, %ne3A_1504 : i1
        %sub3A_1506 = arith.constant 1 : i32
        %sub3A_1507 = arith.subi %div3A_1486, %sub3A_1506 : i32
        %select_n3A_1508 = arith.select %and3A_1505, %sub3A_1507, %div3A_1486 : i32
        %add3A_1509 = arith.addi %mul3A_2, %select_n3A_1508 : i32
        %mul3A_1510 = arith.constant 216 : i32
        %mul3A_1511 = arith.muli %add3A_1509, %mul3A_1510 : i32
        %dma_start3A_1512 = arith.constant 0 : i32
        %dma_start3A_1513 = tpu.memref_slice %arg5[%mul3A_1511, %dma_start3A_1512] : memref<221184x128xf32, #tpu.memory_space<hbm>> -> memref<16x128xf32, #tpu.memory_space<hbm>>
        %dma_start3A_1514 = arith.constant 0 : i32
        %dma_start3A_1515 = tpu.memref_slice %arg5[%mul3A_1511, %dma_start3A_1514] : memref<221184x128xf32, #tpu.memory_space<hbm>> -> memref<16x128xf32, #tpu.memory_space<hbm>>
        tpu.enqueue_dma source(%arg8 : memref<16x128xf32, #tpu.memory_space<vmem>>) target(%dma_start3A_1515 : memref<16x128xf32, #tpu.memory_space<hbm>>) target_semaphore(%arg25 : memref<!tpu.dma_semaphore, #tpu.memory_space<semaphore_mem>>)
      } else {
      }
      %add3A_896 = arith.constant 0 : i32
      %add3A_897 = arith.addi %add3A_512, %add3A_896 : i32
      %dma_wait3A_898 = arith.constant 0 : i32
      %dma_wait3A_899 = arith.constant 0 : i32
      %dma_wait3A_900 = arith.constant 0 : i32
      %dma_wait3A_901 = tpu.memref_slice %arg7[%dma_wait3A_898, %dma_wait3A_899, %dma_wait3A_900] : memref<8x40x128xf32, #tpu.memory_space<vmem>> -> memref<1x40x128xf32, #tpu.memory_space<vmem>>
      %dma_wait3A_902 = tpu.memref_squeeze %dma_wait3A_901 : memref<1x40x128xf32, #tpu.memory_space<vmem>> -> memref<40x128xf32, #tpu.memory_space<vmem>>
      %dma_wait3A_903 = arith.constant 0 : i32
      %dma_wait3A_904 = tpu.memref_slice %arg6[%add3A_514, %dma_wait3A_903] : memref<160x40xi32, #tpu.memory_space<vmem>> -> memref<1x40xi32, #tpu.memory_space<vmem>>
      %dma_wait3A_905 = tpu.memref_squeeze %dma_wait3A_904 : memref<1x40xi32, #tpu.memory_space<vmem>> -> memref<40xi32, #tpu.memory_space<vmem>>
      %dma_wait3A_906 = arith.constant 0 : i32
      %dma_wait3A_907 = arith.constant 0 : i32
      %dma_wait3A_908 = tpu.memref_slice %arg3[%dma_wait3A_906, %dma_wait3A_907] : memref<100000x128xf32, #tpu.memory_space<hbm>> -> memref<100000x128xf32, #tpu.memory_space<hbm>>
      tpu.wait_indirect_dma semaphore(%arg9 : memref<!tpu.dma_semaphore, #tpu.memory_space<semaphore_mem>>) src(%dma_wait3A_908 : memref<100000x128xf32, #tpu.memory_space<hbm>>) dst(%dma_wait3A_902 : memref<40x128xf32, #tpu.memory_space<vmem>>)
      %jit3A_909 = arith.constant 5 : i32
      %div3A = arith.divsi %add3A_897, %jit3A_909 : i32
      %sign3A = arith.constant 0 : i32
      %sign3A_910 = arith.cmpi sgt, %add3A_897, %sign3A : i32
      %sign3A_911 = arith.extui %sign3A_910 : i1 to i32
      %sign3A_912 = arith.constant 0 : i32
      %sign3A_913 = arith.cmpi slt, %add3A_897, %sign3A_912 : i32
      %sign3A_914 = arith.extui %sign3A_913 : i1 to i32
      %sign3A_915 = arith.subi %sign3A_911, %sign3A_914 : i32
      %sign3A_916 = arith.constant 0 : i32
      %sign3A_917 = arith.cmpi sgt, %jit3A_909, %sign3A_916 : i32
      %sign3A_918 = arith.extui %sign3A_917 : i1 to i32
      %sign3A_919 = arith.constant 0 : i32
      %sign3A_920 = arith.cmpi slt, %jit3A_909, %sign3A_919 : i32
      %sign3A_921 = arith.extui %sign3A_920 : i1 to i32
      %sign3A_922 = arith.subi %sign3A_918, %sign3A_921 : i32
      %ne3A_923 = arith.cmpi ne, %sign3A_915, %sign3A_922 : i32
      %rem3A_924 = arith.remsi %add3A_897, %jit3A_909 : i32
      %ne3A_925 = arith.constant 0 : i32
      %ne3A_926 = arith.cmpi ne, %rem3A_924, %ne3A_925 : i32
      %and3A_927 = arith.andi %ne3A_923, %ne3A_926 : i1
      %sub3A = arith.constant 1 : i32
      %sub3A_928 = arith.subi %div3A, %sub3A : i32
      %select_n3A_929 = arith.select %and3A_927, %sub3A_928, %div3A : i32
      %add3A_930 = arith.addi %mul3A_2, %select_n3A_929 : i32
      %mul3A_931 = arith.constant 216 : i32
      %mul3A_932 = arith.muli %add3A_930, %mul3A_931 : i32
      %add3A_933 = arith.constant 16 : i32
      %add3A_934 = arith.addi %mul3A_932, %add3A_933 : i32
      %jit3A_935 = arith.constant 5 : i32
      %eq3A_936 = arith.constant 0 : i32
      %eq3A_937 = arith.cmpi eq, %jit3A_935, %eq3A_936 : i32
      %jit3A_938 = arith.constant 1 : i32
      %select_n3A_939 = arith.select %eq3A_937, %jit3A_938, %jit3A_935 : i32
      %rem3A_940 = arith.remsi %add3A_897, %select_n3A_939 : i32
      %ne3A_941 = arith.constant 0 : i32
      %ne3A_942 = arith.cmpi ne, %rem3A_940, %ne3A_941 : i32
      %lt3A_943 = arith.constant 0 : i32
      %lt3A_944 = arith.cmpi slt, %rem3A_940, %lt3A_943 : i32
      %lt3A_945 = arith.constant 0 : i32
      %lt3A_946 = arith.cmpi slt, %select_n3A_939, %lt3A_945 : i32
      %ne3A_947 = arith.xori %lt3A_944, %lt3A_946 : i1
      %and3A_948 = arith.andi %ne3A_947, %ne3A_942 : i1
      %add3A_949 = arith.addi %rem3A_940, %select_n3A_939 : i32
      %select_n3A_950 = arith.select %and3A_948, %add3A_949, %rem3A_940 : i32
      %mul3A_951 = arith.constant 40 : i32
      %mul3A_952 = arith.muli %select_n3A_950, %mul3A_951 : i32
      %add3A_953 = arith.addi %add3A_934, %mul3A_952 : i32
      %dma_start3A_954 = arith.constant 0 : i32
      %dma_start3A_955 = arith.constant 0 : i32
      %dma_start3A_956 = arith.constant 0 : i32
      %dma_start3A_957 = tpu.memref_slice %arg7[%dma_start3A_954, %dma_start3A_955, %dma_start3A_956] : memref<8x40x128xf32, #tpu.memory_space<vmem>> -> memref<1x40x128xf32, #tpu.memory_space<vmem>>
      %dma_start3A_958 = tpu.memref_squeeze %dma_start3A_957 : memref<1x40x128xf32, #tpu.memory_space<vmem>> -> memref<40x128xf32, #tpu.memory_space<vmem>>
      %dma_start3A_959 = arith.constant 0 : i32
      %dma_start3A_960 = tpu.memref_slice %arg5[%add3A_953, %dma_start3A_959] : memref<221184x128xf32, #tpu.memory_space<hbm>> -> memref<40x128xf32, #tpu.memory_space<hbm>>
      %dma_start3A_961 = arith.constant 0 : i32
      %dma_start3A_962 = tpu.memref_slice %arg5[%add3A_953, %dma_start3A_961] : memref<221184x128xf32, #tpu.memory_space<hbm>> -> memref<40x128xf32, #tpu.memory_space<hbm>>
      %dma_start3A_963 = arith.constant 0 : i32
      %dma_start3A_964 = arith.constant 0 : i32
      %dma_start3A_965 = tpu.memref_slice %arg7[%dma_start3A_954, %dma_start3A_963, %dma_start3A_964] : memref<8x40x128xf32, #tpu.memory_space<vmem>> -> memref<1x40x128xf32, #tpu.memory_space<vmem>>
      %dma_start3A_966 = tpu.memref_squeeze %dma_start3A_965 : memref<1x40x128xf32, #tpu.memory_space<vmem>> -> memref<40x128xf32, #tpu.memory_space<vmem>>
      tpu.enqueue_dma source(%dma_start3A_966 : memref<40x128xf32, #tpu.memory_space<vmem>>) target(%dma_start3A_962 : memref<40x128xf32, #tpu.memory_space<hbm>>) target_semaphore(%arg17 : memref<!tpu.dma_semaphore, #tpu.memory_space<semaphore_mem>>)
      %add3A_967 = arith.constant 1 : i32
      %add3A_968 = arith.addi %add3A_512, %add3A_967 : i32
      %dma_wait3A_969 = arith.constant 1 : i32
      %dma_wait3A_970 = arith.constant 0 : i32
      %dma_wait3A_971 = arith.constant 0 : i32
      %dma_wait3A_972 = tpu.memref_slice %arg7[%dma_wait3A_969, %dma_wait3A_970, %dma_wait3A_971] : memref<8x40x128xf32, #tpu.memory_space<vmem>> -> memref<1x40x128xf32, #tpu.memory_space<vmem>>
      %dma_wait3A_973 = tpu.memref_squeeze %dma_wait3A_972 : memref<1x40x128xf32, #tpu.memory_space<vmem>> -> memref<40x128xf32, #tpu.memory_space<vmem>>
      %dma_wait3A_974 = arith.constant 0 : i32
      %dma_wait3A_975 = tpu.memref_slice %arg6[%add3A_554, %dma_wait3A_974] : memref<160x40xi32, #tpu.memory_space<vmem>> -> memref<1x40xi32, #tpu.memory_space<vmem>>
      %dma_wait3A_976 = tpu.memref_squeeze %dma_wait3A_975 : memref<1x40xi32, #tpu.memory_space<vmem>> -> memref<40xi32, #tpu.memory_space<vmem>>
      %dma_wait3A_977 = arith.constant 0 : i32
      %dma_wait3A_978 = arith.constant 0 : i32
      %dma_wait3A_979 = tpu.memref_slice %arg3[%dma_wait3A_977, %dma_wait3A_978] : memref<100000x128xf32, #tpu.memory_space<hbm>> -> memref<100000x128xf32, #tpu.memory_space<hbm>>
      tpu.wait_indirect_dma semaphore(%arg10 : memref<!tpu.dma_semaphore, #tpu.memory_space<semaphore_mem>>) src(%dma_wait3A_979 : memref<100000x128xf32, #tpu.memory_space<hbm>>) dst(%dma_wait3A_973 : memref<40x128xf32, #tpu.memory_space<vmem>>)
      %jit3A_980 = arith.constant 5 : i32
      %div3A_981 = arith.divsi %add3A_968, %jit3A_980 : i32
      %sign3A_982 = arith.constant 0 : i32
      %sign3A_983 = arith.cmpi sgt, %add3A_968, %sign3A_982 : i32
      %sign3A_984 = arith.extui %sign3A_983 : i1 to i32
      %sign3A_985 = arith.constant 0 : i32
      %sign3A_986 = arith.cmpi slt, %add3A_968, %sign3A_985 : i32
      %sign3A_987 = arith.extui %sign3A_986 : i1 to i32
      %sign3A_988 = arith.subi %sign3A_984, %sign3A_987 : i32
      %sign3A_989 = arith.constant 0 : i32
      %sign3A_990 = arith.cmpi sgt, %jit3A_980, %sign3A_989 : i32
      %sign3A_991 = arith.extui %sign3A_990 : i1 to i32
      %sign3A_992 = arith.constant 0 : i32
      %sign3A_993 = arith.cmpi slt, %jit3A_980, %sign3A_992 : i32
      %sign3A_994 = arith.extui %sign3A_993 : i1 to i32
      %sign3A_995 = arith.subi %sign3A_991, %sign3A_994 : i32
      %ne3A_996 = arith.cmpi ne, %sign3A_988, %sign3A_995 : i32
      %rem3A_997 = arith.remsi %add3A_968, %jit3A_980 : i32
      %ne3A_998 = arith.constant 0 : i32
      %ne3A_999 = arith.cmpi ne, %rem3A_997, %ne3A_998 : i32
      %and3A_1000 = arith.andi %ne3A_996, %ne3A_999 : i1
      %sub3A_1001 = arith.constant 1 : i32
      %sub3A_1002 = arith.subi %div3A_981, %sub3A_1001 : i32
      %select_n3A_1003 = arith.select %and3A_1000, %sub3A_1002, %div3A_981 : i32
      %add3A_1004 = arith.addi %mul3A_2, %select_n3A_1003 : i32
      %mul3A_1005 = arith.constant 216 : i32
      %mul3A_1006 = arith.muli %add3A_1004, %mul3A_1005 : i32
      %add3A_1007 = arith.constant 16 : i32
      %add3A_1008 = arith.addi %mul3A_1006, %add3A_1007 : i32
      %jit3A_1009 = arith.constant 5 : i32
      %eq3A_1010 = arith.constant 0 : i32
      %eq3A_1011 = arith.cmpi eq, %jit3A_1009, %eq3A_1010 : i32
      %jit3A_1012 = arith.constant 1 : i32
      %select_n3A_1013 = arith.select %eq3A_1011, %jit3A_1012, %jit3A_1009 : i32
      %rem3A_1014 = arith.remsi %add3A_968, %select_n3A_1013 : i32
      %ne3A_1015 = arith.constant 0 : i32
      %ne3A_1016 = arith.cmpi ne, %rem3A_1014, %ne3A_1015 : i32
      %lt3A_1017 = arith.constant 0 : i32
      %lt3A_1018 = arith.cmpi slt, %rem3A_1014, %lt3A_1017 : i32
      %lt3A_1019 = arith.constant 0 : i32
      %lt3A_1020 = arith.cmpi slt, %select_n3A_1013, %lt3A_1019 : i32
      %ne3A_1021 = arith.xori %lt3A_1018, %lt3A_1020 : i1
      %and3A_1022 = arith.andi %ne3A_1021, %ne3A_1016 : i1
      %add3A_1023 = arith.addi %rem3A_1014, %select_n3A_1013 : i32
      %select_n3A_1024 = arith.select %and3A_1022, %add3A_1023, %rem3A_1014 : i32
      %mul3A_1025 = arith.constant 40 : i32
      %mul3A_1026 = arith.muli %select_n3A_1024, %mul3A_1025 : i32
      %add3A_1027 = arith.addi %add3A_1008, %mul3A_1026 : i32
      %dma_start3A_1028 = arith.constant 1 : i32
      %dma_start3A_1029 = arith.constant 0 : i32
      %dma_start3A_1030 = arith.constant 0 : i32
      %dma_start3A_1031 = tpu.memref_slice %arg7[%dma_start3A_1028, %dma_start3A_1029, %dma_start3A_1030] : memref<8x40x128xf32, #tpu.memory_space<vmem>> -> memref<1x40x128xf32, #tpu.memory_space<vmem>>
      %dma_start3A_1032 = tpu.memref_squeeze %dma_start3A_1031 : memref<1x40x128xf32, #tpu.memory_space<vmem>> -> memref<40x128xf32, #tpu.memory_space<vmem>>
      %dma_start3A_1033 = arith.constant 0 : i32
      %dma_start3A_1034 = tpu.memref_slice %arg5[%add3A_1027, %dma_start3A_1033] : memref<221184x128xf32, #tpu.memory_space<hbm>> -> memref<40x128xf32, #tpu.memory_space<hbm>>
      %dma_start3A_1035 = arith.constant 0 : i32
      %dma_start3A_1036 = tpu.memref_slice %arg5[%add3A_1027, %dma_start3A_1035] : memref<221184x128xf32, #tpu.memory_space<hbm>> -> memref<40x128xf32, #tpu.memory_space<hbm>>
      %dma_start3A_1037 = arith.constant 0 : i32
      %dma_start3A_1038 = arith.constant 0 : i32
      %dma_start3A_1039 = tpu.memref_slice %arg7[%dma_start3A_1028, %dma_start3A_1037, %dma_start3A_1038] : memref<8x40x128xf32, #tpu.memory_space<vmem>> -> memref<1x40x128xf32, #tpu.memory_space<vmem>>
      %dma_start3A_1040 = tpu.memref_squeeze %dma_start3A_1039 : memref<1x40x128xf32, #tpu.memory_space<vmem>> -> memref<40x128xf32, #tpu.memory_space<vmem>>
      tpu.enqueue_dma source(%dma_start3A_1040 : memref<40x128xf32, #tpu.memory_space<vmem>>) target(%dma_start3A_1036 : memref<40x128xf32, #tpu.memory_space<hbm>>) target_semaphore(%arg18 : memref<!tpu.dma_semaphore, #tpu.memory_space<semaphore_mem>>)
      %add3A_1041 = arith.constant 2 : i32
      %add3A_1042 = arith.addi %add3A_512, %add3A_1041 : i32
      %dma_wait3A_1043 = arith.constant 2 : i32
      %dma_wait3A_1044 = arith.constant 0 : i32
      %dma_wait3A_1045 = arith.constant 0 : i32
      %dma_wait3A_1046 = tpu.memref_slice %arg7[%dma_wait3A_1043, %dma_wait3A_1044, %dma_wait3A_1045] : memref<8x40x128xf32, #tpu.memory_space<vmem>> -> memref<1x40x128xf32, #tpu.memory_space<vmem>>
      %dma_wait3A_1047 = tpu.memref_squeeze %dma_wait3A_1046 : memref<1x40x128xf32, #tpu.memory_space<vmem>> -> memref<40x128xf32, #tpu.memory_space<vmem>>
      %dma_wait3A_1048 = arith.constant 0 : i32
      %dma_wait3A_1049 = tpu.memref_slice %arg6[%add3A_603, %dma_wait3A_1048] : memref<160x40xi32, #tpu.memory_space<vmem>> -> memref<1x40xi32, #tpu.memory_space<vmem>>
      %dma_wait3A_1050 = tpu.memref_squeeze %dma_wait3A_1049 : memref<1x40xi32, #tpu.memory_space<vmem>> -> memref<40xi32, #tpu.memory_space<vmem>>
      %dma_wait3A_1051 = arith.constant 0 : i32
      %dma_wait3A_1052 = arith.constant 0 : i32
      %dma_wait3A_1053 = tpu.memref_slice %arg3[%dma_wait3A_1051, %dma_wait3A_1052] : memref<100000x128xf32, #tpu.memory_space<hbm>> -> memref<100000x128xf32, #tpu.memory_space<hbm>>
      tpu.wait_indirect_dma semaphore(%arg11 : memref<!tpu.dma_semaphore, #tpu.memory_space<semaphore_mem>>) src(%dma_wait3A_1053 : memref<100000x128xf32, #tpu.memory_space<hbm>>) dst(%dma_wait3A_1047 : memref<40x128xf32, #tpu.memory_space<vmem>>)
      %jit3A_1054 = arith.constant 5 : i32
      %div3A_1055 = arith.divsi %add3A_1042, %jit3A_1054 : i32
      %sign3A_1056 = arith.constant 0 : i32
      %sign3A_1057 = arith.cmpi sgt, %add3A_1042, %sign3A_1056 : i32
      %sign3A_1058 = arith.extui %sign3A_1057 : i1 to i32
      %sign3A_1059 = arith.constant 0 : i32
      %sign3A_1060 = arith.cmpi slt, %add3A_1042, %sign3A_1059 : i32
      %sign3A_1061 = arith.extui %sign3A_1060 : i1 to i32
      %sign3A_1062 = arith.subi %sign3A_1058, %sign3A_1061 : i32
      %sign3A_1063 = arith.constant 0 : i32
      %sign3A_1064 = arith.cmpi sgt, %jit3A_1054, %sign3A_1063 : i32
      %sign3A_1065 = arith.extui %sign3A_1064 : i1 to i32
      %sign3A_1066 = arith.constant 0 : i32
      %sign3A_1067 = arith.cmpi slt, %jit3A_1054, %sign3A_1066 : i32
      %sign3A_1068 = arith.extui %sign3A_1067 : i1 to i32
      %sign3A_1069 = arith.subi %sign3A_1065, %sign3A_1068 : i32
      %ne3A_1070 = arith.cmpi ne, %sign3A_1062, %sign3A_1069 : i32
      %rem3A_1071 = arith.remsi %add3A_1042, %jit3A_1054 : i32
      %ne3A_1072 = arith.constant 0 : i32
      %ne3A_1073 = arith.cmpi ne, %rem3A_1071, %ne3A_1072 : i32
      %and3A_1074 = arith.andi %ne3A_1070, %ne3A_1073 : i1
      %sub3A_1075 = arith.constant 1 : i32
      %sub3A_1076 = arith.subi %div3A_1055, %sub3A_1075 : i32
      %select_n3A_1077 = arith.select %and3A_1074, %sub3A_1076, %div3A_1055 : i32
      %add3A_1078 = arith.addi %mul3A_2, %select_n3A_1077 : i32
      %mul3A_1079 = arith.constant 216 : i32
      %mul3A_1080 = arith.muli %add3A_1078, %mul3A_1079 : i32
      %add3A_1081 = arith.constant 16 : i32
      %add3A_1082 = arith.addi %mul3A_1080, %add3A_1081 : i32
      %jit3A_1083 = arith.constant 5 : i32
      %eq3A_1084 = arith.constant 0 : i32
      %eq3A_1085 = arith.cmpi eq, %jit3A_1083, %eq3A_1084 : i32
      %jit3A_1086 = arith.constant 1 : i32
      %select_n3A_1087 = arith.select %eq3A_1085, %jit3A_1086, %jit3A_1083 : i32
      %rem3A_1088 = arith.remsi %add3A_1042, %select_n3A_1087 : i32
      %ne3A_1089 = arith.constant 0 : i32
      %ne3A_1090 = arith.cmpi ne, %rem3A_1088, %ne3A_1089 : i32
      %lt3A_1091 = arith.constant 0 : i32
      %lt3A_1092 = arith.cmpi slt, %rem3A_1088, %lt3A_1091 : i32
      %lt3A_1093 = arith.constant 0 : i32
      %lt3A_1094 = arith.cmpi slt, %select_n3A_1087, %lt3A_1093 : i32
      %ne3A_1095 = arith.xori %lt3A_1092, %lt3A_1094 : i1
      %and3A_1096 = arith.andi %ne3A_1095, %ne3A_1090 : i1
      %add3A_1097 = arith.addi %rem3A_1088, %select_n3A_1087 : i32
      %select_n3A_1098 = arith.select %and3A_1096, %add3A_1097, %rem3A_1088 : i32
      %mul3A_1099 = arith.constant 40 : i32
      %mul3A_1100 = arith.muli %select_n3A_1098, %mul3A_1099 : i32
      %add3A_1101 = arith.addi %add3A_1082, %mul3A_1100 : i32
      %dma_start3A_1102 = arith.constant 2 : i32
      %dma_start3A_1103 = arith.constant 0 : i32
      %dma_start3A_1104 = arith.constant 0 : i32
      %dma_start3A_1105 = tpu.memref_slice %arg7[%dma_start3A_1102, %dma_start3A_1103, %dma_start3A_1104] : memref<8x40x128xf32, #tpu.memory_space<vmem>> -> memref<1x40x128xf32, #tpu.memory_space<vmem>>
      %dma_start3A_1106 = tpu.memref_squeeze %dma_start3A_1105 : memref<1x40x128xf32, #tpu.memory_space<vmem>> -> memref<40x128xf32, #tpu.memory_space<vmem>>
      %dma_start3A_1107 = arith.constant 0 : i32
      %dma_start3A_1108 = tpu.memref_slice %arg5[%add3A_1101, %dma_start3A_1107] : memref<221184x128xf32, #tpu.memory_space<hbm>> -> memref<40x128xf32, #tpu.memory_space<hbm>>
      %dma_start3A_1109 = arith.constant 0 : i32
      %dma_start3A_1110 = tpu.memref_slice %arg5[%add3A_1101, %dma_start3A_1109] : memref<221184x128xf32, #tpu.memory_space<hbm>> -> memref<40x128xf32, #tpu.memory_space<hbm>>
      %dma_start3A_1111 = arith.constant 0 : i32
      %dma_start3A_1112 = arith.constant 0 : i32
      %dma_start3A_1113 = tpu.memref_slice %arg7[%dma_start3A_1102, %dma_start3A_1111, %dma_start3A_1112] : memref<8x40x128xf32, #tpu.memory_space<vmem>> -> memref<1x40x128xf32, #tpu.memory_space<vmem>>
      %dma_start3A_1114 = tpu.memref_squeeze %dma_start3A_1113 : memref<1x40x128xf32, #tpu.memory_space<vmem>> -> memref<40x128xf32, #tpu.memory_space<vmem>>
      tpu.enqueue_dma source(%dma_start3A_1114 : memref<40x128xf32, #tpu.memory_space<vmem>>) target(%dma_start3A_1110 : memref<40x128xf32, #tpu.memory_space<hbm>>) target_semaphore(%arg19 : memref<!tpu.dma_semaphore, #tpu.memory_space<semaphore_mem>>)
      %add3A_1115 = arith.constant 3 : i32
      %add3A_1116 = arith.addi %add3A_512, %add3A_1115 : i32
      %dma_wait3A_1117 = arith.constant 3 : i32
      %dma_wait3A_1118 = arith.constant 0 : i32
      %dma_wait3A_1119 = arith.constant 0 : i32
      %dma_wait3A_1120 = tpu.memref_slice %arg7[%dma_wait3A_1117, %dma_wait3A_1118, %dma_wait3A_1119] : memref<8x40x128xf32, #tpu.memory_space<vmem>> -> memref<1x40x128xf32, #tpu.memory_space<vmem>>
      %dma_wait3A_1121 = tpu.memref_squeeze %dma_wait3A_1120 : memref<1x40x128xf32, #tpu.memory_space<vmem>> -> memref<40x128xf32, #tpu.memory_space<vmem>>
      %dma_wait3A_1122 = arith.constant 0 : i32
      %dma_wait3A_1123 = tpu.memref_slice %arg6[%add3A_652, %dma_wait3A_1122] : memref<160x40xi32, #tpu.memory_space<vmem>> -> memref<1x40xi32, #tpu.memory_space<vmem>>
      %dma_wait3A_1124 = tpu.memref_squeeze %dma_wait3A_1123 : memref<1x40xi32, #tpu.memory_space<vmem>> -> memref<40xi32, #tpu.memory_space<vmem>>
      %dma_wait3A_1125 = arith.constant 0 : i32
      %dma_wait3A_1126 = arith.constant 0 : i32
      %dma_wait3A_1127 = tpu.memref_slice %arg3[%dma_wait3A_1125, %dma_wait3A_1126] : memref<100000x128xf32, #tpu.memory_space<hbm>> -> memref<100000x128xf32, #tpu.memory_space<hbm>>
      tpu.wait_indirect_dma semaphore(%arg12 : memref<!tpu.dma_semaphore, #tpu.memory_space<semaphore_mem>>) src(%dma_wait3A_1127 : memref<100000x128xf32, #tpu.memory_space<hbm>>) dst(%dma_wait3A_1121 : memref<40x128xf32, #tpu.memory_space<vmem>>)
      %jit3A_1128 = arith.constant 5 : i32
      %div3A_1129 = arith.divsi %add3A_1116, %jit3A_1128 : i32
      %sign3A_1130 = arith.constant 0 : i32
      %sign3A_1131 = arith.cmpi sgt, %add3A_1116, %sign3A_1130 : i32
      %sign3A_1132 = arith.extui %sign3A_1131 : i1 to i32
      %sign3A_1133 = arith.constant 0 : i32
      %sign3A_1134 = arith.cmpi slt, %add3A_1116, %sign3A_1133 : i32
      %sign3A_1135 = arith.extui %sign3A_1134 : i1 to i32
      %sign3A_1136 = arith.subi %sign3A_1132, %sign3A_1135 : i32
      %sign3A_1137 = arith.constant 0 : i32
      %sign3A_1138 = arith.cmpi sgt, %jit3A_1128, %sign3A_1137 : i32
      %sign3A_1139 = arith.extui %sign3A_1138 : i1 to i32
      %sign3A_1140 = arith.constant 0 : i32
      %sign3A_1141 = arith.cmpi slt, %jit3A_1128, %sign3A_1140 : i32
      %sign3A_1142 = arith.extui %sign3A_1141 : i1 to i32
      %sign3A_1143 = arith.subi %sign3A_1139, %sign3A_1142 : i32
      %ne3A_1144 = arith.cmpi ne, %sign3A_1136, %sign3A_1143 : i32
      %rem3A_1145 = arith.remsi %add3A_1116, %jit3A_1128 : i32
      %ne3A_1146 = arith.constant 0 : i32
      %ne3A_1147 = arith.cmpi ne, %rem3A_1145, %ne3A_1146 : i32
      %and3A_1148 = arith.andi %ne3A_1144, %ne3A_1147 : i1
      %sub3A_1149 = arith.constant 1 : i32
      %sub3A_1150 = arith.subi %div3A_1129, %sub3A_1149 : i32
      %select_n3A_1151 = arith.select %and3A_1148, %sub3A_1150, %div3A_1129 : i32
      %add3A_1152 = arith.addi %mul3A_2, %select_n3A_1151 : i32
      %mul3A_1153 = arith.constant 216 : i32
      %mul3A_1154 = arith.muli %add3A_1152, %mul3A_1153 : i32
      %add3A_1155 = arith.constant 16 : i32
      %add3A_1156 = arith.addi %mul3A_1154, %add3A_1155 : i32
      %jit3A_1157 = arith.constant 5 : i32
      %eq3A_1158 = arith.constant 0 : i32
      %eq3A_1159 = arith.cmpi eq, %jit3A_1157, %eq3A_1158 : i32
      %jit3A_1160 = arith.constant 1 : i32
      %select_n3A_1161 = arith.select %eq3A_1159, %jit3A_1160, %jit3A_1157 : i32
      %rem3A_1162 = arith.remsi %add3A_1116, %select_n3A_1161 : i32
      %ne3A_1163 = arith.constant 0 : i32
      %ne3A_1164 = arith.cmpi ne, %rem3A_1162, %ne3A_1163 : i32
      %lt3A_1165 = arith.constant 0 : i32
      %lt3A_1166 = arith.cmpi slt, %rem3A_1162, %lt3A_1165 : i32
      %lt3A_1167 = arith.constant 0 : i32
      %lt3A_1168 = arith.cmpi slt, %select_n3A_1161, %lt3A_1167 : i32
      %ne3A_1169 = arith.xori %lt3A_1166, %lt3A_1168 : i1
      %and3A_1170 = arith.andi %ne3A_1169, %ne3A_1164 : i1
      %add3A_1171 = arith.addi %rem3A_1162, %select_n3A_1161 : i32
      %select_n3A_1172 = arith.select %and3A_1170, %add3A_1171, %rem3A_1162 : i32
      %mul3A_1173 = arith.constant 40 : i32
      %mul3A_1174 = arith.muli %select_n3A_1172, %mul3A_1173 : i32
      %add3A_1175 = arith.addi %add3A_1156, %mul3A_1174 : i32
      %dma_start3A_1176 = arith.constant 3 : i32
      %dma_start3A_1177 = arith.constant 0 : i32
      %dma_start3A_1178 = arith.constant 0 : i32
      %dma_start3A_1179 = tpu.memref_slice %arg7[%dma_start3A_1176, %dma_start3A_1177, %dma_start3A_1178] : memref<8x40x128xf32, #tpu.memory_space<vmem>> -> memref<1x40x128xf32, #tpu.memory_space<vmem>>
      %dma_start3A_1180 = tpu.memref_squeeze %dma_start3A_1179 : memref<1x40x128xf32, #tpu.memory_space<vmem>> -> memref<40x128xf32, #tpu.memory_space<vmem>>
      %dma_start3A_1181 = arith.constant 0 : i32
      %dma_start3A_1182 = tpu.memref_slice %arg5[%add3A_1175, %dma_start3A_1181] : memref<221184x128xf32, #tpu.memory_space<hbm>> -> memref<40x128xf32, #tpu.memory_space<hbm>>
      %dma_start3A_1183 = arith.constant 0 : i32
      %dma_start3A_1184 = tpu.memref_slice %arg5[%add3A_1175, %dma_start3A_1183] : memref<221184x128xf32, #tpu.memory_space<hbm>> -> memref<40x128xf32, #tpu.memory_space<hbm>>
      %dma_start3A_1185 = arith.constant 0 : i32
      %dma_start3A_1186 = arith.constant 0 : i32
      %dma_start3A_1187 = tpu.memref_slice %arg7[%dma_start3A_1176, %dma_start3A_1185, %dma_start3A_1186] : memref<8x40x128xf32, #tpu.memory_space<vmem>> -> memref<1x40x128xf32, #tpu.memory_space<vmem>>
      %dma_start3A_1188 = tpu.memref_squeeze %dma_start3A_1187 : memref<1x40x128xf32, #tpu.memory_space<vmem>> -> memref<40x128xf32, #tpu.memory_space<vmem>>
      tpu.enqueue_dma source(%dma_start3A_1188 : memref<40x128xf32, #tpu.memory_space<vmem>>) target(%dma_start3A_1184 : memref<40x128xf32, #tpu.memory_space<hbm>>) target_semaphore(%arg20 : memref<!tpu.dma_semaphore, #tpu.memory_space<semaphore_mem>>)
      %add3A_1189 = arith.constant 4 : i32
      %add3A_1190 = arith.addi %add3A_512, %add3A_1189 : i32
      %dma_wait3A_1191 = arith.constant 4 : i32
      %dma_wait3A_1192 = arith.constant 0 : i32
      %dma_wait3A_1193 = arith.constant 0 : i32
      %dma_wait3A_1194 = tpu.memref_slice %arg7[%dma_wait3A_1191, %dma_wait3A_1192, %dma_wait3A_1193] : memref<8x40x128xf32, #tpu.memory_space<vmem>> -> memref<1x40x128xf32, #tpu.memory_space<vmem>>
      %dma_wait3A_1195 = tpu.memref_squeeze %dma_wait3A_1194 : memref<1x40x128xf32, #tpu.memory_space<vmem>> -> memref<40x128xf32, #tpu.memory_space<vmem>>
      %dma_wait3A_1196 = arith.constant 0 : i32
      %dma_wait3A_1197 = tpu.memref_slice %arg6[%add3A_701, %dma_wait3A_1196] : memref<160x40xi32, #tpu.memory_space<vmem>> -> memref<1x40xi32, #tpu.memory_space<vmem>>
      %dma_wait3A_1198 = tpu.memref_squeeze %dma_wait3A_1197 : memref<1x40xi32, #tpu.memory_space<vmem>> -> memref<40xi32, #tpu.memory_space<vmem>>
      %dma_wait3A_1199 = arith.constant 0 : i32
      %dma_wait3A_1200 = arith.constant 0 : i32
      %dma_wait3A_1201 = tpu.memref_slice %arg3[%dma_wait3A_1199, %dma_wait3A_1200] : memref<100000x128xf32, #tpu.memory_space<hbm>> -> memref<100000x128xf32, #tpu.memory_space<hbm>>
      tpu.wait_indirect_dma semaphore(%arg13 : memref<!tpu.dma_semaphore, #tpu.memory_space<semaphore_mem>>) src(%dma_wait3A_1201 : memref<100000x128xf32, #tpu.memory_space<hbm>>) dst(%dma_wait3A_1195 : memref<40x128xf32, #tpu.memory_space<vmem>>)
      %jit3A_1202 = arith.constant 5 : i32
      %div3A_1203 = arith.divsi %add3A_1190, %jit3A_1202 : i32
      %sign3A_1204 = arith.constant 0 : i32
      %sign3A_1205 = arith.cmpi sgt, %add3A_1190, %sign3A_1204 : i32
      %sign3A_1206 = arith.extui %sign3A_1205 : i1 to i32
      %sign3A_1207 = arith.constant 0 : i32
      %sign3A_1208 = arith.cmpi slt, %add3A_1190, %sign3A_1207 : i32
      %sign3A_1209 = arith.extui %sign3A_1208 : i1 to i32
      %sign3A_1210 = arith.subi %sign3A_1206, %sign3A_1209 : i32
      %sign3A_1211 = arith.constant 0 : i32
      %sign3A_1212 = arith.cmpi sgt, %jit3A_1202, %sign3A_1211 : i32
      %sign3A_1213 = arith.extui %sign3A_1212 : i1 to i32
      %sign3A_1214 = arith.constant 0 : i32
      %sign3A_1215 = arith.cmpi slt, %jit3A_1202, %sign3A_1214 : i32
      %sign3A_1216 = arith.extui %sign3A_1215 : i1 to i32
      %sign3A_1217 = arith.subi %sign3A_1213, %sign3A_1216 : i32
      %ne3A_1218 = arith.cmpi ne, %sign3A_1210, %sign3A_1217 : i32
      %rem3A_1219 = arith.remsi %add3A_1190, %jit3A_1202 : i32
      %ne3A_1220 = arith.constant 0 : i32
      %ne3A_1221 = arith.cmpi ne, %rem3A_1219, %ne3A_1220 : i32
      %and3A_1222 = arith.andi %ne3A_1218, %ne3A_1221 : i1
      %sub3A_1223 = arith.constant 1 : i32
      %sub3A_1224 = arith.subi %div3A_1203, %sub3A_1223 : i32
      %select_n3A_1225 = arith.select %and3A_1222, %sub3A_1224, %div3A_1203 : i32
      %add3A_1226 = arith.addi %mul3A_2, %select_n3A_1225 : i32
      %mul3A_1227 = arith.constant 216 : i32
      %mul3A_1228 = arith.muli %add3A_1226, %mul3A_1227 : i32
      %add3A_1229 = arith.constant 16 : i32
      %add3A_1230 = arith.addi %mul3A_1228, %add3A_1229 : i32
      %jit3A_1231 = arith.constant 5 : i32
      %eq3A_1232 = arith.constant 0 : i32
      %eq3A_1233 = arith.cmpi eq, %jit3A_1231, %eq3A_1232 : i32
      %jit3A_1234 = arith.constant 1 : i32
      %select_n3A_1235 = arith.select %eq3A_1233, %jit3A_1234, %jit3A_1231 : i32
      %rem3A_1236 = arith.remsi %add3A_1190, %select_n3A_1235 : i32
      %ne3A_1237 = arith.constant 0 : i32
      %ne3A_1238 = arith.cmpi ne, %rem3A_1236, %ne3A_1237 : i32
      %lt3A_1239 = arith.constant 0 : i32
      %lt3A_1240 = arith.cmpi slt, %rem3A_1236, %lt3A_1239 : i32
      %lt3A_1241 = arith.constant 0 : i32
      %lt3A_1242 = arith.cmpi slt, %select_n3A_1235, %lt3A_1241 : i32
      %ne3A_1243 = arith.xori %lt3A_1240, %lt3A_1242 : i1
      %and3A_1244 = arith.andi %ne3A_1243, %ne3A_1238 : i1
      %add3A_1245 = arith.addi %rem3A_1236, %select_n3A_1235 : i32
      %select_n3A_1246 = arith.select %and3A_1244, %add3A_1245, %rem3A_1236 : i32
      %mul3A_1247 = arith.constant 40 : i32
      %mul3A_1248 = arith.muli %select_n3A_1246, %mul3A_1247 : i32
      %add3A_1249 = arith.addi %add3A_1230, %mul3A_1248 : i32
      %dma_start3A_1250 = arith.constant 4 : i32
      %dma_start3A_1251 = arith.constant 0 : i32
      %dma_start3A_1252 = arith.constant 0 : i32
      %dma_start3A_1253 = tpu.memref_slice %arg7[%dma_start3A_1250, %dma_start3A_1251, %dma_start3A_1252] : memref<8x40x128xf32, #tpu.memory_space<vmem>> -> memref<1x40x128xf32, #tpu.memory_space<vmem>>
      %dma_start3A_1254 = tpu.memref_squeeze %dma_start3A_1253 : memref<1x40x128xf32, #tpu.memory_space<vmem>> -> memref<40x128xf32, #tpu.memory_space<vmem>>
      %dma_start3A_1255 = arith.constant 0 : i32
      %dma_start3A_1256 = tpu.memref_slice %arg5[%add3A_1249, %dma_start3A_1255] : memref<221184x128xf32, #tpu.memory_space<hbm>> -> memref<40x128xf32, #tpu.memory_space<hbm>>
      %dma_start3A_1257 = arith.constant 0 : i32
      %dma_start3A_1258 = tpu.memref_slice %arg5[%add3A_1249, %dma_start3A_1257] : memref<221184x128xf32, #tpu.memory_space<hbm>> -> memref<40x128xf32, #tpu.memory_space<hbm>>
      %dma_start3A_1259 = arith.constant 0 : i32
      %dma_start3A_1260 = arith.constant 0 : i32
      %dma_start3A_1261 = tpu.memref_slice %arg7[%dma_start3A_1250, %dma_start3A_1259, %dma_start3A_1260] : memref<8x40x128xf32, #tpu.memory_space<vmem>> -> memref<1x40x128xf32, #tpu.memory_space<vmem>>
      %dma_start3A_1262 = tpu.memref_squeeze %dma_start3A_1261 : memref<1x40x128xf32, #tpu.memory_space<vmem>> -> memref<40x128xf32, #tpu.memory_space<vmem>>
      tpu.enqueue_dma source(%dma_start3A_1262 : memref<40x128xf32, #tpu.memory_space<vmem>>) target(%dma_start3A_1258 : memref<40x128xf32, #tpu.memory_space<hbm>>) target_semaphore(%arg21 : memref<!tpu.dma_semaphore, #tpu.memory_space<semaphore_mem>>)
      %add3A_1263 = arith.constant 5 : i32
      %add3A_1264 = arith.addi %add3A_512, %add3A_1263 : i32
      %dma_wait3A_1265 = arith.constant 5 : i32
      %dma_wait3A_1266 = arith.constant 0 : i32
      %dma_wait3A_1267 = arith.constant 0 : i32
      %dma_wait3A_1268 = tpu.memref_slice %arg7[%dma_wait3A_1265, %dma_wait3A_1266, %dma_wait3A_1267] : memref<8x40x128xf32, #tpu.memory_space<vmem>> -> memref<1x40x128xf32, #tpu.memory_space<vmem>>
      %dma_wait3A_1269 = tpu.memref_squeeze %dma_wait3A_1268 : memref<1x40x128xf32, #tpu.memory_space<vmem>> -> memref<40x128xf32, #tpu.memory_space<vmem>>
      %dma_wait3A_1270 = arith.constant 0 : i32
      %dma_wait3A_1271 = tpu.memref_slice %arg6[%add3A_750, %dma_wait3A_1270] : memref<160x40xi32, #tpu.memory_space<vmem>> -> memref<1x40xi32, #tpu.memory_space<vmem>>
      %dma_wait3A_1272 = tpu.memref_squeeze %dma_wait3A_1271 : memref<1x40xi32, #tpu.memory_space<vmem>> -> memref<40xi32, #tpu.memory_space<vmem>>
      %dma_wait3A_1273 = arith.constant 0 : i32
      %dma_wait3A_1274 = arith.constant 0 : i32
      %dma_wait3A_1275 = tpu.memref_slice %arg3[%dma_wait3A_1273, %dma_wait3A_1274] : memref<100000x128xf32, #tpu.memory_space<hbm>> -> memref<100000x128xf32, #tpu.memory_space<hbm>>
      tpu.wait_indirect_dma semaphore(%arg14 : memref<!tpu.dma_semaphore, #tpu.memory_space<semaphore_mem>>) src(%dma_wait3A_1275 : memref<100000x128xf32, #tpu.memory_space<hbm>>) dst(%dma_wait3A_1269 : memref<40x128xf32, #tpu.memory_space<vmem>>)
      %jit3A_1276 = arith.constant 5 : i32
      %div3A_1277 = arith.divsi %add3A_1264, %jit3A_1276 : i32
      %sign3A_1278 = arith.constant 0 : i32
      %sign3A_1279 = arith.cmpi sgt, %add3A_1264, %sign3A_1278 : i32
      %sign3A_1280 = arith.extui %sign3A_1279 : i1 to i32
      %sign3A_1281 = arith.constant 0 : i32
      %sign3A_1282 = arith.cmpi slt, %add3A_1264, %sign3A_1281 : i32
      %sign3A_1283 = arith.extui %sign3A_1282 : i1 to i32
      %sign3A_1284 = arith.subi %sign3A_1280, %sign3A_1283 : i32
      %sign3A_1285 = arith.constant 0 : i32
      %sign3A_1286 = arith.cmpi sgt, %jit3A_1276, %sign3A_1285 : i32
      %sign3A_1287 = arith.extui %sign3A_1286 : i1 to i32
      %sign3A_1288 = arith.constant 0 : i32
      %sign3A_1289 = arith.cmpi slt, %jit3A_1276, %sign3A_1288 : i32
      %sign3A_1290 = arith.extui %sign3A_1289 : i1 to i32
      %sign3A_1291 = arith.subi %sign3A_1287, %sign3A_1290 : i32
      %ne3A_1292 = arith.cmpi ne, %sign3A_1284, %sign3A_1291 : i32
      %rem3A_1293 = arith.remsi %add3A_1264, %jit3A_1276 : i32
      %ne3A_1294 = arith.constant 0 : i32
      %ne3A_1295 = arith.cmpi ne, %rem3A_1293, %ne3A_1294 : i32
      %and3A_1296 = arith.andi %ne3A_1292, %ne3A_1295 : i1
      %sub3A_1297 = arith.constant 1 : i32
      %sub3A_1298 = arith.subi %div3A_1277, %sub3A_1297 : i32
      %select_n3A_1299 = arith.select %and3A_1296, %sub3A_1298, %div3A_1277 : i32
      %add3A_1300 = arith.addi %mul3A_2, %select_n3A_1299 : i32
      %mul3A_1301 = arith.constant 216 : i32
      %mul3A_1302 = arith.muli %add3A_1300, %mul3A_1301 : i32
      %add3A_1303 = arith.constant 16 : i32
      %add3A_1304 = arith.addi %mul3A_1302, %add3A_1303 : i32
      %jit3A_1305 = arith.constant 5 : i32
      %eq3A_1306 = arith.constant 0 : i32
      %eq3A_1307 = arith.cmpi eq, %jit3A_1305, %eq3A_1306 : i32
      %jit3A_1308 = arith.constant 1 : i32
      %select_n3A_1309 = arith.select %eq3A_1307, %jit3A_1308, %jit3A_1305 : i32
      %rem3A_1310 = arith.remsi %add3A_1264, %select_n3A_1309 : i32
      %ne3A_1311 = arith.constant 0 : i32
      %ne3A_1312 = arith.cmpi ne, %rem3A_1310, %ne3A_1311 : i32
      %lt3A_1313 = arith.constant 0 : i32
      %lt3A_1314 = arith.cmpi slt, %rem3A_1310, %lt3A_1313 : i32
      %lt3A_1315 = arith.constant 0 : i32
      %lt3A_1316 = arith.cmpi slt, %select_n3A_1309, %lt3A_1315 : i32
      %ne3A_1317 = arith.xori %lt3A_1314, %lt3A_1316 : i1
      %and3A_1318 = arith.andi %ne3A_1317, %ne3A_1312 : i1
      %add3A_1319 = arith.addi %rem3A_1310, %select_n3A_1309 : i32
      %select_n3A_1320 = arith.select %and3A_1318, %add3A_1319, %rem3A_1310 : i32
      %mul3A_1321 = arith.constant 40 : i32
      %mul3A_1322 = arith.muli %select_n3A_1320, %mul3A_1321 : i32
      %add3A_1323 = arith.addi %add3A_1304, %mul3A_1322 : i32
      %dma_start3A_1324 = arith.constant 5 : i32
      %dma_start3A_1325 = arith.constant 0 : i32
      %dma_start3A_1326 = arith.constant 0 : i32
      %dma_start3A_1327 = tpu.memref_slice %arg7[%dma_start3A_1324, %dma_start3A_1325, %dma_start3A_1326] : memref<8x40x128xf32, #tpu.memory_space<vmem>> -> memref<1x40x128xf32, #tpu.memory_space<vmem>>
      %dma_start3A_1328 = tpu.memref_squeeze %dma_start3A_1327 : memref<1x40x128xf32, #tpu.memory_space<vmem>> -> memref<40x128xf32, #tpu.memory_space<vmem>>
      %dma_start3A_1329 = arith.constant 0 : i32
      %dma_start3A_1330 = tpu.memref_slice %arg5[%add3A_1323, %dma_start3A_1329] : memref<221184x128xf32, #tpu.memory_space<hbm>> -> memref<40x128xf32, #tpu.memory_space<hbm>>
      %dma_start3A_1331 = arith.constant 0 : i32
      %dma_start3A_1332 = tpu.memref_slice %arg5[%add3A_1323, %dma_start3A_1331] : memref<221184x128xf32, #tpu.memory_space<hbm>> -> memref<40x128xf32, #tpu.memory_space<hbm>>
      %dma_start3A_1333 = arith.constant 0 : i32
      %dma_start3A_1334 = arith.constant 0 : i32
      %dma_start3A_1335 = tpu.memref_slice %arg7[%dma_start3A_1324, %dma_start3A_1333, %dma_start3A_1334] : memref<8x40x128xf32, #tpu.memory_space<vmem>> -> memref<1x40x128xf32, #tpu.memory_space<vmem>>
      %dma_start3A_1336 = tpu.memref_squeeze %dma_start3A_1335 : memref<1x40x128xf32, #tpu.memory_space<vmem>> -> memref<40x128xf32, #tpu.memory_space<vmem>>
      tpu.enqueue_dma source(%dma_start3A_1336 : memref<40x128xf32, #tpu.memory_space<vmem>>) target(%dma_start3A_1332 : memref<40x128xf32, #tpu.memory_space<hbm>>) target_semaphore(%arg22 : memref<!tpu.dma_semaphore, #tpu.memory_space<semaphore_mem>>)
      %add3A_1337 = arith.constant 6 : i32
      %add3A_1338 = arith.addi %add3A_512, %add3A_1337 : i32
      %dma_wait3A_1339 = arith.constant 6 : i32
      %dma_wait3A_1340 = arith.constant 0 : i32
      %dma_wait3A_1341 = arith.constant 0 : i32
      %dma_wait3A_1342 = tpu.memref_slice %arg7[%dma_wait3A_1339, %dma_wait3A_1340, %dma_wait3A_1341] : memref<8x40x128xf32, #tpu.memory_space<vmem>> -> memref<1x40x128xf32, #tpu.memory_space<vmem>>
      %dma_wait3A_1343 = tpu.memref_squeeze %dma_wait3A_1342 : memref<1x40x128xf32, #tpu.memory_space<vmem>> -> memref<40x128xf32, #tpu.memory_space<vmem>>
      %dma_wait3A_1344 = arith.constant 0 : i32
      %dma_wait3A_1345 = tpu.memref_slice %arg6[%add3A_799, %dma_wait3A_1344] : memref<160x40xi32, #tpu.memory_space<vmem>> -> memref<1x40xi32, #tpu.memory_space<vmem>>
      %dma_wait3A_1346 = tpu.memref_squeeze %dma_wait3A_1345 : memref<1x40xi32, #tpu.memory_space<vmem>> -> memref<40xi32, #tpu.memory_space<vmem>>
      %dma_wait3A_1347 = arith.constant 0 : i32
      %dma_wait3A_1348 = arith.constant 0 : i32
      %dma_wait3A_1349 = tpu.memref_slice %arg3[%dma_wait3A_1347, %dma_wait3A_1348] : memref<100000x128xf32, #tpu.memory_space<hbm>> -> memref<100000x128xf32, #tpu.memory_space<hbm>>
      tpu.wait_indirect_dma semaphore(%arg15 : memref<!tpu.dma_semaphore, #tpu.memory_space<semaphore_mem>>) src(%dma_wait3A_1349 : memref<100000x128xf32, #tpu.memory_space<hbm>>) dst(%dma_wait3A_1343 : memref<40x128xf32, #tpu.memory_space<vmem>>)
      %jit3A_1350 = arith.constant 5 : i32
      %div3A_1351 = arith.divsi %add3A_1338, %jit3A_1350 : i32
      %sign3A_1352 = arith.constant 0 : i32
      %sign3A_1353 = arith.cmpi sgt, %add3A_1338, %sign3A_1352 : i32
      %sign3A_1354 = arith.extui %sign3A_1353 : i1 to i32
      %sign3A_1355 = arith.constant 0 : i32
      %sign3A_1356 = arith.cmpi slt, %add3A_1338, %sign3A_1355 : i32
      %sign3A_1357 = arith.extui %sign3A_1356 : i1 to i32
      %sign3A_1358 = arith.subi %sign3A_1354, %sign3A_1357 : i32
      %sign3A_1359 = arith.constant 0 : i32
      %sign3A_1360 = arith.cmpi sgt, %jit3A_1350, %sign3A_1359 : i32
      %sign3A_1361 = arith.extui %sign3A_1360 : i1 to i32
      %sign3A_1362 = arith.constant 0 : i32
      %sign3A_1363 = arith.cmpi slt, %jit3A_1350, %sign3A_1362 : i32
      %sign3A_1364 = arith.extui %sign3A_1363 : i1 to i32
      %sign3A_1365 = arith.subi %sign3A_1361, %sign3A_1364 : i32
      %ne3A_1366 = arith.cmpi ne, %sign3A_1358, %sign3A_1365 : i32
      %rem3A_1367 = arith.remsi %add3A_1338, %jit3A_1350 : i32
      %ne3A_1368 = arith.constant 0 : i32
      %ne3A_1369 = arith.cmpi ne, %rem3A_1367, %ne3A_1368 : i32
      %and3A_1370 = arith.andi %ne3A_1366, %ne3A_1369 : i1
      %sub3A_1371 = arith.constant 1 : i32
      %sub3A_1372 = arith.subi %div3A_1351, %sub3A_1371 : i32
      %select_n3A_1373 = arith.select %and3A_1370, %sub3A_1372, %div3A_1351 : i32
      %add3A_1374 = arith.addi %mul3A_2, %select_n3A_1373 : i32
      %mul3A_1375 = arith.constant 216 : i32
      %mul3A_1376 = arith.muli %add3A_1374, %mul3A_1375 : i32
      %add3A_1377 = arith.constant 16 : i32
      %add3A_1378 = arith.addi %mul3A_1376, %add3A_1377 : i32
      %jit3A_1379 = arith.constant 5 : i32
      %eq3A_1380 = arith.constant 0 : i32
      %eq3A_1381 = arith.cmpi eq, %jit3A_1379, %eq3A_1380 : i32
      %jit3A_1382 = arith.constant 1 : i32
      %select_n3A_1383 = arith.select %eq3A_1381, %jit3A_1382, %jit3A_1379 : i32
      %rem3A_1384 = arith.remsi %add3A_1338, %select_n3A_1383 : i32
      %ne3A_1385 = arith.constant 0 : i32
      %ne3A_1386 = arith.cmpi ne, %rem3A_1384, %ne3A_1385 : i32
      %lt3A_1387 = arith.constant 0 : i32
      %lt3A_1388 = arith.cmpi slt, %rem3A_1384, %lt3A_1387 : i32
      %lt3A_1389 = arith.constant 0 : i32
      %lt3A_1390 = arith.cmpi slt, %select_n3A_1383, %lt3A_1389 : i32
      %ne3A_1391 = arith.xori %lt3A_1388, %lt3A_1390 : i1
      %and3A_1392 = arith.andi %ne3A_1391, %ne3A_1386 : i1
      %add3A_1393 = arith.addi %rem3A_1384, %select_n3A_1383 : i32
      %select_n3A_1394 = arith.select %and3A_1392, %add3A_1393, %rem3A_1384 : i32
      %mul3A_1395 = arith.constant 40 : i32
      %mul3A_1396 = arith.muli %select_n3A_1394, %mul3A_1395 : i32
      %add3A_1397 = arith.addi %add3A_1378, %mul3A_1396 : i32
      %dma_start3A_1398 = arith.constant 6 : i32
      %dma_start3A_1399 = arith.constant 0 : i32
      %dma_start3A_1400 = arith.constant 0 : i32
      %dma_start3A_1401 = tpu.memref_slice %arg7[%dma_start3A_1398, %dma_start3A_1399, %dma_start3A_1400] : memref<8x40x128xf32, #tpu.memory_space<vmem>> -> memref<1x40x128xf32, #tpu.memory_space<vmem>>
      %dma_start3A_1402 = tpu.memref_squeeze %dma_start3A_1401 : memref<1x40x128xf32, #tpu.memory_space<vmem>> -> memref<40x128xf32, #tpu.memory_space<vmem>>
      %dma_start3A_1403 = arith.constant 0 : i32
      %dma_start3A_1404 = tpu.memref_slice %arg5[%add3A_1397, %dma_start3A_1403] : memref<221184x128xf32, #tpu.memory_space<hbm>> -> memref<40x128xf32, #tpu.memory_space<hbm>>
      %dma_start3A_1405 = arith.constant 0 : i32
      %dma_start3A_1406 = tpu.memref_slice %arg5[%add3A_1397, %dma_start3A_1405] : memref<221184x128xf32, #tpu.memory_space<hbm>> -> memref<40x128xf32, #tpu.memory_space<hbm>>
      %dma_start3A_1407 = arith.constant 0 : i32
      %dma_start3A_1408 = arith.constant 0 : i32
      %dma_start3A_1409 = tpu.memref_slice %arg7[%dma_start3A_1398, %dma_start3A_1407, %dma_start3A_1408] : memref<8x40x128xf32, #tpu.memory_space<vmem>> -> memref<1x40x128xf32, #tpu.memory_space<vmem>>
      %dma_start3A_1410 = tpu.memref_squeeze %dma_start3A_1409 : memref<1x40x128xf32, #tpu.memory_space<vmem>> -> memref<40x128xf32, #tpu.memory_space<vmem>>
      tpu.enqueue_dma source(%dma_start3A_1410 : memref<40x128xf32, #tpu.memory_space<vmem>>) target(%dma_start3A_1406 : memref<40x128xf32, #tpu.memory_space<hbm>>) target_semaphore(%arg23 : memref<!tpu.dma_semaphore, #tpu.memory_space<semaphore_mem>>)
      %add3A_1411 = arith.constant 7 : i32
      %add3A_1412 = arith.addi %add3A_512, %add3A_1411 : i32
      %dma_wait3A_1413 = arith.constant 7 : i32
      %dma_wait3A_1414 = arith.constant 0 : i32
      %dma_wait3A_1415 = arith.constant 0 : i32
      %dma_wait3A_1416 = tpu.memref_slice %arg7[%dma_wait3A_1413, %dma_wait3A_1414, %dma_wait3A_1415] : memref<8x40x128xf32, #tpu.memory_space<vmem>> -> memref<1x40x128xf32, #tpu.memory_space<vmem>>
      %dma_wait3A_1417 = tpu.memref_squeeze %dma_wait3A_1416 : memref<1x40x128xf32, #tpu.memory_space<vmem>> -> memref<40x128xf32, #tpu.memory_space<vmem>>
      %dma_wait3A_1418 = arith.constant 0 : i32
      %dma_wait3A_1419 = tpu.memref_slice %arg6[%add3A_848, %dma_wait3A_1418] : memref<160x40xi32, #tpu.memory_space<vmem>> -> memref<1x40xi32, #tpu.memory_space<vmem>>
      %dma_wait3A_1420 = tpu.memref_squeeze %dma_wait3A_1419 : memref<1x40xi32, #tpu.memory_space<vmem>> -> memref<40xi32, #tpu.memory_space<vmem>>
      %dma_wait3A_1421 = arith.constant 0 : i32
      %dma_wait3A_1422 = arith.constant 0 : i32
      %dma_wait3A_1423 = tpu.memref_slice %arg3[%dma_wait3A_1421, %dma_wait3A_1422] : memref<100000x128xf32, #tpu.memory_space<hbm>> -> memref<100000x128xf32, #tpu.memory_space<hbm>>
      tpu.wait_indirect_dma semaphore(%arg16 : memref<!tpu.dma_semaphore, #tpu.memory_space<semaphore_mem>>) src(%dma_wait3A_1423 : memref<100000x128xf32, #tpu.memory_space<hbm>>) dst(%dma_wait3A_1417 : memref<40x128xf32, #tpu.memory_space<vmem>>)
      %jit3A_1424 = arith.constant 5 : i32
      %div3A_1425 = arith.divsi %add3A_1412, %jit3A_1424 : i32
      %sign3A_1426 = arith.constant 0 : i32
      %sign3A_1427 = arith.cmpi sgt, %add3A_1412, %sign3A_1426 : i32
      %sign3A_1428 = arith.extui %sign3A_1427 : i1 to i32
      %sign3A_1429 = arith.constant 0 : i32
      %sign3A_1430 = arith.cmpi slt, %add3A_1412, %sign3A_1429 : i32
      %sign3A_1431 = arith.extui %sign3A_1430 : i1 to i32
      %sign3A_1432 = arith.subi %sign3A_1428, %sign3A_1431 : i32
      %sign3A_1433 = arith.constant 0 : i32
      %sign3A_1434 = arith.cmpi sgt, %jit3A_1424, %sign3A_1433 : i32
      %sign3A_1435 = arith.extui %sign3A_1434 : i1 to i32
      %sign3A_1436 = arith.constant 0 : i32
      %sign3A_1437 = arith.cmpi slt, %jit3A_1424, %sign3A_1436 : i32
      %sign3A_1438 = arith.extui %sign3A_1437 : i1 to i32
      %sign3A_1439 = arith.subi %sign3A_1435, %sign3A_1438 : i32
      %ne3A_1440 = arith.cmpi ne, %sign3A_1432, %sign3A_1439 : i32
      %rem3A_1441 = arith.remsi %add3A_1412, %jit3A_1424 : i32
      %ne3A_1442 = arith.constant 0 : i32
      %ne3A_1443 = arith.cmpi ne, %rem3A_1441, %ne3A_1442 : i32
      %and3A_1444 = arith.andi %ne3A_1440, %ne3A_1443 : i1
      %sub3A_1445 = arith.constant 1 : i32
      %sub3A_1446 = arith.subi %div3A_1425, %sub3A_1445 : i32
      %select_n3A_1447 = arith.select %and3A_1444, %sub3A_1446, %div3A_1425 : i32
      %add3A_1448 = arith.addi %mul3A_2, %select_n3A_1447 : i32
      %mul3A_1449 = arith.constant 216 : i32
      %mul3A_1450 = arith.muli %add3A_1448, %mul3A_1449 : i32
      %add3A_1451 = arith.constant 16 : i32
      %add3A_1452 = arith.addi %mul3A_1450, %add3A_1451 : i32
      %jit3A_1453 = arith.constant 5 : i32
      %eq3A_1454 = arith.constant 0 : i32
      %eq3A_1455 = arith.cmpi eq, %jit3A_1453, %eq3A_1454 : i32
      %jit3A_1456 = arith.constant 1 : i32
      %select_n3A_1457 = arith.select %eq3A_1455, %jit3A_1456, %jit3A_1453 : i32
      %rem3A_1458 = arith.remsi %add3A_1412, %select_n3A_1457 : i32
      %ne3A_1459 = arith.constant 0 : i32
      %ne3A_1460 = arith.cmpi ne, %rem3A_1458, %ne3A_1459 : i32
      %lt3A_1461 = arith.constant 0 : i32
      %lt3A_1462 = arith.cmpi slt, %rem3A_1458, %lt3A_1461 : i32
      %lt3A_1463 = arith.constant 0 : i32
      %lt3A_1464 = arith.cmpi slt, %select_n3A_1457, %lt3A_1463 : i32
      %ne3A_1465 = arith.xori %lt3A_1462, %lt3A_1464 : i1
      %and3A_1466 = arith.andi %ne3A_1465, %ne3A_1460 : i1
      %add3A_1467 = arith.addi %rem3A_1458, %select_n3A_1457 : i32
      %select_n3A_1468 = arith.select %and3A_1466, %add3A_1467, %rem3A_1458 : i32
      %mul3A_1469 = arith.constant 40 : i32
      %mul3A_1470 = arith.muli %select_n3A_1468, %mul3A_1469 : i32
      %add3A_1471 = arith.addi %add3A_1452, %mul3A_1470 : i32
      %dma_start3A_1472 = arith.constant 7 : i32
      %dma_start3A_1473 = arith.constant 0 : i32
      %dma_start3A_1474 = arith.constant 0 : i32
      %dma_start3A_1475 = tpu.memref_slice %arg7[%dma_start3A_1472, %dma_start3A_1473, %dma_start3A_1474] : memref<8x40x128xf32, #tpu.memory_space<vmem>> -> memref<1x40x128xf32, #tpu.memory_space<vmem>>
      %dma_start3A_1476 = tpu.memref_squeeze %dma_start3A_1475 : memref<1x40x128xf32, #tpu.memory_space<vmem>> -> memref<40x128xf32, #tpu.memory_space<vmem>>
      %dma_start3A_1477 = arith.constant 0 : i32
      %dma_start3A_1478 = tpu.memref_slice %arg5[%add3A_1471, %dma_start3A_1477] : memref<221184x128xf32, #tpu.memory_space<hbm>> -> memref<40x128xf32, #tpu.memory_space<hbm>>
      %dma_start3A_1479 = arith.constant 0 : i32
      %dma_start3A_1480 = tpu.memref_slice %arg5[%add3A_1471, %dma_start3A_1479] : memref<221184x128xf32, #tpu.memory_space<hbm>> -> memref<40x128xf32, #tpu.memory_space<hbm>>
      %dma_start3A_1481 = arith.constant 0 : i32
      %dma_start3A_1482 = arith.constant 0 : i32
      %dma_start3A_1483 = tpu.memref_slice %arg7[%dma_start3A_1472, %dma_start3A_1481, %dma_start3A_1482] : memref<8x40x128xf32, #tpu.memory_space<vmem>> -> memref<1x40x128xf32, #tpu.memory_space<vmem>>
      %dma_start3A_1484 = tpu.memref_squeeze %dma_start3A_1483 : memref<1x40x128xf32, #tpu.memory_space<vmem>> -> memref<40x128xf32, #tpu.memory_space<vmem>>
      tpu.enqueue_dma source(%dma_start3A_1484 : memref<40x128xf32, #tpu.memory_space<vmem>>) target(%dma_start3A_1480 : memref<40x128xf32, #tpu.memory_space<hbm>>) target_semaphore(%arg24 : memref<!tpu.dma_semaphore, #tpu.memory_space<semaphore_mem>>)
    }
    %scan3A_382 = arith.constant 19 : i32
    %dma_wait3A_383 = arith.constant 0 : i32
    %dma_wait3A_384 = arith.constant 0 : i32
    %dma_wait3A_385 = arith.constant 0 : i32
    %dma_wait3A_386 = tpu.memref_slice %arg7[%dma_wait3A_383, %dma_wait3A_384, %dma_wait3A_385] : memref<8x40x128xf32, #tpu.memory_space<vmem>> -> memref<1x40x128xf32, #tpu.memory_space<vmem>>
    %dma_wait3A_387 = tpu.memref_squeeze %dma_wait3A_386 : memref<1x40x128xf32, #tpu.memory_space<vmem>> -> memref<40x128xf32, #tpu.memory_space<vmem>>
    %dma_wait3A_388 = arith.constant 0 : i32
    %dma_wait3A_389 = arith.constant 0 : i32
    %dma_wait3A_390 = tpu.memref_slice %arg5[%dma_wait3A_388, %dma_wait3A_389] : memref<221184x128xf32, #tpu.memory_space<hbm>> -> memref<40x128xf32, #tpu.memory_space<hbm>>
    %dma_wait3A_391 = arith.constant 0 : i32
    %dma_wait3A_392 = arith.constant 0 : i32
    %dma_wait3A_393 = tpu.memref_slice %arg5[%dma_wait3A_391, %dma_wait3A_392] : memref<221184x128xf32, #tpu.memory_space<hbm>> -> memref<40x128xf32, #tpu.memory_space<hbm>>
    %dma_wait3A_394 = arith.constant 0 : i32
    %dma_wait3A_395 = arith.constant 0 : i32
    %dma_wait3A_396 = tpu.memref_slice %arg7[%dma_wait3A_383, %dma_wait3A_394, %dma_wait3A_395] : memref<8x40x128xf32, #tpu.memory_space<vmem>> -> memref<1x40x128xf32, #tpu.memory_space<vmem>>
    %dma_wait3A_397 = tpu.memref_squeeze %dma_wait3A_396 : memref<1x40x128xf32, #tpu.memory_space<vmem>> -> memref<40x128xf32, #tpu.memory_space<vmem>>
    tpu.wait_dma2 semaphore(%arg17 : memref<!tpu.dma_semaphore, #tpu.memory_space<semaphore_mem>>) src(%dma_wait3A_397 : memref<40x128xf32, #tpu.memory_space<vmem>>) dst(%dma_wait3A_393 : memref<40x128xf32, #tpu.memory_space<hbm>>)
    %dma_wait3A_398 = arith.constant 1 : i32
    %dma_wait3A_399 = arith.constant 0 : i32
    %dma_wait3A_400 = arith.constant 0 : i32
    %dma_wait3A_401 = tpu.memref_slice %arg7[%dma_wait3A_398, %dma_wait3A_399, %dma_wait3A_400] : memref<8x40x128xf32, #tpu.memory_space<vmem>> -> memref<1x40x128xf32, #tpu.memory_space<vmem>>
    %dma_wait3A_402 = tpu.memref_squeeze %dma_wait3A_401 : memref<1x40x128xf32, #tpu.memory_space<vmem>> -> memref<40x128xf32, #tpu.memory_space<vmem>>
    %dma_wait3A_403 = arith.constant 0 : i32
    %dma_wait3A_404 = arith.constant 0 : i32
    %dma_wait3A_405 = tpu.memref_slice %arg5[%dma_wait3A_403, %dma_wait3A_404] : memref<221184x128xf32, #tpu.memory_space<hbm>> -> memref<40x128xf32, #tpu.memory_space<hbm>>
    %dma_wait3A_406 = arith.constant 0 : i32
    %dma_wait3A_407 = arith.constant 0 : i32
    %dma_wait3A_408 = tpu.memref_slice %arg5[%dma_wait3A_406, %dma_wait3A_407] : memref<221184x128xf32, #tpu.memory_space<hbm>> -> memref<40x128xf32, #tpu.memory_space<hbm>>
    %dma_wait3A_409 = arith.constant 0 : i32
    %dma_wait3A_410 = arith.constant 0 : i32
    %dma_wait3A_411 = tpu.memref_slice %arg7[%dma_wait3A_398, %dma_wait3A_409, %dma_wait3A_410] : memref<8x40x128xf32, #tpu.memory_space<vmem>> -> memref<1x40x128xf32, #tpu.memory_space<vmem>>
    %dma_wait3A_412 = tpu.memref_squeeze %dma_wait3A_411 : memref<1x40x128xf32, #tpu.memory_space<vmem>> -> memref<40x128xf32, #tpu.memory_space<vmem>>
    tpu.wait_dma2 semaphore(%arg18 : memref<!tpu.dma_semaphore, #tpu.memory_space<semaphore_mem>>) src(%dma_wait3A_412 : memref<40x128xf32, #tpu.memory_space<vmem>>) dst(%dma_wait3A_408 : memref<40x128xf32, #tpu.memory_space<hbm>>)
    %dma_wait3A_413 = arith.constant 2 : i32
    %dma_wait3A_414 = arith.constant 0 : i32
    %dma_wait3A_415 = arith.constant 0 : i32
    %dma_wait3A_416 = tpu.memref_slice %arg7[%dma_wait3A_413, %dma_wait3A_414, %dma_wait3A_415] : memref<8x40x128xf32, #tpu.memory_space<vmem>> -> memref<1x40x128xf32, #tpu.memory_space<vmem>>
    %dma_wait3A_417 = tpu.memref_squeeze %dma_wait3A_416 : memref<1x40x128xf32, #tpu.memory_space<vmem>> -> memref<40x128xf32, #tpu.memory_space<vmem>>
    %dma_wait3A_418 = arith.constant 0 : i32
    %dma_wait3A_419 = arith.constant 0 : i32
    %dma_wait3A_420 = tpu.memref_slice %arg5[%dma_wait3A_418, %dma_wait3A_419] : memref<221184x128xf32, #tpu.memory_space<hbm>> -> memref<40x128xf32, #tpu.memory_space<hbm>>
    %dma_wait3A_421 = arith.constant 0 : i32
    %dma_wait3A_422 = arith.constant 0 : i32
    %dma_wait3A_423 = tpu.memref_slice %arg5[%dma_wait3A_421, %dma_wait3A_422] : memref<221184x128xf32, #tpu.memory_space<hbm>> -> memref<40x128xf32, #tpu.memory_space<hbm>>
    %dma_wait3A_424 = arith.constant 0 : i32
    %dma_wait3A_425 = arith.constant 0 : i32
    %dma_wait3A_426 = tpu.memref_slice %arg7[%dma_wait3A_413, %dma_wait3A_424, %dma_wait3A_425] : memref<8x40x128xf32, #tpu.memory_space<vmem>> -> memref<1x40x128xf32, #tpu.memory_space<vmem>>
    %dma_wait3A_427 = tpu.memref_squeeze %dma_wait3A_426 : memref<1x40x128xf32, #tpu.memory_space<vmem>> -> memref<40x128xf32, #tpu.memory_space<vmem>>
    tpu.wait_dma2 semaphore(%arg19 : memref<!tpu.dma_semaphore, #tpu.memory_space<semaphore_mem>>) src(%dma_wait3A_427 : memref<40x128xf32, #tpu.memory_space<vmem>>) dst(%dma_wait3A_423 : memref<40x128xf32, #tpu.memory_space<hbm>>)
    %dma_wait3A_428 = arith.constant 3 : i32
    %dma_wait3A_429 = arith.constant 0 : i32
    %dma_wait3A_430 = arith.constant 0 : i32
    %dma_wait3A_431 = tpu.memref_slice %arg7[%dma_wait3A_428, %dma_wait3A_429, %dma_wait3A_430] : memref<8x40x128xf32, #tpu.memory_space<vmem>> -> memref<1x40x128xf32, #tpu.memory_space<vmem>>
    %dma_wait3A_432 = tpu.memref_squeeze %dma_wait3A_431 : memref<1x40x128xf32, #tpu.memory_space<vmem>> -> memref<40x128xf32, #tpu.memory_space<vmem>>
    %dma_wait3A_433 = arith.constant 0 : i32
    %dma_wait3A_434 = arith.constant 0 : i32
    %dma_wait3A_435 = tpu.memref_slice %arg5[%dma_wait3A_433, %dma_wait3A_434] : memref<221184x128xf32, #tpu.memory_space<hbm>> -> memref<40x128xf32, #tpu.memory_space<hbm>>
    %dma_wait3A_436 = arith.constant 0 : i32
    %dma_wait3A_437 = arith.constant 0 : i32
    %dma_wait3A_438 = tpu.memref_slice %arg5[%dma_wait3A_436, %dma_wait3A_437] : memref<221184x128xf32, #tpu.memory_space<hbm>> -> memref<40x128xf32, #tpu.memory_space<hbm>>
    %dma_wait3A_439 = arith.constant 0 : i32
    %dma_wait3A_440 = arith.constant 0 : i32
    %dma_wait3A_441 = tpu.memref_slice %arg7[%dma_wait3A_428, %dma_wait3A_439, %dma_wait3A_440] : memref<8x40x128xf32, #tpu.memory_space<vmem>> -> memref<1x40x128xf32, #tpu.memory_space<vmem>>
    %dma_wait3A_442 = tpu.memref_squeeze %dma_wait3A_441 : memref<1x40x128xf32, #tpu.memory_space<vmem>> -> memref<40x128xf32, #tpu.memory_space<vmem>>
    tpu.wait_dma2 semaphore(%arg20 : memref<!tpu.dma_semaphore, #tpu.memory_space<semaphore_mem>>) src(%dma_wait3A_442 : memref<40x128xf32, #tpu.memory_space<vmem>>) dst(%dma_wait3A_438 : memref<40x128xf32, #tpu.memory_space<hbm>>)
    %dma_wait3A_443 = arith.constant 4 : i32
    %dma_wait3A_444 = arith.constant 0 : i32
    %dma_wait3A_445 = arith.constant 0 : i32
    %dma_wait3A_446 = tpu.memref_slice %arg7[%dma_wait3A_443, %dma_wait3A_444, %dma_wait3A_445] : memref<8x40x128xf32, #tpu.memory_space<vmem>> -> memref<1x40x128xf32, #tpu.memory_space<vmem>>
    %dma_wait3A_447 = tpu.memref_squeeze %dma_wait3A_446 : memref<1x40x128xf32, #tpu.memory_space<vmem>> -> memref<40x128xf32, #tpu.memory_space<vmem>>
    %dma_wait3A_448 = arith.constant 0 : i32
    %dma_wait3A_449 = arith.constant 0 : i32
    %dma_wait3A_450 = tpu.memref_slice %arg5[%dma_wait3A_448, %dma_wait3A_449] : memref<221184x128xf32, #tpu.memory_space<hbm>> -> memref<40x128xf32, #tpu.memory_space<hbm>>
    %dma_wait3A_451 = arith.constant 0 : i32
    %dma_wait3A_452 = arith.constant 0 : i32
    %dma_wait3A_453 = tpu.memref_slice %arg5[%dma_wait3A_451, %dma_wait3A_452] : memref<221184x128xf32, #tpu.memory_space<hbm>> -> memref<40x128xf32, #tpu.memory_space<hbm>>
    %dma_wait3A_454 = arith.constant 0 : i32
    %dma_wait3A_455 = arith.constant 0 : i32
    %dma_wait3A_456 = tpu.memref_slice %arg7[%dma_wait3A_443, %dma_wait3A_454, %dma_wait3A_455] : memref<8x40x128xf32, #tpu.memory_space<vmem>> -> memref<1x40x128xf32, #tpu.memory_space<vmem>>
    %dma_wait3A_457 = tpu.memref_squeeze %dma_wait3A_456 : memref<1x40x128xf32, #tpu.memory_space<vmem>> -> memref<40x128xf32, #tpu.memory_space<vmem>>
    tpu.wait_dma2 semaphore(%arg21 : memref<!tpu.dma_semaphore, #tpu.memory_space<semaphore_mem>>) src(%dma_wait3A_457 : memref<40x128xf32, #tpu.memory_space<vmem>>) dst(%dma_wait3A_453 : memref<40x128xf32, #tpu.memory_space<hbm>>)
    %dma_wait3A_458 = arith.constant 5 : i32
    %dma_wait3A_459 = arith.constant 0 : i32
    %dma_wait3A_460 = arith.constant 0 : i32
    %dma_wait3A_461 = tpu.memref_slice %arg7[%dma_wait3A_458, %dma_wait3A_459, %dma_wait3A_460] : memref<8x40x128xf32, #tpu.memory_space<vmem>> -> memref<1x40x128xf32, #tpu.memory_space<vmem>>
    %dma_wait3A_462 = tpu.memref_squeeze %dma_wait3A_461 : memref<1x40x128xf32, #tpu.memory_space<vmem>> -> memref<40x128xf32, #tpu.memory_space<vmem>>
    %dma_wait3A_463 = arith.constant 0 : i32
    %dma_wait3A_464 = arith.constant 0 : i32
    %dma_wait3A_465 = tpu.memref_slice %arg5[%dma_wait3A_463, %dma_wait3A_464] : memref<221184x128xf32, #tpu.memory_space<hbm>> -> memref<40x128xf32, #tpu.memory_space<hbm>>
    %dma_wait3A_466 = arith.constant 0 : i32
    %dma_wait3A_467 = arith.constant 0 : i32
    %dma_wait3A_468 = tpu.memref_slice %arg5[%dma_wait3A_466, %dma_wait3A_467] : memref<221184x128xf32, #tpu.memory_space<hbm>> -> memref<40x128xf32, #tpu.memory_space<hbm>>
    %dma_wait3A_469 = arith.constant 0 : i32
    %dma_wait3A_470 = arith.constant 0 : i32
    %dma_wait3A_471 = tpu.memref_slice %arg7[%dma_wait3A_458, %dma_wait3A_469, %dma_wait3A_470] : memref<8x40x128xf32, #tpu.memory_space<vmem>> -> memref<1x40x128xf32, #tpu.memory_space<vmem>>
    %dma_wait3A_472 = tpu.memref_squeeze %dma_wait3A_471 : memref<1x40x128xf32, #tpu.memory_space<vmem>> -> memref<40x128xf32, #tpu.memory_space<vmem>>
    tpu.wait_dma2 semaphore(%arg22 : memref<!tpu.dma_semaphore, #tpu.memory_space<semaphore_mem>>) src(%dma_wait3A_472 : memref<40x128xf32, #tpu.memory_space<vmem>>) dst(%dma_wait3A_468 : memref<40x128xf32, #tpu.memory_space<hbm>>)
    %dma_wait3A_473 = arith.constant 6 : i32
    %dma_wait3A_474 = arith.constant 0 : i32
    %dma_wait3A_475 = arith.constant 0 : i32
    %dma_wait3A_476 = tpu.memref_slice %arg7[%dma_wait3A_473, %dma_wait3A_474, %dma_wait3A_475] : memref<8x40x128xf32, #tpu.memory_space<vmem>> -> memref<1x40x128xf32, #tpu.memory_space<vmem>>
    %dma_wait3A_477 = tpu.memref_squeeze %dma_wait3A_476 : memref<1x40x128xf32, #tpu.memory_space<vmem>> -> memref<40x128xf32, #tpu.memory_space<vmem>>
    %dma_wait3A_478 = arith.constant 0 : i32
    %dma_wait3A_479 = arith.constant 0 : i32
    %dma_wait3A_480 = tpu.memref_slice %arg5[%dma_wait3A_478, %dma_wait3A_479] : memref<221184x128xf32, #tpu.memory_space<hbm>> -> memref<40x128xf32, #tpu.memory_space<hbm>>
    %dma_wait3A_481 = arith.constant 0 : i32
    %dma_wait3A_482 = arith.constant 0 : i32
    %dma_wait3A_483 = tpu.memref_slice %arg5[%dma_wait3A_481, %dma_wait3A_482] : memref<221184x128xf32, #tpu.memory_space<hbm>> -> memref<40x128xf32, #tpu.memory_space<hbm>>
    %dma_wait3A_484 = arith.constant 0 : i32
    %dma_wait3A_485 = arith.constant 0 : i32
    %dma_wait3A_486 = tpu.memref_slice %arg7[%dma_wait3A_473, %dma_wait3A_484, %dma_wait3A_485] : memref<8x40x128xf32, #tpu.memory_space<vmem>> -> memref<1x40x128xf32, #tpu.memory_space<vmem>>
    %dma_wait3A_487 = tpu.memref_squeeze %dma_wait3A_486 : memref<1x40x128xf32, #tpu.memory_space<vmem>> -> memref<40x128xf32, #tpu.memory_space<vmem>>
    tpu.wait_dma2 semaphore(%arg23 : memref<!tpu.dma_semaphore, #tpu.memory_space<semaphore_mem>>) src(%dma_wait3A_487 : memref<40x128xf32, #tpu.memory_space<vmem>>) dst(%dma_wait3A_483 : memref<40x128xf32, #tpu.memory_space<hbm>>)
    %dma_wait3A_488 = arith.constant 7 : i32
    %dma_wait3A_489 = arith.constant 0 : i32
    %dma_wait3A_490 = arith.constant 0 : i32
    %dma_wait3A_491 = tpu.memref_slice %arg7[%dma_wait3A_488, %dma_wait3A_489, %dma_wait3A_490] : memref<8x40x128xf32, #tpu.memory_space<vmem>> -> memref<1x40x128xf32, #tpu.memory_space<vmem>>
    %dma_wait3A_492 = tpu.memref_squeeze %dma_wait3A_491 : memref<1x40x128xf32, #tpu.memory_space<vmem>> -> memref<40x128xf32, #tpu.memory_space<vmem>>
    %dma_wait3A_493 = arith.constant 0 : i32
    %dma_wait3A_494 = arith.constant 0 : i32
    %dma_wait3A_495 = tpu.memref_slice %arg5[%dma_wait3A_493, %dma_wait3A_494] : memref<221184x128xf32, #tpu.memory_space<hbm>> -> memref<40x128xf32, #tpu.memory_space<hbm>>
    %dma_wait3A_496 = arith.constant 0 : i32
    %dma_wait3A_497 = arith.constant 0 : i32
    %dma_wait3A_498 = tpu.memref_slice %arg5[%dma_wait3A_496, %dma_wait3A_497] : memref<221184x128xf32, #tpu.memory_space<hbm>> -> memref<40x128xf32, #tpu.memory_space<hbm>>
    %dma_wait3A_499 = arith.constant 0 : i32
    %dma_wait3A_500 = arith.constant 0 : i32
    %dma_wait3A_501 = tpu.memref_slice %arg7[%dma_wait3A_488, %dma_wait3A_499, %dma_wait3A_500] : memref<8x40x128xf32, #tpu.memory_space<vmem>> -> memref<1x40x128xf32, #tpu.memory_space<vmem>>
    %dma_wait3A_502 = tpu.memref_squeeze %dma_wait3A_501 : memref<1x40x128xf32, #tpu.memory_space<vmem>> -> memref<40x128xf32, #tpu.memory_space<vmem>>
    tpu.wait_dma2 semaphore(%arg24 : memref<!tpu.dma_semaphore, #tpu.memory_space<semaphore_mem>>) src(%dma_wait3A_502 : memref<40x128xf32, #tpu.memory_space<vmem>>) dst(%dma_wait3A_498 : memref<40x128xf32, #tpu.memory_space<hbm>>)
    %scan3A_503 = arith.constant 0 : i32
    %scan3A_504 = arith.constant 32 : i32
    %scan3A_505 = arith.addi %scan3A_503, %scan3A_504 : i32
    %scan3A_506 = arith.constant 1 : i32
    scf.for %scan3A_508 = %scan3A_503 to %scan3A_505 step %scan3A_506  : i32 {
      %mul3A_509 = arith.constant 1 : i32
      %mul3A_510 = arith.muli %scan3A_508, %mul3A_509 : i32
      %add3A_511 = arith.constant 0 : i32
      %add3A_512 = arith.addi %add3A_511, %mul3A_510 : i32
      %dma_wait3A_513 = arith.constant 0 : i32
      %dma_wait3A_514 = arith.constant 0 : i32
      %dma_wait3A_515 = tpu.memref_slice %arg5[%dma_wait3A_513, %dma_wait3A_514] : memref<221184x128xf32, #tpu.memory_space<hbm>> -> memref<16x128xf32, #tpu.memory_space<hbm>>
      %dma_wait3A_516 = arith.constant 0 : i32
      %dma_wait3A_517 = arith.constant 0 : i32
      %dma_wait3A_518 = tpu.memref_slice %arg5[%dma_wait3A_516, %dma_wait3A_517] : memref<221184x128xf32, #tpu.memory_space<hbm>> -> memref<16x128xf32, #tpu.memory_space<hbm>>
      tpu.wait_dma2 semaphore(%arg25 : memref<!tpu.dma_semaphore, #tpu.memory_space<semaphore_mem>>) src(%arg8 : memref<16x128xf32, #tpu.memory_space<vmem>>) dst(%dma_wait3A_518 : memref<16x128xf32, #tpu.memory_space<hbm>>)
    }
    %scan3A_507 = arith.constant 32 : i32
    return
  }
}

</mosaic_0001>

<sc_bundles>
// kernel: _soft_embedding.3.cloned.1.call-start
scs
__scs_entry_jumppad:
0x0: {  	(pc) =	sbr.rel $0x88, $3  }
0x1: {  	(tag) =	ssettag $0x0;
	lr =	simm.s32 $0x1  }
0x2: {  	[smem:$0x3F9E] =	sst lr;
	_ =	strace $0xD0000000  }
0x3: {  	_ = 	snop  }
0x4: {  	_ = 	snop  }
0x5: {  	_ = 	snop  }
0x6: {  	_ = 	snop  }
0x7: {  	_ = 	snop  }
__scs_overlays_trampoline_lowered:
0x8: {  	[smem:$0x3FAD] =	sst s0  }
0x9: {  	[smem:$0x3FAE] =	sst s1  }
0xa: {  	[smem:$0x3FAF] =	sst s2  }
0xb: {  	[smem:$0x3FB0] =	sst s3  }
0xc: {  	[smem:$0x3FB1] =	sst s4  }
0xd: {  	[smem:$0x3FB2] =	sst s5  }
0xe: {  	[smem:$0x3FB3] =	sst s6  }
0xf: {  	[smem:$0x3FB4] =	sst s7  }
0x10: {  	[smem:$0x3FB5] =	sst s8  }
0x11: {  	[smem:$0x3FB6] =	sst s9;
	s0 =	simm.s32 @!p0 $0x0  }
0x12: {  	s1 =	sld [smem:$0x3F9C];
	s0 =	simm.s32 @p0 $0x1  }
0x13: {  	[smem:$0x3FB7] =	sst s0;
	s0 =	simm.s32 @!p1 $0x0  }
0x14: {  	s2 =	sld [smem:$0x3F9B];
	s0 =	simm.s32 @p1 $0x1  }
0x15: {  	[smem:$0x3FB8] =	sst s0;
	s0 =	simm.s32 @!p2 $0x0  }
0x16: {  	s3 =	sld [smem:$0x3FDB];
	s0 =	simm.s32 @p2 $0x1  }
0x17: {  	s4 =	simm.s32 $0x1BF5;
	[smem:$0x3FBA] =	sst s0  }
0x18: {  	s0 =	sld [smem:$0x3F9D];
	_ =	swait.ge [sflag:s4], $0x0  }
0x19: {  	s7 =	sld [smem:$0x3F9E]  }
0x1a: {  	s8 =	sadd.s32 $0xFFFFE003, lr  }
0x1b: {  	s9 =	sadd.s32 $0xFFFFFEF7, lr;
	s5 =	simm.s32 $0xFFFFFFFF;
	p2 =	slt.u32 s8, $0xFFFFF086  }
0x1c: {  	p1 =	slt.u32 s9, $0xF7A;
	s5 =	simm.s32 @!p2 $0x0  }
0x1d: {  	s5 =	simm.s32 @p1 $0x1;
	p0 =	seq.s32 s7, s2  }
0x1e: {  	s7 =	smul.u32 @!p0 $0xF7A, s2;
	p2 =	seq.s32 @!p0 s5, $0x0  }
0x1f: {  	s9 =	smul.u32 $0xF7A, s1;
	s8 =	simm.s32 @!p0 $0x1BF5;
	p2 =	por !p2, p0  }
0x20: {  	[sflag:s8] =	ssyncset.s32 @!p0 $0xFFFFF086;
	s6 =	sadd.s32 @!p0 s3, s7;
	s7 =	simm.s32 @!p0 $0x108  }
0x21: {  	s3 =	sadd.s32 s3, s9;
	s6 =	sadd.s32 @!p0 $0x88, s6;
	s7 =	simm.s32 @p2 $0x1082  }
0x22: {  	[simem:s7], [sflag:s8] =	dma.local @!p0 [hbm:s6], $0xF7A  }
0x23: {  	s9 =	sor.u32 $0xD0000000, s2;
	s6 =	simm.s32 $0x108;
	_ =	swait.ge @!p0 [sflag:s8], $0x0  }
0x24: {  	s3 =	sadd.s32 $0x88, s3;
	s6 =	simm.s32 @!p1 $0x1082;
	[sflag:s4] =	ssyncset.s32 $0xFFFFF086  }
0x25: {  	[simem:s6], [sflag:s4] =	dma.local [hbm:s3], $0xF7A  }
0x26: {  	[smem:$0x3F9E] =	sst s1;
	(tag) =	ssettag s2;
	_ =	strace s9  }
0x27: {  	s1 =	sld [smem:$0x3FAE]  }
0x28: {  	s2 =	sld [smem:$0x3FAF]  }
0x29: {  	s4 =	sld [smem:$0x3FB1]  }
0x2a: {  	p0 =	seq.s32 s5, $0x0;
	s5 =	sld [smem:$0x3FB2]  }
0x2b: {  	s6 =	sld [smem:$0x3FB3]  }
0x2c: {  	s7 =	sld [smem:$0x3FB4]  }
0x2d: {  	s3 =	simm.s32 $0x108;
	s8 =	sld [smem:$0x3FB5]  }
0x2e: {  	s3 =	simm.s32 @!p0 $0x1082;
	s9 =	sld [smem:$0x3FB6]  }
0x2f: {  	lr =	sadd.s32 s0, s3;
	s0 =	sld [smem:$0x3FAD]  }
0x30: {  	s3 =	sld [smem:$0x3FB0]  }
0x31: {  	[smem:$0x3FB9] =	sst s10  }
0x32: {  	s10 =	sld [smem:$0x3FB7];
	_ =	sdelay $0x3  }
0x33: {  	p0 =	seq.s32 s10, $0x1;
	s10 =	sld [smem:$0x3FB9];
	_ =	sdelay $0x3  }
0x34: {  	[smem:$0x3FB9] =	sst s10  }
0x35: {  	s10 =	sld [smem:$0x3FB8];
	_ =	sdelay $0x3  }
0x36: {  	p1 =	seq.s32 s10, $0x1;
	s10 =	sld [smem:$0x3FB9];
	_ =	sdelay $0x3  }
0x37: {  	[smem:$0x3FB9] =	sst s10  }
0x38: {  	s10 =	sld [smem:$0x3FBA]  }
0x39: {  	_ = 	snop;
	(pc) =	sbr.ind lr, $3  }
0x3a: {  	_ = 	snop  }
0x3b: {  	_ = 	snop  }
0x3c: {  	p2 =	seq.s32 s10, $0x1;
	s10 =	sld [smem:$0x3FB9]  }
0x3d: {  	_ =	shalt  }
0x3e: {  	_ =	shalt  }
0x3f: {  	_ =	shalt  }
0x40: {  	_ =	shalt  }
0x41: {  	_ =	shalt  }
0x42: {  	_ =	shalt  }
0x43: {  	_ =	shalt  }
0x44: {  	_ =	shalt  }
0x45: {  	_ =	shalt  }
0x46: {  	_ =	shalt  }
0x47: {  	_ =	shalt  }
0x48: {  	_ =	shalt  }
0x49: {  	_ =	shalt  }
0x4a: {  	_ =	shalt  }
0x4b: {  	_ =	shalt  }
0x4c: {  	_ =	shalt  }
0x4d: {  	_ =	shalt  }
0x4e: {  	_ =	shalt  }
0x4f: {  	_ =	shalt  }
0x50: {  	_ =	shalt  }
0x51: {  	_ =	shalt  }
0x52: {  	_ =	shalt  }
0x53: {  	_ =	shalt  }
0x54: {  	_ =	shalt  }
0x55: {  	_ =	shalt  }
0x56: {  	_ =	shalt  }
0x57: {  	_ =	shalt  }
0x58: {  	_ =	shalt  }
0x59: {  	_ =	shalt  }
0x5a: {  	_ =	shalt  }
0x5b: {  	_ =	shalt  }
0x5c: {  	_ =	shalt  }
0x5d: {  	_ =	shalt  }
0x5e: {  	_ =	shalt  }
0x5f: {  	_ =	shalt  }
0x60: {  	_ =	shalt  }
0x61: {  	_ =	shalt  }
0x62: {  	_ =	shalt  }
0x63: {  	_ =	shalt  }
0x64: {  	_ =	shalt  }
0x65: {  	_ =	shalt  }
0x66: {  	_ =	shalt  }
0x67: {  	_ =	shalt  }
0x68: {  	_ =	shalt  }
0x69: {  	_ =	shalt  }
0x6a: {  	_ =	shalt  }
0x6b: {  	_ =	shalt  }
0x6c: {  	_ =	shalt  }
0x6d: {  	_ =	shalt  }
0x6e: {  	_ =	shalt  }
0x6f: {  	_ =	shalt  }
0x70: {  	_ =	shalt  }
0x71: {  	_ =	shalt  }
0x72: {  	_ =	shalt  }
0x73: {  	_ =	shalt  }
0x74: {  	_ =	shalt  }
0x75: {  	_ =	shalt  }
0x76: {  	_ =	shalt  }
0x77: {  	_ =	shalt  }
0x78: {  	_ =	shalt  }
0x79: {  	_ =	shalt  }
0x7a: {  	_ =	shalt  }
0x7b: {  	_ =	shalt  }
0x7c: {  	_ =	shalt  }
0x7d: {  	_ =	shalt  }
0x7e: {  	_ =	shalt  }
0x7f: {  	_ =	shalt  }
0x80: {  	_ =	shalt  }
0x81: {  	_ =	shalt  }
0x82: {  	_ =	shalt  }
0x83: {  	_ =	shalt  }
0x84: {  	_ =	shalt  }
0x85: {  	_ =	shalt  }
0x86: {  	_ =	shalt  }
0x87: {  	_ =	shalt  }
.Lfunc_end0:
.L_simem_size_0:
called_computation_lowered:
.L_overlay_start_0:
0x88: {  	s2 =	sld [smem:$0x3FD9]  }
0x89: {  	s3 =	sld [smem:$0x3FFE];
	_ =	sdelay $0x1  }
0x8a: {  	s1 =	srdreg.scid  }
0x8b: {  	s0 =	sand.u32 $0x1, s1  }
0x8c: {  	s17 =	sshll.u32 s0, $0xA;
	s2 =	sadd.s32 s3, s2  }
0x8d: {  	s2 =	sadd.s32 s2, s17  }
0x8e: {  	[smem:$0x3FC5] =	sst s2  }
0x8f: {  	_ = 	snop  }
0x90: {  	s2 =	sld [smem:$0x3FC8]  }
0x91: {  	s18 =	sld [smem:$0x3FC7]  }
0x92: {  	s4 =	sld [smem:$0x3FD0];
	(tm) =	ssettm $0x1  }
0x93: {  	s5 =	sld [smem:$0x3FFB];
	_ =	sdelay $0x3  }
0x94: {  	_ =	strace s5  }
0x95: {  	s5 =	sld [smem:$0x3FFC];
	_ =	sdelay $0x3  }
0x96: {  	_ =	strace s5  }
0x97: {  	s5 =	sld [smem:$0x3FFD];
	_ =	sdelay $0x3  }
0x98: {  	_ =	strace s5  }
0x99: {  	_ =	strace $0x8FFFFFFF  }
0x9a: {  	s19 =	sld [smem:$0x3FDB];
	_ =	sdelay $0x1  }
0x9b: {  	s6 =	simm.s32 $_scs_section_size  }
0x9c: {  	s7 =	simm.s32 $_size__tile_overlayer_lowered;
	s8 =	simm.s32 $_tile_overlayer_lowered  }
0x9d: {  	s22 =	simm.s32 $0x1BFF;
	s21 =	sshll.u32 s8, $0x1;
	s5 =	sadd.s32 s6, s19  }
0x9e: {  	s9 =	simm.s32 $0x0;
	s20 =	sshll.u32 s7, $0x1;
	s7 =	sadd.s32 s21, s5  }
0x9f: {  	[timem:s9], [sflag:s22] =	dma.local [hbm:s7], s20  }
0xa0: {  	_ =	swait.ge [sflag:s22], s20  }
0xa1: {  	s6 =	ssub.s32 $0x0, s20;
	[sflag:s22] =	ssyncset.done $0x0  }
0xa2: {  	[sflag:s22] =	ssyncadd.s32 s6;
	_ =	sdelay $0x1  }
0xa3: {  	s23 =	simm.s32 $0x1B8B  }
0xa4: {  	_ =	swait.ge [sflag:s23], $0x1  }
0xa5: {  	[sflag:s23] =	ssyncset.done $0x0  }
0xa6: {  	s25 =	simm.s32 $0x1B8E;
	s24 =	sld [smem:$0x3FFE];
	[sflag:s23] =	ssyncadd.s32 $0xFFFFFFFF  }
0xa7: {  	s26 =	simm.s32 $execute0_lowered;
	[smem:$0x3FD2] =	sst s25  }
0xa8: {  	s7 =	sshll.u32 s26, $0x1;
	_ =	strace $0x80000046;
	[dreg:$0x1] =	wrdreg $0xFFFFFFFF  }
0xa9: {  	s28 =	simm.s32 $_size_execute0_lowered;
	s5 =	sadd.s32 s5, s7;
	[dreg:$0x0] =	wrdreg $0x0  }
0xaa: {  	s7 =	sshll.u32 s28, $0x1;
	[dreg:$0x2] =	wrdreg s5  }
0xab: {  	[dreg:$0x3] =	wrdreg s7  }
0xac: {  	[dreg:$0x4] =	wrdreg $0xC0  }
0xad: {  	_ =	task [dreg:s9], $0x5FFFF  }
0xae: {  	[dreg:$0x1] =	wrdreg $0xFFFFFFFF  }
0xaf: {  	[dreg:$0x0] =	wrdreg $0x60  }
0xb0: {  	[dreg:$0x2] =	wrdreg s24  }
0xb1: {  	[dreg:$0x3] =	wrdreg s2  }
0xb2: {  	[dreg:$0x4] =	wrdreg s18  }
0xb3: {  	[dreg:$0x5] =	wrdreg s4  }
0xb4: {  	[dreg:$0x6] =	wrdreg $0x9  }
0xb5: {  	_ =	task.clear_ibuf [dreg:s9], $0x7FFFF;
	_ =	strace $0x90000046  }
0xb6: {  	s29 =	simm.s32 $0x9;
	_ =	strace $0x80000048  }
0xb7: {  	_ =	swait.ge [sflag:s29], $0x1  }
0xb8: {  	[sflag:s29] =	ssyncadd.s32 $0xFFFFFFFF  }
0xb9: {  	_ =	strace $0x90000048  }
0xba: {  	_ =	sfence  }
0xbb: {  	s30 =	sld [smem:$0x0];
	_ =	sdelay $0x2  }
0xbc: {  	s31 =	sshll.u32 s1, $0xD;
	s1 =	sshrl.u32 s1, $0x2  }
0xbd: {  	s3 =	sand.u32 $0x4000, s31;
	s1 =	sadd.s32 s1, s30  }
0xbe: {  	s0 =	sor.u32 s3, s0;
	s1 =	sshll.u32 s1, $0x11  }
0xbf: {  	s0 =	sor.u32 s1, s0  }
0xc0: {  	s0 =	sadd.s32 $0x8F2B, s0  }
0xc1: {  	[sflag:s0] =	ssyncadd.remote.s32 $0x1  }
0xc2: {  	_ =	sfence.sel $0xFFFF  }
0xc3: {  	[dreg:$0x0] =	wrdreg $0xFFFFFFFF;
	(pc) =	sbr.abs _section_cstart, $3  }
0xc4: {  	[dreg:$0x1] =	wrdreg $0xFFFFFFFF  }
0xc5: {  	_ =	task.clear_ibuf [dreg:s9], $0x2FFFF;
	_ =	strace $0x9FFFFFFF  }
0xc6: {  	(tm) =	ssettm $0x7FFFFFFF  }
0xc7: {  	_ =	shalt  }
tec
execute0_lowered:
.L_overlay_start_1:
0x0: {  	(tag) =	ssettag $0x1  }
0x1: {  	s0 =	rddreg [dreg:$0x0]  }
0x2: {  	s2 =	srdreg.scid;
	s1 =	stileid.u32  }
0x3: {  	s4 =	rddreg [dreg:$0x1];
	s2 =	sand.u32 $0x1, s2;
	s3 =	sshll.u32 s1, $0x1  }
0x4: {  	s5 =	rddreg [dreg:$0x3];
	s3 =	sor.u32 s2, s3  }
0x5: {  	s19 =	simm.s32 $0x0;
	s2 =	ssub.s32 $0x2, s2;
	s8 =	smul.u32 $0x1B000, s3  }
0x6: {  	[smem:$0x7FF] =	sst s19;
	s6 =	smul.u32 $0xA00, s3;
	s7 =	sshrl.u32 s2, $0x1  }
0x7: {  	_ =	strace $0x80000047;
	s2 =	ssub.s32 s2, s7;
	s20 =	sadd.s32 s5, s8  }
0x8: {  	s0 =	sadd.s32 s6, s0;
	s31 =	smax.u32 s2, $0x1;
	[dreg:$0xe] =	wrdreg s20  }
0x9: {  	s0 =	sadd.s32 $0x400, s0;
	[dreg:$0x18] =	wrdreg s31  }
0xa: {  	s22 =	sadd.s32 $0xD80, s20;
	[dreg:$0xd] =	wrdreg s0  }
0xb: {  	s23 =	sadd.s32 $0x100, s20;
	[dreg:$0xf] =	wrdreg s22  }
0xc: {  	s24 =	sadd.s32 $0x380, s20;
	[dreg:$0x10] =	wrdreg s23  }
0xd: {  	s21 =	smul.u32 $0xD8000, s3;
	s25 =	sadd.s32 $0x600, s20;
	[dreg:$0x11] =	wrdreg s24  }
0xe: {  	s26 =	sadd.s32 $0x880, s20;
	[dreg:$0x12] =	wrdreg s25  }
0xf: {  	s28 =	sadd.s32 $0xB00, s20;
	[dreg:$0x13] =	wrdreg s26;
	s0 =	sshrl.u32 s21, $0x3  }
0x10: {  	s1 =	sadd.s32 $0xE80, s20;
	[dreg:$0x14] =	wrdreg s28;
	s0 =	sadd.s32 s5, s0  }
0x11: {  	[dreg:$0x15] =	wrdreg s1;
	s29 =	sadd.s32 $0x1100, s0  }
0x12: {  	s30 =	sshll.u32 s3, $0x5;
	s0 =	sadd.s32 $0x1380, s0;
	[dreg:$0x16] =	wrdreg s29  }
0x13: {  	s2 =	simm.s32 $0x0;
	s5 =	simm.s32 $0x28;
	[dreg:$0x17] =	wrdreg s0  }
.LBB2_1:
0x14: {  	[dreg:$0x19] =	wrdreg s2  }
0x15: {  	s1 =	simm.s32 $0x0;
	s0 =	rddreg [dreg:$0xd];
	s10 =	simm.s32 $0x12  }
0x16: {  	[tilespmem:s1], [sflag:$0x12] =	stream.linear.gather [hbm4b:s0+s1], $0x5000, $0x38;
	[tilespmem:$0xF800] =	vst v63  }
0x17: {  	_ =	swait.ge [sflag:s10], $0x5000  }
0x18: {  	[sflag:s10] =	ssyncset.done $0x0  }
0x19: {  	[sflag:s10] =	ssyncadd.s32 $0xFFFFB000  }
0x1a: {  	s3 =	simm.s32 $0xF000;
	s11 =	rddreg [dreg:$0x2]  }
0x1b: {  	[tilespmem:s3], [sflag:$0x12] =	stream.linear.gather [hbm4b:s11+s1], $0x800, $0x38;
	[tilespmem:$0xF800] =	vst v63  }
0x1c: {  	_ =	swait.ge [sflag:s10], $0x800  }
0x1d: {  	[sflag:s10] =	ssyncset.done $0x0  }
0x1e: {  	s8 =	simm.s32 $0x5000;
	[sflag:s10] =	ssyncadd.s32 $0xFFFFF800  }
0x1f: {  	[tilespmem:s8], [sflag:$0x1] =	stream.indirect.gather [hbm4b:s4+s5], $0x80, s1, s5, $0xb8;
	[tilespmem:$0xF800] =	vst v63  }
0x20: {  	s12 =	rddreg [dreg:$0xe]  }
0x21: {  	[hbm4b:s12+s1] =	stream.linear.scatter [tilespmem:s3], [sflag:$0x11], $0x800, $0x38;
	[tilespmem:$0xF800] =	vst v63  }
0x22: {  	s13 =	simm.s32 $0x80;
	s18 =	simm.s32 $0x6400  }
0x23: {  	[tilespmem:s18], [sflag:$0x2] =	stream.indirect.gather [hbm4b:s4+s5], $0x80, s13, s5, $0xb8;
	[tilespmem:$0xF800] =	vst v63  }
0x24: {  	s14 =	simm.s32 $0x100;
	s21 =	simm.s32 $0x7800  }
0x25: {  	[tilespmem:s21], [sflag:$0x3] =	stream.indirect.gather [hbm4b:s4+s5], $0x80, s14, s5, $0xb8;
	[tilespmem:$0xF800] =	vst v63  }
0x26: {  	s15 =	simm.s32 $0x180;
	s22 =	simm.s32 $0x8C00  }
0x27: {  	[tilespmem:s22], [sflag:$0x4] =	stream.indirect.gather [hbm4b:s4+s5], $0x80, s15, s5, $0xb8;
	[tilespmem:$0xF800] =	vst v63  }
0x28: {  	s16 =	simm.s32 $0x200;
	s25 =	simm.s32 $0xA000  }
0x29: {  	[tilespmem:s25], [sflag:$0x5] =	stream.indirect.gather [hbm4b:s4+s5], $0x80, s16, s5, $0xb8;
	[tilespmem:$0xF800] =	vst v63  }
0x2a: {  	s17 =	simm.s32 $0x280;
	s26 =	simm.s32 $0xB400  }
0x2b: {  	[tilespmem:s26], [sflag:$0x6] =	stream.indirect.gather [hbm4b:s4+s5], $0x80, s17, s5, $0xb8;
	[tilespmem:$0xF800] =	vst v63  }
0x2c: {  	s20 =	simm.s32 $0x300;
	s28 =	simm.s32 $0xC800;
	s19 =	rddreg [dreg:$0xf]  }
0x2d: {  	[hbm4b:s19+s1] =	stream.linear.scatter [tilespmem:s3], [sflag:$0x11], $0x800, $0x38;
	[tilespmem:$0xF800] =	vst v63  }
0x2e: {  	s23 =	simm.s32 $0x380;
	s29 =	simm.s32 $0xDC00;
	s24 =	simm.s32 $0x1  }
0x2f: {  	[tilespmem:s28], [sflag:$0x7] =	stream.indirect.gather [hbm4b:s4+s5], $0x80, s20, s5, $0xb8;
	[tilespmem:$0xF800] =	vst v63  }
0x30: {  	s2 =	simm.s32 $0x2;
	s7 =	simm.s32 $0x4;
	s10 =	simm.s32 $0x5  }
0x31: {  	[tilespmem:s29], [sflag:$0x8] =	stream.indirect.gather [hbm4b:s4+s5], $0x80, s23, s5, $0xb8;
	[tilespmem:$0xF800] =	vst v63  }
0x32: {  	s12 =	simm.s32 $0x6;
	s17 =	simm.s32 $0x8;
	_ =	swait.ge [sflag:s24], $0x1400  }
0x33: {  	s14 =	simm.s32 $0x7;
	s0 =	sand.u32 $0xFF, s17;
	[sflag:s24] =	ssyncset.done $0x0  }
0x34: {  	s0 =	smul.u32 $0xCD, s0;
	s31 =	rddreg [dreg:$0x10];
	[sflag:s24] =	ssyncadd.s32 $0xFFFFEC00  }
0x35: {  	[hbm4b:s31+s1] =	stream.linear.scatter [tilespmem:s8], [sflag:$0x9], $0x1400, $0x38;
	[tilespmem:$0xF800] =	vst v63  }
0x36: {  	s16 =	simm.s32 $0x8;
	s17 =	simm.s32 $0x500;
	_ =	swait.ge [sflag:s2], $0x1400  }
0x37: {  	s0 =	sshrl.u32 s0, $0xA;
	s20 =	simm.s32 $0x9;
	[sflag:s2] =	ssyncset.done $0x0  }
0x38: {  	s5 =	simm.s32 $0x3;
	s3 =	rddreg [dreg:$0x11];
	[sflag:s2] =	ssyncadd.s32 $0xFFFFEC00  }
0x39: {  	[hbm4b:s3+s1] =	stream.linear.scatter [tilespmem:s18], [sflag:$0xA], $0x1400, $0x38;
	[tilespmem:$0xF800] =	vst v63  }
0x3a: {  	s23 =	smul.u32 $0x5, s0;
	s24 =	simm.s32 $0xC;
	_ =	swait.ge [sflag:s5], $0x1400  }
0x3b: {  	s31 =	smov.u32 s4;
	s4 =	simm.s32 $0xB;
	[sflag:s5] =	ssyncset.done $0x0  }
0x3c: {  	s2 =	sand.u32 $0xFF, s20;
	s6 =	rddreg [dreg:$0x12];
	[sflag:s5] =	ssyncadd.s32 $0xFFFFEC00  }
0x3d: {  	[hbm4b:s6+s1] =	stream.linear.scatter [tilespmem:s21], [sflag:$0xB], $0x1400, $0x38;
	[tilespmem:$0xF800] =	vst v63  }
0x3e: {  	s20 =	sand.u32 $0xFF, s4;
	s2 =	smul.u32 $0xCD, s2;
	_ =	swait.ge [sflag:s7], $0x1400  }
0x3f: {  	s3 =	ssub.s32 $0x8, s23;
	s20 =	smul.u32 $0xCD, s20;
	[sflag:s7] =	ssyncset.done $0x0  }
0x40: {  	s2 =	sshrl.u32 s2, $0xA;
	s9 =	rddreg [dreg:$0x13];
	[sflag:s7] =	ssyncadd.s32 $0xFFFFEC00  }
0x41: {  	[hbm4b:s9+s1] =	stream.linear.scatter [tilespmem:s22], [sflag:$0xC], $0x1400, $0x38;
	[tilespmem:$0xF800] =	vst v63  }
0x42: {  	s6 =	simm.s32 $0x28;
	s7 =	simm.s32 $0xE;
	_ =	swait.ge [sflag:s10], $0x1400  }
0x43: {  	s9 =	sand.u32 $0xFF, s3;
	s7 =	sand.u32 $0xFF, s7;
	[sflag:s10] =	ssyncset.done $0x0  }
0x44: {  	s3 =	smul.u32 $0x28, s3;
	s11 =	rddreg [dreg:$0x14];
	[sflag:s10] =	ssyncadd.s32 $0xFFFFEC00  }
0x45: {  	[hbm4b:s11+s1] =	stream.linear.scatter [tilespmem:s25], [sflag:$0xD], $0x1400, $0x38;
	[tilespmem:$0xF800] =	vst v63  }
0x46: {  	p0 =	sne.s32 s9, $0x0;
	s9 =	sand.u32 $0xFF, s24;
	_ =	swait.ge [sflag:s12], $0x1400  }
0x47: {  	s9 =	smul.u32 $0xCD, s9;
	s24 =	simm.s32 @!p0 $0x0;
	[sflag:s12] =	ssyncset.done $0x0  }
0x48: {  	s10 =	simm.s32 $0x400;
	s13 =	rddreg [dreg:$0x15];
	[sflag:s12] =	ssyncadd.s32 $0xFFFFEC00  }
0x49: {  	[hbm4b:s13+s1] =	stream.linear.scatter [tilespmem:s26], [sflag:$0xE], $0x1400, $0x38;
	[tilespmem:$0xF800] =	vst v63  }
0x4a: {  	s11 =	smul.u32 $0x5, s2;
	s12 =	sadd.s32 @!p0 s0, s30;
	_ =	swait.ge [sflag:s14], $0x1400  }
0x4b: {  	s0 =	sadd.s32 s0, s30;
	s12 =	smul.u32 @!p0 $0xD80, s12;
	[sflag:s14] =	ssyncset.done $0x0  }
0x4c: {  	s0 =	smul.u32 $0xD8, s0;
	s15 =	rddreg [dreg:$0x16];
	[sflag:s14] =	ssyncadd.s32 $0xFFFFEC00  }
0x4d: {  	[hbm4b:s15+s1] =	stream.linear.scatter [tilespmem:s28], [sflag:$0xF], $0x1400, $0x38;
	[tilespmem:$0xF800] =	vst v63  }
0x4e: {  	s13 =	simm.s32 $0x480;
	s14 =	simm.s32 $0x580;
	s15 =	smul.u32 $0xCD, s7  }
0x4f: {  	s7 =	ssub.s32 $0x9, s11;
	s11 =	sshrl.u32 s9, $0xA;
	s9 =	sshrl.u32 s20, $0xA  }
0x50: {  	_ =	swait.ge [sflag:s16], $0x1400;
	s5 =	sand.u32 $0xFF, s7;
	s23 =	smul.u32 $0x5, s11  }
0x51: {  	s7 =	smul.u32 $0x28, s7;
	[sflag:s16] =	ssyncset.done $0x0;
	s19 =	rddreg [dreg:$0x17]  }
0x52: {  	p1 =	sne.s32 s5, $0x0;
	s5 =	simm.s32 $0x9;
	[sflag:s16] =	ssyncadd.s32 $0xFFFFEC00  }
0x53: {  	[hbm4b:s19+s1] =	stream.linear.scatter [tilespmem:s29], [sflag:$0x10], $0x1400, $0x38;
	[tilespmem:$0xF800] =	vst v63  }
0x54: {  	s1 =	simm.s32 $0xA;
	s4 =	rddreg [dreg:$0x3];
	_ =	swait.ge [sflag:s5], $0x1400  }
0x55: {  	s7 =	sand.u32 $0xF8, s7;
	s16 =	sand.u32 $0xFF, s1;
	[sflag:s5] =	ssyncset.done $0x0  }
0x56: {  	s1 =	sadd.s32 @!p0 s4, s12;
	s12 =	smul.u32 $0xCD, s16;
	[sflag:s5] =	ssyncadd.s32 $0xFFFFEC00  }
0x57: {  	[tilespmem:s8], [sflag:$0x1] =	stream.indirect.gather [hbm4b:s31+s6], $0x80, s10, s6, $0xb8;
	[tilespmem:$0xF800] =	vst v63  }
0x58: {  	s16 =	simm.s32 $0xD;
	s5 =	smul.u32 $0x5, s9;
	s12 =	sshrl.u32 s12, $0xA  }
0x59: {  	s19 =	simm.s32 @!p0 $0xF000;
	s8 =	sand.u32 $0xFF, s16;
	s20 =	smul.u32 $0x5, s12  }
0x5a: {  	[hbm4b:s1+s24] =	stream.linear.scatter @!p0 [tilespmem:s19], [sflag:$0x11], $0x800, $0x38;
	[tilespmem:$0xF800] =	vst v63  }
0x5b: {  	s10 =	ssub.s32 $0xB, s5;
	s24 =	simm.s32 $0xA;
	s1 =	sadd.s32 @!p1 s2, s30  }
0x5c: {  	s19 =	simm.s32 @!p1 $0x0;
	_ =	swait.ge [sflag:s24], $0x1400;
	s16 =	smul.u32 @!p1 $0xD80, s1  }
0x5d: {  	s2 =	sadd.s32 s2, s30;
	s1 =	simm.s32 @!p1 $0xF000;
	[sflag:s24] =	ssyncset.done $0x0  }
0x5e: {  	[sflag:s24] =	ssyncadd.s32 $0xFFFFEC00;
	s16 =	sadd.s32 @!p1 s4, s16;
	s24 =	simm.s32 $0xB  }
0x5f: {  	[tilespmem:s18], [sflag:$0x2] =	stream.indirect.gather [hbm4b:s31+s6], $0x80, s13, s6, $0xb8;
	[tilespmem:$0xF800] =	vst v63  }
0x60: {  	s13 =	ssub.s32 $0xA, s20;
	s18 =	sand.u32 $0xFF, s10;
	s10 =	smul.u32 $0x28, s10  }
0x61: {  	[hbm4b:s16+s19] =	stream.linear.scatter @!p1 [tilespmem:s1], [sflag:$0x11], $0x800, $0x38;
	[tilespmem:$0xF800] =	vst v63  }
0x62: {  	s19 =	smul.u32 $0xCD, s8;
	s16 =	ssub.s32 $0xC, s23;
	s8 =	sand.u32 $0xFF, s13  }
0x63: {  	s13 =	smul.u32 $0x28, s13;
	s10 =	sand.u32 $0xF8, s10;
	p1 =	sne.s32 s8, $0x0  }
0x64: {  	_ =	swait.ge [sflag:s24], $0x1400;
	s8 =	sand.u32 $0xFF, s16;
	s16 =	smul.u32 $0x28, s16  }
0x65: {  	s23 =	sadd.s32 @!p1 s12, s30;
	[sflag:s24] =	ssyncset.done $0x0;
	p0 =	sne.s32 s8, $0x0  }
0x66: {  	s1 =	sshrl.u32 s19, $0xA;
	s12 =	sadd.s32 s12, s30;
	s20 =	smul.u32 @!p1 $0xD80, s23  }
0x67: {  	s13 =	sand.u32 $0xF8, s13;
	[sflag:s24] =	ssyncadd.s32 $0xFFFFEC00;
	s12 =	smul.u32 $0xD8, s12  }
0x68: {  	[tilespmem:s21], [sflag:$0x3] =	stream.indirect.gather [hbm4b:s31+s6], $0x80, s17, s6, $0xb8;
	[tilespmem:$0xF800] =	vst v63  }
0x69: {  	s23 =	simm.s32 @!p1 $0xF000;
	s16 =	sand.u32 $0xF8, s16;
	s21 =	smul.u32 $0x5, s1  }
0x6a: {  	s17 =	sadd.s32 @!p1 s4, s20;
	s20 =	simm.s32 @!p1 $0x0;
	s12 =	sadd.s32 s12, s13  }
0x6b: {  	[hbm4b:s17+s20] =	stream.linear.scatter @!p1 [tilespmem:s23], [sflag:$0x11], $0x800, $0x38;
	[tilespmem:$0xF800] =	vst v63  }
0x6c: {  	p1 =	sne.s32 s18, $0x0;
	s17 =	sadd.s32 @!p0 s11, s30;
	s18 =	simm.s32 $0xC  }
0x6d: {  	s23 =	simm.s32 $0x600;
	s24 =	ssub.s32 $0xD, s21;
	s21 =	simm.s32 $0xF  }
0x6e: {  	s11 =	sadd.s32 s11, s30;
	s5 =	sshll.u32 s12, $0x4;
	s17 =	smul.u32 @!p0 $0xD80, s17  }
0x6f: {  	_ =	swait.ge [sflag:s18], $0x1400;
	s20 =	sadd.s32 @!p1 s9, s30;
	s11 =	smul.u32 $0xD8, s11  }
0x70: {  	s9 =	sadd.s32 s9, s30;
	[sflag:s18] =	ssyncset.done $0x0;
	s19 =	smul.u32 @!p1 $0xD80, s20  }
0x71: {  	s20 =	simm.s32 @!p1 $0xF000;
	s9 =	smul.u32 $0xD8, s9;
	[sflag:s18] =	ssyncadd.s32 $0xFFFFEC00  }
0x72: {  	[tilespmem:s22], [sflag:$0x4] =	stream.indirect.gather [hbm4b:s31+s6], $0x80, s14, s6, $0xb8;
	[tilespmem:$0xF800] =	vst v63  }
0x73: {  	s18 =	simm.s32 $0x680;
	s11 =	sadd.s32 s11, s16;
	s14 =	sadd.s32 @!p1 s4, s19  }
0x74: {  	s19 =	simm.s32 @!p1 $0x0;
	s22 =	simm.s32 $0xD;
	s11 =	sshll.u32 s11, $0x4  }
0x75: {  	[hbm4b:s14+s19] =	stream.linear.scatter @!p1 [tilespmem:s20], [sflag:$0x11], $0x800, $0x38;
	[tilespmem:$0xF800] =	vst v63  }
0x76: {  	s9 =	sadd.s32 s9, s10;
	s14 =	sshrl.u32 s15, $0xA;
	_ =	swait.ge [sflag:s22], $0x1400  }
0x77: {  	s15 =	sadd.s32 @!p0 s4, s17;
	s17 =	simm.s32 @!p0 $0x0;
	[sflag:s22] =	ssyncset.done $0x0  }
0x78: {  	s19 =	sand.u32 $0xFF, s24;
	s24 =	smul.u32 $0x28, s24;
	[sflag:s22] =	ssyncadd.s32 $0xFFFFEC00  }
0x79: {  	[tilespmem:s25], [sflag:$0x5] =	stream.indirect.gather [hbm4b:s31+s6], $0x80, s23, s6, $0xb8;
	[tilespmem:$0xF800] =	vst v63  }
0x7a: {  	s8 =	smul.u32 $0x5, s14;
	s22 =	simm.s32 $0x700;
	s23 =	simm.s32 @!p0 $0xF000  }
0x7b: {  	[hbm4b:s15+s17] =	stream.linear.scatter @!p0 [tilespmem:s23], [sflag:$0x11], $0x800, $0x38;
	[tilespmem:$0xF800] =	vst v63  }
0x7c: {  	s25 =	sand.u32 $0xF8, s24;
	s17 =	simm.s32 $0xE;
	p0 =	sne.s32 s19, $0x0  }
0x7d: {  	s15 =	ssub.s32 $0xE, s8;
	_ =	swait.ge [sflag:s17], $0x1400;
	s19 =	sadd.s32 @!p0 s1, s30  }
0x7e: {  	s23 =	simm.s32 @!p0 $0xF000;
	s8 =	smul.u32 $0x28, s15;
	[sflag:s17] =	ssyncset.done $0x0  }
0x7f: {  	s19 =	smul.u32 @!p0 $0xD80, s19;
	[sflag:s17] =	ssyncadd.s32 $0xFFFFEC00;
	s17 =	simm.s32 @!p0 $0x0  }
0x80: {  	[tilespmem:s26], [sflag:$0x6] =	stream.indirect.gather [hbm4b:s31+s6], $0x80, s18, s6, $0xb8;
	[tilespmem:$0xF800] =	vst v63  }
0x81: {  	s12 =	sand.u32 $0xF8, s8;
	s19 =	sadd.s32 @!p0 s4, s19;
	s26 =	sand.u32 $0xF8, s3  }
0x82: {  	[hbm4b:s19+s17] =	stream.linear.scatter @!p0 [tilespmem:s23], [sflag:$0x11], $0x800, $0x38;
	[tilespmem:$0xF800] =	vst v63  }
0x83: {  	s0 =	sadd.s32 s0, s26;
	s26 =	simm.s32 $0x10;
	s19 =	sand.u32 $0xFF, s15  }
0x84: {  	s0 =	sshll.u32 s0, $0x4;
	p0 =	sne.s32 s19, $0x0;
	_ =	swait.ge [sflag:s21], $0x1400  }
0x85: {  	s17 =	sadd.s32 @!p0 s14, s30;
	[sflag:s21] =	ssyncset.done $0x0;
	s19 =	simm.s32 @!p0 $0xF000  }
0x86: {  	s14 =	sadd.s32 s14, s30;
	s17 =	smul.u32 @!p0 $0xD80, s17;
	[sflag:s21] =	ssyncadd.s32 $0xFFFFEC00  }
0x87: {  	[tilespmem:s28], [sflag:$0x7] =	stream.indirect.gather [hbm4b:s31+s6], $0x80, s22, s6, $0xb8;
	[tilespmem:$0xF800] =	vst v63  }
0x88: {  	s23 =	simm.s32 @!p0 $0x0;
	s14 =	smul.u32 $0xD8, s14;
	s17 =	sadd.s32 @!p0 s4, s17  }
0x89: {  	[hbm4b:s17+s23] =	stream.linear.scatter @!p0 [tilespmem:s19], [sflag:$0x11], $0x800, $0x38;
	[tilespmem:$0xF800] =	vst v63  }
0x8a: {  	s22 =	simm.s32 $0x800;
	s28 =	sadd.s32 s4, s11;
	s23 =	sadd.s32 s1, s30  }
0x8b: {  	s18 =	sadd.s32 s14, s12;
	s1 =	sand.u32 $0xFF, s21;
	s16 =	smul.u32 $0xD8, s23  }
0x8c: {  	s19 =	simm.s32 $0x17;
	s17 =	simm.s32 $0x780;
	s3 =	smul.u32 $0xCD, s1  }
0x8d: {  	s23 =	sshll.u32 s9, $0x4;
	s9 =	sadd.s32 s4, s0;
	_ =	swait.ge [sflag:s26], $0x1400  }
0x8e: {  	s0 =	sshll.u32 s18, $0x4;
	[sflag:s26] =	ssyncset.done $0x0;
	s15 =	sshrl.u32 s3, $0xA  }
0x8f: {  	s21 =	sadd.s32 s4, s0;
	[sflag:s26] =	ssyncadd.s32 $0xFFFFEC00;
	s3 =	smul.u32 $0x5, s15  }
0x90: {  	[tilespmem:s29], [sflag:$0x8] =	stream.indirect.gather [hbm4b:s31+s6], $0x80, s17, s6, $0xb8;
	[tilespmem:$0xF800] =	vst v63  }
0x91: {  	s13 =	sadd.s32 s16, s25;
	s16 =	smul.u32 $0xD8, s2;
	s24 =	ssub.s32 $0xF, s3  }
0x92: {  	s2 =	sadd.s32 s4, s5;
	s20 =	sshll.u32 s13, $0x4;
	s0 =	sand.u32 $0xFF, s24  }
0x93: {  	s25 =	smul.u32 $0x28, s24;
	p1 =	sne.s32 s0, $0x0;
	s0 =	sadd.s32 s15, s30  }
0x94: {  	s7 =	sadd.s32 s16, s7;
	s3 =	sadd.s32 s4, s20;
	s10 =	smul.u32 @!p1 $0xD80, s0  }
0x95: {  	s12 =	sshll.u32 s7, $0x4;
	s11 =	simm.s32 @!p1 $0x0;
	s0 =	smul.u32 $0xD8, s0  }
0x96: {  	s13 =	simm.s32 @!p1 $0xF000;
	s7 =	sand.u32 $0xF8, s25;
	s10 =	sadd.s32 @!p1 s4, s10  }
.LBB2_2:
0x97: {  	s20 =	rddreg [dreg:$0x3];
	s24 =	smov.u32 s19;
	s19 =	sadd.s32 $0x8, s19  }
0x98: {  	[hbm4b:s10+s11] =	stream.linear.scatter @!p1 [tilespmem:s13], [sflag:$0x11], $0x800, $0x38;
	[tilespmem:$0xF800] =	vst v63  }
0x99: {  	s1 =	simm.s32 $0x1;
	s9 =	sadd.s32 $0x100, s9;
	s4 =	simm.s32 $0x5000  }
0x9a: {  	s8 =	simm.s32 $0x2;
	s11 =	simm.s32 $0x6400;
	s2 =	sadd.s32 $0x100, s2  }
0x9b: {  	s15 =	simm.s32 $0x7800;
	s17 =	simm.s32 $0x4;
	s25 =	simm.s32 $0x5  }
0x9c: {  	s6 =	sadd.s32 $0x100, s28;
	s12 =	sadd.s32 s20, s12;
	s7 =	sadd.s32 s0, s7  }
0x9d: {  	s0 =	smov.u32 s22;
	p0 =	sne.s32 s19, $0xA7;
	_ =	swait.ge [sflag:s1], $0x1400  }
0x9e: {  	s22 =	sadd.s32 $0x400, s22;
	s14 =	sadd.s32 s20, s23;
	s18 =	sand.u32 $0xFF, s24  }
0x9f: {  	s7 =	sshll.u32 s7, $0x4;
	[sflag:s1] =	ssyncset.done $0x0;
	s5 =	sadd.s32 $0x380, s0  }
0xa0: {  	s10 =	sadd.s32 $0x100, s12;
	s12 =	simm.s32 $0x3;
	s16 =	sadd.s32 $0x280, s0  }
0xa1: {  	s26 =	sadd.s32 $0x180, s0;
	[sflag:s1] =	ssyncadd.s32 $0xFFFFEC00;
	s1 =	simm.s32 $0x0  }
0xa2: {  	[hbm4b:s9+s1] =	stream.linear.scatter [tilespmem:s4], [sflag:$0x9], $0x1400, $0x38;
	[tilespmem:$0xF800] =	vst v63  }
0xa3: {  	s28 =	sadd.s32 $0x100, s0;
	s9 =	sadd.s32 $0x300, s0;
	_ =	swait.ge [sflag:s8], $0x1400  }
0xa4: {  	[dreg:$0x6] =	wrdreg s9;
	s9 =	sadd.s32 $0xFFFFFFF9, s24;
	[sflag:s8] =	ssyncset.done $0x0  }
0xa5: {  	s7 =	sadd.s32 s20, s7;
	s13 =	sand.u32 $0xFF, s9;
	[sflag:s8] =	ssyncadd.s32 $0xFFFFEC00  }
0xa6: {  	[hbm4b:s10+s1] =	stream.linear.scatter [tilespmem:s11], [sflag:$0xA], $0x1400, $0x38;
	[tilespmem:$0xF800] =	vst v63  }
0xa7: {  	[dreg:$0x5] =	wrdreg s5;
	s8 =	simm.s32 $0x8C00;
	s10 =	smul.u32 $0xCD, s13  }
0xa8: {  	s11 =	sadd.s32 $0x100, s14;
	s14 =	sadd.s32 $0x100, s3;
	_ =	swait.ge [sflag:s12], $0x1400  }
0xa9: {  	s3 =	sadd.s32 $0x100, s7;
	[sflag:s12] =	ssyncset.done $0x0;
	s10 =	sshrl.u32 s10, $0xA  }
0xaa: {  	[dreg:$0x7] =	wrdreg s16;
	[sflag:s12] =	ssyncadd.s32 $0xFFFFEC00;
	s23 =	sadd.s32 s10, s30  }
0xab: {  	[hbm4b:s2+s1] =	stream.linear.scatter [tilespmem:s15], [sflag:$0xB], $0x1400, $0x38;
	[tilespmem:$0xF800] =	vst v63  }
0xac: {  	s4 =	smul.u32 $0x5, s10;
	s12 =	sadd.s32 $0x80, s0;
	_ =	swait.ge [sflag:s17], $0x1400  }
0xad: {  	s16 =	smul.u32 $0xD8, s23;
	s23 =	simm.s32 $0x6;
	[sflag:s17] =	ssyncset.done $0x0  }
0xae: {  	s15 =	sadd.s32 $0x100, s21;
	s21 =	simm.s32 $0xC800;
	[sflag:s17] =	ssyncadd.s32 $0xFFFFEC00  }
0xaf: {  	[hbm4b:s11+s1] =	stream.linear.scatter [tilespmem:s8], [sflag:$0xC], $0x1400, $0x38;
	[tilespmem:$0xF800] =	vst v63  }
0xb0: {  	[dreg:$0x8] =	wrdreg s18;
	s9 =	ssub.s32 s9, s4;
	s11 =	sadd.s32 $0xFFFFFFFF, s24  }
0xb1: {  	s17 =	simm.s32 $0xA000;
	s8 =	sadd.s32 $0xFFFFFFFA, s24;
	[dreg:$0xb] =	wrdreg s11  }
0xb2: {  	s18 =	sand.u32 $0xFF, s8;
	_ =	swait.ge [sflag:s25], $0x1400;
	[dreg:$0xa] =	wrdreg s26  }
0xb3: {  	[dreg:$0x9] =	wrdreg s16;
	s7 =	smul.u32 $0xCD, s18;
	s26 =	simm.s32 $0xB400  }
0xb4: {  	s16 =	sand.u32 $0xFF, s11;
	s18 =	sadd.s32 $0xFFFFFFFB, s24;
	[sflag:s25] =	ssyncset.done $0x0  }
0xb5: {  	s16 =	smul.u32 $0xCD, s16;
	[sflag:s25] =	ssyncadd.s32 $0xFFFFEC00;
	s13 =	sshrl.u32 s7, $0xA  }
0xb6: {  	s7 =	sadd.s32 $0xFFFFFFFD, s24;
	s25 =	smul.u32 $0x28, s9;
	s9 =	sand.u32 $0xFF, s9  }
0xb7: {  	[hbm4b:s6+s1] =	stream.linear.scatter [tilespmem:s17], [sflag:$0xD], $0x1400, $0x38;
	[tilespmem:$0xF800] =	vst v63  }
0xb8: {  	s5 =	smul.u32 $0x5, s13;
	p1 =	sne.s32 s9, $0x0;
	s6 =	simm.s32 $0x7  }
0xb9: {  	s17 =	sand.u32 $0xFF, s18;
	_ =	swait.ge [sflag:s23], $0x1400;
	[dreg:$0xc] =	wrdreg s25  }
0xba: {  	s10 =	sadd.s32 @!p1 s10, s30;
	s2 =	simm.s32 @!p1 $0xF000;
	[sflag:s23] =	ssyncset.done $0x0  }
0xbb: {  	s9 =	ssub.s32 s8, s5;
	s8 =	sadd.s32 $0xFFFFFFFC, s24;
	[sflag:s23] =	ssyncadd.s32 $0xFFFFEC00  }
0xbc: {  	[hbm4b:s14+s1] =	stream.linear.scatter [tilespmem:s26], [sflag:$0xE], $0x1400, $0x38;
	[tilespmem:$0xF800] =	vst v63  }
0xbd: {  	s10 =	smul.u32 @!p1 $0xD80, s10;
	s14 =	sand.u32 $0xFF, s7;
	s26 =	sand.u32 $0xFF, s9  }
0xbe: {  	s9 =	smul.u32 $0x28, s9;
	_ =	swait.ge [sflag:s6], $0x1400;
	p3 =	sne.s32 s26, $0x0  }
0xbf: {  	s11 =	smul.u32 $0xCD, s14;
	[sflag:s6] =	ssyncset.done $0x0;
	s31 =	sadd.s32 @!p3 s13, s30  }
0xc0: {  	s25 =	sand.u32 $0xFF, s8;
	[sflag:s6] =	ssyncadd.s32 $0xFFFFEC00;
	s31 =	smul.u32 @!p3 $0xD80, s31  }
0xc1: {  	[hbm4b:s15+s1] =	stream.linear.scatter [tilespmem:s21], [sflag:$0xF], $0x1400, $0x38;
	[tilespmem:$0xF800] =	vst v63  }
0xc2: {  	s23 =	simm.s32 $0x8;
	s5 =	sshrl.u32 s11, $0xA;
	s15 =	smul.u32 $0xCD, s25  }
0xc3: {  	s14 =	sadd.s32 $0xFFFFFFFE, s24;
	s6 =	simm.s32 $0xDC00;
	s4 =	smul.u32 $0x5, s5  }
0xc4: {  	s21 =	sadd.s32 @!p1 s20, s10;
	s10 =	smul.u32 $0xCD, s17;
	_ =	swait.ge [sflag:s23], $0x1400  }
0xc5: {  	s26 =	sadd.s32 s5, s30;
	[sflag:s23] =	ssyncset.done $0x0;
	s11 =	sshrl.u32 s15, $0xA  }
0xc6: {  	s15 =	simm.s32 $0x9;
	s17 =	sshrl.u32 s10, $0xA;
	s4 =	ssub.s32 s7, s4  }
0xc7: {  	[sflag:s23] =	ssyncadd.s32 $0xFFFFEC00;
	s23 =	smov.u32 s22;
	s25 =	smul.u32 $0x5, s11  }
0xc8: {  	[hbm4b:s3+s1] =	stream.linear.scatter [tilespmem:s6], [sflag:$0x10], $0x1400, $0x38;
	[tilespmem:$0xF800] =	vst v63  }
0xc9: {  	s22 =	simm.s32 @!p1 $0x0;
	s29 =	smul.u32 $0x5, s17;
	s6 =	sand.u32 $0xFF, s14  }
0xca: {  	s3 =	sshrl.u32 s16, $0xA;
	s16 =	simm.s32 $0x5000;
	_ =	swait.ge [sflag:s15], $0x1400  }
0xcb: {  	s10 =	ssub.s32 s8, s25;
	s8 =	smul.u32 $0xCD, s6;
	[sflag:s15] =	ssyncset.done $0x0  }
0xcc: {  	s1 =	simm.s32 @!p3 $0xF000;
	s6 =	simm.s32 $0x28;
	[sflag:s15] =	ssyncadd.s32 $0xFFFFEC00  }
0xcd: {  	s7 =	sshrl.u32 s8, $0xA;
	s8 =	ssub.s32 s18, s29;
	s18 =	sand.u32 $0xFF, s10  }
0xce: {  	s15 =	sadd.s32 s13, s30;
	p2 =	sne.s32 s18, $0x0;
	s18 =	smul.u32 $0xD8, s26  }
0xcf: {  	s25 =	rddreg [dreg:$0x1];
	s26 =	sand.u32 $0xFF, s8;
	s8 =	smul.u32 $0x28, s8  }
0xd0: {  	[tilespmem:s16], [sflag:$0x1] =	stream.indirect.gather [hbm4b:s25+s6], $0x80, s0, s6, $0xb8;
	[tilespmem:$0xF800] =	vst v63  }
0xd1: {  	s13 =	smul.u32 $0x5, s3;
	s29 =	simm.s32 $0xA;
	s16 =	sadd.s32 @!p2 s11, s30  }
0xd2: {  	p4 =	sne.s32 s26, $0x0;
	s26 =	simm.s32 $0x6400;
	s8 =	sand.u32 $0xF8, s8  }
0xd3: {  	[hbm4b:s21+s22] =	stream.linear.scatter @!p1 [tilespmem:s2], [sflag:$0x11], $0x800, $0x38;
	[tilespmem:$0xF800] =	vst v63  }
0xd4: {  	s2 =	simm.s32 @!p3 $0x0;
	s22 =	sand.u32 $0xFF, s4;
	s4 =	smul.u32 $0x28, s4  }
0xd5: {  	s21 =	smul.u32 @!p2 $0xD80, s16;
	_ =	swait.ge [sflag:s29], $0x1400;
	p1 =	sne.s32 s22, $0x0  }
0xd6: {  	s22 =	sadd.s32 @!p3 s20, s31;
	s31 =	simm.s32 $0x8C00;
	s5 =	sadd.s32 @!p1 s5, s30  }
0xd7: {  	[sflag:s29] =	ssyncset.done $0x0;
	s4 =	sand.u32 $0xF8, s4;
	s5 =	smul.u32 @!p1 $0xD80, s5  }
0xd8: {  	[sflag:s29] =	ssyncadd.s32 $0xFFFFEC00;
	s4 =	sadd.s32 s18, s4;
	s18 =	simm.s32 $0x6400  }
0xd9: {  	[tilespmem:s18], [sflag:$0x2] =	stream.indirect.gather [hbm4b:s25+s6], $0x80, s12, s6, $0xb8;
	[tilespmem:$0xF800] =	vst v63  }
0xda: {  	s29 =	simm.s32 $0x7800;
	s18 =	sadd.s32 @!p4 s17, s30;
	s12 =	sshll.u32 s4, $0x4  }
0xdb: {  	s4 =	sadd.s32 @!p2 s20, s21;
	s21 =	sadd.s32 s17, s30;
	s17 =	simm.s32 @!p4 $0x0  }
0xdc: {  	[hbm4b:s22+s2] =	stream.linear.scatter @!p3 [tilespmem:s1], [sflag:$0x11], $0x800, $0x38;
	[tilespmem:$0xF800] =	vst v63  }
0xdd: {  	s16 =	sadd.s32 @!p1 s20, s5;
	s5 =	simm.s32 $0xB;
	s1 =	smul.u32 @!p4 $0xD80, s18  }
0xde: {  	s2 =	sadd.s32 s7, s30;
	s22 =	smul.u32 $0x5, s7;
	_ =	swait.ge [sflag:s5], $0x1400  }
0xdf: {  	s18 =	simm.s32 $0x7800;
	s2 =	smul.u32 $0xD8, s2;
	[sflag:s5] =	ssyncset.done $0x0  }
0xe0: {  	s1 =	sadd.s32 @!p4 s20, s1;
	[sflag:s5] =	ssyncadd.s32 $0xFFFFEC00;
	s5 =	smul.u32 $0xD8, s21  }
0xe1: {  	[tilespmem:s18], [sflag:$0x3] =	stream.indirect.gather [hbm4b:s25+s6], $0x80, s28, s6, $0xb8;
	[tilespmem:$0xF800] =	vst v63  }
0xe2: {  	s21 =	simm.s32 $0xC;
	s18 =	simm.s32 @!p4 $0xF000;
	s28 =	sadd.s32 s20, s12  }
0xe3: {  	[hbm4b:s1+s17] =	stream.linear.scatter @!p4 [tilespmem:s18], [sflag:$0x11], $0x800, $0x38;
	[tilespmem:$0xF800] =	vst v63  }
0xe4: {  	s5 =	sadd.s32 s5, s8;
	s8 =	simm.s32 @!p1 $0x0;
	s1 =	simm.s32 @!p2 $0x0  }
0xe5: {  	s17 =	sadd.s32 $0x200, s0;
	s0 =	ssub.s32 s14, s22;
	_ =	swait.ge [sflag:s21], $0x1400  }
0xe6: {  	s14 =	sand.u32 $0xFF, s0;
	s0 =	smul.u32 $0x28, s0;
	[sflag:s21] =	ssyncset.done $0x0  }
0xe7: {  	s22 =	rddreg [dreg:$0xa];
	[sflag:s21] =	ssyncadd.s32 $0xFFFFEC00;
	s21 =	simm.s32 $0x8C00  }
0xe8: {  	[tilespmem:s21], [sflag:$0x4] =	stream.indirect.gather [hbm4b:s25+s6], $0x80, s22, s6, $0xb8;
	[tilespmem:$0xF800] =	vst v63  }
0xe9: {  	s5 =	sshll.u32 s5, $0x4;
	s18 =	simm.s32 @!p2 $0xF000;
	s21 =	sadd.s32 s11, s30  }
0xea: {  	s22 =	sand.u32 $0xF8, s0;
	s0 =	smul.u32 $0xD8, s15;
	s11 =	sand.u32 $0xF8, s9  }
0xeb: {  	s15 =	sadd.s32 s3, s30;
	s9 =	smul.u32 $0x28, s10;
	s10 =	simm.s32 @!p1 $0xF000  }
0xec: {  	[hbm4b:s4+s1] =	stream.linear.scatter @!p2 [tilespmem:s18], [sflag:$0x11], $0x800, $0x38;
	[tilespmem:$0xF800] =	vst v63  }
0xed: {  	s1 =	sadd.s32 s2, s22;
	s22 =	smov.u32 s23;
	s4 =	simm.s32 $0xD  }
0xee: {  	s2 =	sadd.s32 s20, s5;
	s5 =	smul.u32 $0xD8, s21;
	s21 =	simm.s32 $0xA000  }
0xef: {  	s9 =	sand.u32 $0xF8, s9;
	s0 =	sadd.s32 s0, s11;
	_ =	swait.ge [sflag:s4], $0x1400  }
0xf0: {  	s1 =	sshll.u32 s1, $0x4;
	s18 =	rddreg [dreg:$0xc];
	[sflag:s4] =	ssyncset.done $0x0  }
0xf1: {  	s23 =	sand.u32 $0xF8, s18;
	[sflag:s4] =	ssyncadd.s32 $0xFFFFEC00;
	s18 =	rddreg [dreg:$0x9]  }
0xf2: {  	[tilespmem:s21], [sflag:$0x5] =	stream.indirect.gather [hbm4b:s25+s6], $0x80, s17, s6, $0xb8;
	[tilespmem:$0xF800] =	vst v63  }
0xf3: {  	s5 =	sadd.s32 s5, s9;
	s4 =	sadd.s32 s18, s23;
	s23 =	rddreg [dreg:$0xb]  }
0xf4: {  	s18 =	simm.s32 $0xA000;
	s21 =	simm.s32 $0xE;
	s13 =	ssub.s32 s23, s13  }
0xf5: {  	s4 =	sshll.u32 s4, $0x4;
	s23 =	sshll.u32 s5, $0x4;
	s5 =	smul.u32 $0xD8, s15  }
0xf6: {  	[hbm4b:s16+s8] =	stream.linear.scatter @!p1 [tilespmem:s10], [sflag:$0x11], $0x800, $0x38;
	[tilespmem:$0xF800] =	vst v63  }
0xf7: {  	s16 =	sand.u32 $0xFF, s13;
	s17 =	smul.u32 $0x28, s13;
	s9 =	sadd.s32 s20, s4  }
0xf8: {  	p1 =	sne.s32 s14, $0x0;
	s14 =	simm.s32 $0xB400;
	_ =	swait.ge [sflag:s21], $0x1400  }
0xf9: {  	p2 =	sne.s32 s16, $0x0;
	s7 =	sadd.s32 @!p1 s7, s30;
	s10 =	simm.s32 @!p1 $0xF000  }
0xfa: {  	s15 =	sand.u32 $0xF8, s17;
	[sflag:s21] =	ssyncset.done $0x0;
	s16 =	rddreg [dreg:$0x8]  }
0xfb: {  	s3 =	sadd.s32 @!p2 s3, s30;
	s7 =	smul.u32 @!p1 $0xD80, s7;
	s13 =	rddreg [dreg:$0x7]  }
0xfc: {  	[sflag:s21] =	ssyncadd.s32 $0xFFFFEC00;
	s4 =	sadd.s32 s5, s15;
	s5 =	smul.u32 $0xCD, s16  }
0xfd: {  	s3 =	smul.u32 @!p2 $0xD80, s3;
	s15 =	simm.s32 $0xB400;
	s4 =	sshll.u32 s4, $0x4  }
0xfe: {  	[tilespmem:s15], [sflag:$0x6] =	stream.indirect.gather [hbm4b:s25+s6], $0x80, s13, s6, $0xb8;
	[tilespmem:$0xF800] =	vst v63  }
0xff: {  	s7 =	sadd.s32 @!p1 s20, s7;
	s15 =	simm.s32 $0xC800;
	s5 =	sshrl.u32 s5, $0xA  }
0x100: {  	s21 =	sadd.s32 s20, s4;
	s4 =	simm.s32 @!p1 $0x0;
	s17 =	smul.u32 $0x5, s5  }
0x101: {  	[hbm4b:s7+s4] =	stream.linear.scatter @!p1 [tilespmem:s10], [sflag:$0x11], $0x800, $0x38;
	[tilespmem:$0xF800] =	vst v63  }
0x102: {  	s8 =	sadd.s32 @!p2 s20, s3;
	s16 =	ssub.s32 s24, s17;
	s17 =	simm.s32 $0xF  }
0x103: {  	s3 =	sadd.s32 s20, s1;
	s5 =	sadd.s32 s5, s30;
	_ =	swait.ge [sflag:s17], $0x1400  }
0x104: {  	s24 =	smul.u32 $0x28, s16;
	s12 =	sand.u32 $0xFF, s16;
	s16 =	simm.s32 $0xC800  }
0x105: {  	[sflag:s17] =	ssyncset.done $0x0;
	p1 =	sne.s32 s12, $0x0;
	s13 =	rddreg [dreg:$0x6]  }
0x106: {  	s12 =	sshll.u32 s0, $0x4;
	s0 =	smul.u32 $0xD8, s5;
	[sflag:s17] =	ssyncadd.s32 $0xFFFFEC00  }
0x107: {  	[tilespmem:s16], [sflag:$0x7] =	stream.indirect.gather [hbm4b:s25+s6], $0x80, s13, s6, $0xb8;
	[tilespmem:$0xF800] =	vst v63  }
0x108: {  	s4 =	simm.s32 @!p2 $0xF000;
	s7 =	simm.s32 @!p2 $0x0;
	s10 =	smul.u32 @!p1 $0xD80, s5  }
0x109: {  	[hbm4b:s8+s7] =	stream.linear.scatter @!p2 [tilespmem:s4], [sflag:$0x11], $0x800, $0x38;
	[tilespmem:$0xF800] =	vst v63  }
.Ltmp0:
0x10a: {  	s17 =	simm.s32 $0x10;
	s11 =	simm.s32 @!p1 $0x0;
	(pc) =	sbr.rel @p0 .LBB2_2-.Ltmp0, $4  }
0x10b: {  	s13 =	simm.s32 @!p1 $0xF000;
	s10 =	sadd.s32 @!p1 s20, s10;
	_ =	swait.ge [sflag:s17], $0x1400  }
0x10c: {  	s7 =	sand.u32 $0xF8, s24;
	s8 =	simm.s32 $0xDC00;
	[sflag:s17] =	ssyncset.done $0x0  }
0x10d: {  	s24 =	simm.s32 $0xDC00;
	s20 =	rddreg [dreg:$0x5];
	[sflag:s17] =	ssyncadd.s32 $0xFFFFEC00  }
0x10e: {  	[tilespmem:s24], [sflag:$0x8] =	stream.indirect.gather [hbm4b:s25+s6], $0x80, s20, s6, $0xb8;
	[tilespmem:$0xF800] =	vst v63  }
0x10f: {  	[hbm4b:s10+s11] =	stream.linear.scatter @!p1 [tilespmem:s13], [sflag:$0x11], $0x800, $0x38;
	[tilespmem:$0xF800] =	vst v63  }
0x110: {  	s1 =	simm.s32 $0x1  }
0x111: {  	_ =	swait.ge [sflag:s1], $0x1400  }
0x112: {  	s20 =	sadd.s32 $0x100, s9;
	s5 =	simm.s32 $0x0;
	[sflag:s1] =	ssyncset.done $0x0  }
0x113: {  	s4 =	simm.s32 $0x5000;
	s22 =	simm.s32 $0x2;
	[sflag:s1] =	ssyncadd.s32 $0xFFFFEC00  }
0x114: {  	[hbm4b:s20+s5] =	stream.linear.scatter [tilespmem:s4], [sflag:$0x9], $0x1400, $0x38;
	[tilespmem:$0xF800] =	vst v63  }
0x115: {  	_ =	swait.ge [sflag:s22], $0x1400  }
0x116: {  	s24 =	rddreg [dreg:$0x3]  }
0x117: {  	[sflag:s22] =	ssyncset.done $0x0;
	s25 =	sadd.s32 s24, s12  }
0x118: {  	[sflag:s22] =	ssyncadd.s32 $0xFFFFEC00;
	s1 =	sadd.s32 $0x100, s25  }
0x119: {  	[hbm4b:s1+s5] =	stream.linear.scatter [tilespmem:s26], [sflag:$0xA], $0x1400, $0x38;
	[tilespmem:$0xF800] =	vst v63  }
0x11a: {  	s1 =	simm.s32 $0x3  }
0x11b: {  	_ =	swait.ge [sflag:s1], $0x1400  }
0x11c: {  	[sflag:s1] =	ssyncset.done $0x0  }
0x11d: {  	s2 =	sadd.s32 $0x100, s2;
	s6 =	simm.s32 $0x4;
	[sflag:s1] =	ssyncadd.s32 $0xFFFFEC00  }
0x11e: {  	[hbm4b:s2+s5] =	stream.linear.scatter [tilespmem:s29], [sflag:$0xB], $0x1400, $0x38;
	[tilespmem:$0xF800] =	vst v63  }
0x11f: {  	_ =	swait.ge [sflag:s6], $0x1400  }
0x120: {  	s9 =	sadd.s32 s24, s23;
	[sflag:s6] =	ssyncset.done $0x0  }
0x121: {  	s10 =	simm.s32 $0x5;
	s1 =	sadd.s32 $0x100, s9;
	[sflag:s6] =	ssyncadd.s32 $0xFFFFEC00  }
0x122: {  	[hbm4b:s1+s5] =	stream.linear.scatter [tilespmem:s31], [sflag:$0xC], $0x1400, $0x38;
	[tilespmem:$0xF800] =	vst v63  }
0x123: {  	_ =	swait.ge [sflag:s10], $0x1400  }
0x124: {  	[sflag:s10] =	ssyncset.done $0x0  }
0x125: {  	s11 =	sadd.s32 $0x100, s28;
	s12 =	simm.s32 $0x6;
	[sflag:s10] =	ssyncadd.s32 $0xFFFFEC00  }
0x126: {  	[hbm4b:s11+s5] =	stream.linear.scatter [tilespmem:s18], [sflag:$0xD], $0x1400, $0x38;
	[tilespmem:$0xF800] =	vst v63  }
0x127: {  	_ =	swait.ge [sflag:s12], $0x1400  }
0x128: {  	[sflag:s12] =	ssyncset.done $0x0  }
0x129: {  	s13 =	sadd.s32 $0x100, s3;
	s16 =	simm.s32 $0x7;
	[sflag:s12] =	ssyncadd.s32 $0xFFFFEC00  }
0x12a: {  	[hbm4b:s13+s5] =	stream.linear.scatter [tilespmem:s14], [sflag:$0xE], $0x1400, $0x38;
	[tilespmem:$0xF800] =	vst v63  }
0x12b: {  	_ =	swait.ge [sflag:s16], $0x1400  }
0x12c: {  	s0 =	sadd.s32 s0, s7;
	[sflag:s16] =	ssyncset.done $0x0  }
0x12d: {  	s17 =	sadd.s32 $0x100, s21;
	s18 =	simm.s32 $0x8;
	[sflag:s16] =	ssyncadd.s32 $0xFFFFEC00  }
0x12e: {  	[hbm4b:s17+s5] =	stream.linear.scatter [tilespmem:s15], [sflag:$0xF], $0x1400, $0x38;
	[tilespmem:$0xF800] =	vst v63  }
0x12f: {  	s0 =	sshll.u32 s0, $0x4;
	_ =	swait.ge [sflag:s18], $0x1400  }
0x130: {  	s0 =	sadd.s32 s24, s0;
	[sflag:s18] =	ssyncset.done $0x0  }
0x131: {  	s19 =	simm.s32 $0x9;
	s0 =	sadd.s32 $0x100, s0;
	[sflag:s18] =	ssyncadd.s32 $0xFFFFEC00  }
0x132: {  	[hbm4b:s0+s5] =	stream.linear.scatter [tilespmem:s8], [sflag:$0x10], $0x1400, $0x38;
	[tilespmem:$0xF800] =	vst v63  }
0x133: {  	_ =	swait.ge [sflag:s19], $0x1400  }
0x134: {  	[sflag:s19] =	ssyncset.done $0x0  }
0x135: {  	s20 =	simm.s32 $0xA;
	[sflag:s19] =	ssyncadd.s32 $0xFFFFEC00  }
0x136: {  	_ =	swait.ge [sflag:s20], $0x1400  }
0x137: {  	[sflag:s20] =	ssyncset.done $0x0  }
0x138: {  	s21 =	simm.s32 $0xB;
	[sflag:s20] =	ssyncadd.s32 $0xFFFFEC00  }
0x139: {  	_ =	swait.ge [sflag:s21], $0x1400  }
0x13a: {  	[sflag:s21] =	ssyncset.done $0x0  }
0x13b: {  	s22 =	simm.s32 $0xC;
	[sflag:s21] =	ssyncadd.s32 $0xFFFFEC00  }
0x13c: {  	_ =	swait.ge [sflag:s22], $0x1400  }
0x13d: {  	[sflag:s22] =	ssyncset.done $0x0  }
0x13e: {  	s23 =	simm.s32 $0xD;
	[sflag:s22] =	ssyncadd.s32 $0xFFFFEC00  }
0x13f: {  	_ =	swait.ge [sflag:s23], $0x1400  }
0x140: {  	[sflag:s23] =	ssyncset.done $0x0  }
0x141: {  	s24 =	simm.s32 $0xE;
	[sflag:s23] =	ssyncadd.s32 $0xFFFFEC00  }
0x142: {  	_ =	swait.ge [sflag:s24], $0x1400  }
0x143: {  	[sflag:s24] =	ssyncset.done $0x0  }
0x144: {  	s25 =	simm.s32 $0xF;
	[sflag:s24] =	ssyncadd.s32 $0xFFFFEC00  }
0x145: {  	_ =	swait.ge [sflag:s25], $0x1400  }
0x146: {  	[sflag:s25] =	ssyncset.done $0x0  }
0x147: {  	s26 =	simm.s32 $0x10;
	[sflag:s25] =	ssyncadd.s32 $0xFFFFEC00  }
0x148: {  	_ =	swait.ge [sflag:s26], $0x1400  }
0x149: {  	[sflag:s26] =	ssyncset.done $0x0  }
0x14a: {  	s28 =	simm.s32 $0x11;
	[sflag:s26] =	ssyncadd.s32 $0xFFFFEC00  }
0x14b: {  	_ =	swait.ge [sflag:s28], $0x800  }
0x14c: {  	[sflag:s28] =	ssyncset.done $0x0  }
0x14d: {  	[sflag:s28] =	ssyncadd.s32 $0xFFFFF800  }
0x14e: {  	_ =	swait.ge [sflag:s28], $0x800  }
0x14f: {  	[sflag:s28] =	ssyncset.done $0x0  }
0x150: {  	[sflag:s28] =	ssyncadd.s32 $0xFFFFF800  }
0x151: {  	_ =	swait.ge [sflag:s28], $0x800  }
0x152: {  	[sflag:s28] =	ssyncset.done $0x0  }
0x153: {  	[sflag:s28] =	ssyncadd.s32 $0xFFFFF800  }
0x154: {  	_ =	swait.ge [sflag:s28], $0x800  }
0x155: {  	[sflag:s28] =	ssyncset.done $0x0  }
0x156: {  	[sflag:s28] =	ssyncadd.s32 $0xFFFFF800  }
0x157: {  	_ =	swait.ge [sflag:s28], $0x800  }
0x158: {  	[sflag:s28] =	ssyncset.done $0x0  }
0x159: {  	[sflag:s28] =	ssyncadd.s32 $0xFFFFF800  }
0x15a: {  	_ =	swait.ge [sflag:s28], $0x800  }
0x15b: {  	[sflag:s28] =	ssyncset.done $0x0  }
0x15c: {  	[sflag:s28] =	ssyncadd.s32 $0xFFFFF800  }
0x15d: {  	_ =	swait.ge [sflag:s28], $0x800  }
0x15e: {  	[sflag:s28] =	ssyncset.done $0x0  }
0x15f: {  	[sflag:s28] =	ssyncadd.s32 $0xFFFFF800  }
0x160: {  	_ =	swait.ge [sflag:s28], $0x800  }
0x161: {  	[sflag:s28] =	ssyncset.done $0x0  }
0x162: {  	[sflag:s28] =	ssyncadd.s32 $0xFFFFF800  }
0x163: {  	_ =	swait.ge [sflag:s28], $0x800  }
0x164: {  	[sflag:s28] =	ssyncset.done $0x0  }
0x165: {  	[sflag:s28] =	ssyncadd.s32 $0xFFFFF800  }
0x166: {  	_ =	swait.ge [sflag:s28], $0x800  }
0x167: {  	[sflag:s28] =	ssyncset.done $0x0  }
0x168: {  	[sflag:s28] =	ssyncadd.s32 $0xFFFFF800  }
0x169: {  	_ =	swait.ge [sflag:s28], $0x800  }
0x16a: {  	[sflag:s28] =	ssyncset.done $0x0  }
0x16b: {  	[sflag:s28] =	ssyncadd.s32 $0xFFFFF800  }
0x16c: {  	_ =	swait.ge [sflag:s28], $0x800  }
0x16d: {  	[sflag:s28] =	ssyncset.done $0x0  }
0x16e: {  	[sflag:s28] =	ssyncadd.s32 $0xFFFFF800  }
0x16f: {  	_ =	swait.ge [sflag:s28], $0x800  }
0x170: {  	[sflag:s28] =	ssyncset.done $0x0  }
0x171: {  	[sflag:s28] =	ssyncadd.s32 $0xFFFFF800  }
0x172: {  	_ =	swait.ge [sflag:s28], $0x800  }
0x173: {  	[sflag:s28] =	ssyncset.done $0x0  }
0x174: {  	[sflag:s28] =	ssyncadd.s32 $0xFFFFF800  }
0x175: {  	_ =	swait.ge [sflag:s28], $0x800  }
0x176: {  	[sflag:s28] =	ssyncset.done $0x0  }
0x177: {  	[sflag:s28] =	ssyncadd.s32 $0xFFFFF800  }
0x178: {  	_ =	swait.ge [sflag:s28], $0x800  }
0x179: {  	[sflag:s28] =	ssyncset.done $0x0  }
0x17a: {  	[sflag:s28] =	ssyncadd.s32 $0xFFFFF800  }
0x17b: {  	_ =	swait.ge [sflag:s28], $0x800  }
0x17c: {  	[sflag:s28] =	ssyncset.done $0x0  }
0x17d: {  	[sflag:s28] =	ssyncadd.s32 $0xFFFFF800  }
0x17e: {  	_ =	swait.ge [sflag:s28], $0x800  }
0x17f: {  	[sflag:s28] =	ssyncset.done $0x0  }
0x180: {  	[sflag:s28] =	ssyncadd.s32 $0xFFFFF800  }
0x181: {  	_ =	swait.ge [sflag:s28], $0x800  }
0x182: {  	[sflag:s28] =	ssyncset.done $0x0  }
0x183: {  	[sflag:s28] =	ssyncadd.s32 $0xFFFFF800  }
0x184: {  	_ =	swait.ge [sflag:s28], $0x800  }
0x185: {  	[sflag:s28] =	ssyncset.done $0x0  }
0x186: {  	[sflag:s28] =	ssyncadd.s32 $0xFFFFF800  }
0x187: {  	_ =	swait.ge [sflag:s28], $0x800  }
0x188: {  	[sflag:s28] =	ssyncset.done $0x0  }
0x189: {  	[sflag:s28] =	ssyncadd.s32 $0xFFFFF800  }
0x18a: {  	_ =	swait.ge [sflag:s28], $0x800  }
0x18b: {  	[sflag:s28] =	ssyncset.done $0x0  }
0x18c: {  	[sflag:s28] =	ssyncadd.s32 $0xFFFFF800  }
0x18d: {  	_ =	swait.ge [sflag:s28], $0x800  }
0x18e: {  	[sflag:s28] =	ssyncset.done $0x0  }
0x18f: {  	[sflag:s28] =	ssyncadd.s32 $0xFFFFF800  }
0x190: {  	_ =	swait.ge [sflag:s28], $0x800  }
0x191: {  	[sflag:s28] =	ssyncset.done $0x0  }
0x192: {  	[sflag:s28] =	ssyncadd.s32 $0xFFFFF800  }
0x193: {  	_ =	swait.ge [sflag:s28], $0x800  }
0x194: {  	[sflag:s28] =	ssyncset.done $0x0  }
0x195: {  	[sflag:s28] =	ssyncadd.s32 $0xFFFFF800  }
0x196: {  	_ =	swait.ge [sflag:s28], $0x800  }
0x197: {  	[sflag:s28] =	ssyncset.done $0x0  }
0x198: {  	[sflag:s28] =	ssyncadd.s32 $0xFFFFF800  }
0x199: {  	_ =	swait.ge [sflag:s28], $0x800  }
0x19a: {  	[sflag:s28] =	ssyncset.done $0x0  }
0x19b: {  	[sflag:s28] =	ssyncadd.s32 $0xFFFFF800  }
0x19c: {  	_ =	swait.ge [sflag:s28], $0x800  }
0x19d: {  	[sflag:s28] =	ssyncset.done $0x0  }
0x19e: {  	[sflag:s28] =	ssyncadd.s32 $0xFFFFF800  }
0x19f: {  	_ =	swait.ge [sflag:s28], $0x800  }
0x1a0: {  	[sflag:s28] =	ssyncset.done $0x0  }
0x1a1: {  	[sflag:s28] =	ssyncadd.s32 $0xFFFFF800  }
0x1a2: {  	_ =	swait.ge [sflag:s28], $0x800  }
0x1a3: {  	[sflag:s28] =	ssyncset.done $0x0  }
0x1a4: {  	[sflag:s28] =	ssyncadd.s32 $0xFFFFF800  }
0x1a5: {  	_ =	swait.ge [sflag:s28], $0x800  }
0x1a6: {  	[sflag:s28] =	ssyncset.done $0x0  }
0x1a7: {  	[sflag:s28] =	ssyncadd.s32 $0xFFFFF800  }
0x1a8: {  	_ =	swait.ge [sflag:s28], $0x800  }
0x1a9: {  	s29 =	rddreg [dreg:$0x19]  }
0x1aa: {  	s31 =	rddreg [dreg:$0x18];
	s2 =	sadd.s32 $0x1, s29  }
0x1ab: {  	p0 =	sne.s32 s2, s31  }
.Ltmp1:
0x1ac: {  	_ = 	snop;
	(pc) =	sbr.rel @p0 .LBB2_1-.Ltmp1, $4  }
0x1ad: {  	_ = 	snop  }
0x1ae: {  	[sflag:s28] =	ssyncset.done $0x0  }
0x1af: {  	[sflag:s28] =	ssyncadd.s32 $0xFFFFF800  }
0x1b0: {  	s5 =	simm.s32 $0x28;
	s4 =	rddreg [dreg:$0x1]  }
0x1b1: {  	_ =	sfence.sel $0x180000  }
0x1b2: {  	[bflag:$0x0] =	sbarrier.arrive $0xFFFF  }
0x1b3: {  	_ =	strace $0x90000047  }
0x1b4: {  	s0 =	stileid.u32;
	[bflag:$0x2] =	sbarrier.arrive $0xFFFF  }
0x1b5: {  	p0 =	sne.s32 s0, $0x0;
	s0 =	rddreg [dreg:$0x4]  }
0x1b6: {  	s0 =	sadd.s32 @!p0 $0x100000, s0  }
0x1b7: {  	[sflag:s0] =	ssyncadd.tile.s32 @!p0 $0x1;
	_ =	shalt  }
.Lfunc_end2:
_tile_overlayer_lowered:
.L_overlay_start_2:
0x1b8: {  	(tag) =	ssettag $0x2  }
0x1b9: {  	s0 =	rddreg [dreg:$0x0];
	s2 =	stileid.u32  }
0x1ba: {  	s1 =	rddreg [dreg:$0x1];
	p0 =	sne.s32 s2, $0x0  }
0x1bb: {  	s3 =	rddreg [dreg:$0x2];
	[bflag:$0x3] =	sbarrier.arrive $0xFFFF;
	s2 =	simm.s32 @!p0 $0x1C12  }
0x1bc: {  	[timem:s3], [sflag:s2] =	dma.local @!p0 [hbm:s0], s1  }
0x1bd: {  	s0 =	simm.s32 @!p0 $0x12  }
0x1be: {  	_ =	swait.ge @!p0 [sflag:s0], s1  }
0x1bf: {  	s1 =	ssub.s32 @!p0 $0x0, s1;
	[sflag:s0] =	ssyncset.done @!p0 $0x0  }
0x1c0: {  	[sflag:s0] =	ssyncadd.s32 @!p0 s1  }
0x1c1: {  	[bflag:$0x3] =	sbarrier.arrive $0xFFFF  }
0x1c2: {  	_ =	shalt  }

</sc_bundles>
